<compile_context>
chip_gen: v7x
topology: tpu7x:2x2x1
jax: 0.10.2.dev20260603
libtpu: 0.0.44.dev20260713+nightly
codegen_flags: <defaults>
</compile_context>

<pallas_src>
import functools

import jax
import jax.numpy as jnp
from jax import lax
from jax.experimental import pallas as pl
from jax.experimental.pallas import tpu as pltpu
from jax.experimental.pallas import tpu_sc as plsc

N = 10000
D = 512
K = 2500
KNN = 16
EPS = 1e-8

NP = 10112
NS = 10240
KP = 2560
EP = KP * KNN
BIG = 3e15


def _k1_score(hn, w_score):
    def body(h_ref, w_ref, o_ref):
        o_ref[...] = jnp.dot(h_ref[...], w_ref[...],
                             preferred_element_type=jnp.float32)

    f = pl.pallas_call(
        body, grid=(40,),
        in_specs=[pl.BlockSpec((256, D), lambda i: (i, 0)),
                  pl.BlockSpec((D, 1), lambda i: (0, 0))],
        out_specs=pl.BlockSpec((256, 1), lambda i: (i, 0)),
        out_shape=jax.ShapeDtypeStruct((N, 1), jnp.float32))
    return f(hn, w_score)


def _k2_rank(s_col, s_row):
    def body(sc_ref, sr_ref, o_ref):
        i = pl.program_id(0)
        si = sc_ref[...]
        i_glob = i * 128 + lax.broadcasted_iota(jnp.int32, (128, 1), 0)
        sj = sr_ref[...]
        j_glob = lax.broadcasted_iota(jnp.int32, (1, NP), 1)
        beats = (sj > si) | ((sj == si) & (j_glob < i_glob))
        o_ref[...] = jnp.sum(beats.astype(jnp.int32), axis=1, keepdims=True)

    f = pl.pallas_call(
        body, grid=(NP // 128,),
        in_specs=[pl.BlockSpec((128, 1), lambda i: (i, 0)),
                  pl.BlockSpec((1, NP), lambda i: (0, 0))],
        out_specs=pl.BlockSpec((128, 1), lambda i: (i, 0)),
        out_shape=jax.ShapeDtypeStruct((NP, 1), jnp.int32))
    return f(s_col, s_row)


def _k3_scatter(rank3, ivals3):
    mesh = plsc.VectorSubcoreMesh(core_axis_name="c", subcore_axis_name="s")
    nc = mesh.num_cores

    @functools.partial(
        pl.kernel, mesh=mesh,
        out_type=jax.ShapeDtypeStruct((NS,), jnp.int32),
        scratch_types=[pltpu.VMEM((4, 80), jnp.int32),
                       pltpu.VMEM((4, 80), jnp.int32),
                       pltpu.SemaphoreType.DMA],
    )
    def k(rank_hbm, ival_hbm, out_hbm, rk_v, iv_v, sem):
        wid = lax.axis_index("s") * nc + lax.axis_index("c")
        pltpu.sync_copy(rank_hbm.at[wid], rk_v)
        pltpu.sync_copy(ival_hbm.at[wid], iv_v)
        handles = []
        for j in range(4):
            handles.append(
                pltpu.async_copy(iv_v.at[j], out_hbm.at[rk_v.at[j]], sem))
        for h in handles:
            h.wait()

    return k(rank3, ivals3)


def _k4_gather(idx_full, hn, px, py, pz, batch, s1):
    mesh = plsc.VectorSubcoreMesh(core_axis_name="c", subcore_axis_name="s")
    nc = mesh.num_cores

    @functools.partial(
        pl.kernel, mesh=mesh,
        out_type=[jax.ShapeDtypeStruct((KP, D), jnp.float32),
                  jax.ShapeDtypeStruct((KP,), jnp.float32),
                  jax.ShapeDtypeStruct((KP,), jnp.float32),
                  jax.ShapeDtypeStruct((KP,), jnp.float32),
                  jax.ShapeDtypeStruct((KP,), jnp.int32),
                  jax.ShapeDtypeStruct((KP,), jnp.float32)],
        scratch_types=[pltpu.VMEM((80,), jnp.int32),
                       pltpu.VMEM((80, D), jnp.float32),
                       pltpu.VMEM((80,), jnp.float32),
                       pltpu.VMEM((80,), jnp.float32),
                       pltpu.VMEM((80,), jnp.float32),
                       pltpu.VMEM((80,), jnp.int32),
                       pltpu.VMEM((80,), jnp.float32),
                       pltpu.SemaphoreType.DMA],
    )
    def k(idx_hbm, hn_hbm, px_hbm, py_hbm, pz_hbm, b_hbm, s_hbm,
          ghn_o, px_o, py_o, pz_o, b_o, s_o,
          idx_v, rows_v, pxv, pyv, pzv, bv, sv, sem):
        wid = lax.axis_index("s") * nc + lax.axis_index("c")
        base = wid * 80
        pltpu.sync_copy(idx_hbm.at[pl.ds(base, 80)], idx_v)
        hs = [pltpu.async_copy(hn_hbm.at[idx_v], rows_v, sem),
              pltpu.async_copy(px_hbm.at[idx_v], pxv, sem),
              pltpu.async_copy(py_hbm.at[idx_v], pyv, sem),
              pltpu.async_copy(pz_hbm.at[idx_v], pzv, sem),
              pltpu.async_copy(b_hbm.at[idx_v], bv, sem),
              pltpu.async_copy(s_hbm.at[idx_v], sv, sem)]
        for h in hs:
            h.wait()
        pltpu.sync_copy(rows_v, ghn_o.at[pl.ds(base, 80)])
        pltpu.sync_copy(pxv, px_o.at[pl.ds(base, 80)])
        pltpu.sync_copy(pyv, py_o.at[pl.ds(base, 80)])
        pltpu.sync_copy(pzv, pz_o.at[pl.ds(base, 80)])
        pltpu.sync_copy(bv, b_o.at[pl.ds(base, 80)])
        pltpu.sync_copy(sv, s_o.at[pl.ds(base, 80)])

    return k(idx_full, hn, px, py, pz, batch, s1)


def _k5_knn(ghn, ssc_col, px_col, py_col, pz_col, px_row, py_row, pz_row):
    def body(g_ref, s_ref, pxc, pyc, pzc, pxr, pyr, pzr,
             subhn_ref, nbr_ref):
        i = pl.program_id(0)
        i_glob = i * 128 + lax.broadcasted_iota(jnp.int32, (128, 1), 0)
        j_glob = lax.broadcasted_iota(jnp.int32, (1, KP), 1)
        dx = pxc[...] - pxr[...]
        dy = pyc[...] - pyr[...]
        dz = pzc[...] - pzr[...]
        d2 = dx * dx + dy * dy + dz * dz
        d2 = jnp.where(j_glob == i_glob, 1e9, d2)
        d2 = jnp.where(j_glob >= K, BIG, d2)
        for t in range(KNN):
            m = jnp.min(d2, axis=1, keepdims=True)
            jsel = jnp.min(jnp.where(d2 == m, j_glob, jnp.int32(2 ** 30)),
                           axis=1, keepdims=True)
            nbr_ref[:, t:t + 1] = jsel
            d2 = jnp.where(j_glob == jsel, BIG, d2)
        gate = 1.0 / (1.0 + jnp.exp(-s_ref[...]))
        subhn_ref[...] = g_ref[...] * gate

    f = pl.pallas_call(
        body, grid=(KP // 128,),
        in_specs=[pl.BlockSpec((128, D), lambda i: (i, 0)),
                  pl.BlockSpec((128, 1), lambda i: (i, 0)),
                  pl.BlockSpec((128, 1), lambda i: (i, 0)),
                  pl.BlockSpec((128, 1), lambda i: (i, 0)),
                  pl.BlockSpec((128, 1), lambda i: (i, 0)),
                  pl.BlockSpec((1, KP), lambda i: (0, 0)),
                  pl.BlockSpec((1, KP), lambda i: (0, 0)),
                  pl.BlockSpec((1, KP), lambda i: (0, 0))],
        out_specs=[pl.BlockSpec((128, D), lambda i: (i, 0)),
                   pl.BlockSpec((128, KNN), lambda i: (i, 0))],
        out_shape=[jax.ShapeDtypeStruct((K, D), jnp.float32),
                   jax.ShapeDtypeStruct((KP, KNN), jnp.int32)])
    return f(ghn, ssc_col, px_col, py_col, pz_col, px_row, py_row, pz_row)


def _k5b_coords(nbr3, spx, spy, spz):
    mesh = plsc.VectorSubcoreMesh(core_axis_name="c", subcore_axis_name="s")
    nc = mesh.num_cores

    @functools.partial(
        pl.kernel, mesh=mesh,
        out_type=[jax.ShapeDtypeStruct((32, 10, 128), jnp.float32),
                  jax.ShapeDtypeStruct((32, 10, 128), jnp.float32),
                  jax.ShapeDtypeStruct((32, 10, 128), jnp.float32)],
        scratch_types=[pltpu.VMEM((10, 128), jnp.int32),
                       pltpu.VMEM((10, 128), jnp.float32),
                       pltpu.VMEM((10, 128), jnp.float32),
                       pltpu.VMEM((10, 128), jnp.float32),
                       pltpu.SemaphoreType.DMA],
    )
    def k(nbr_hbm, px_hbm, py_hbm, pz_hbm, nx_o, ny_o, nz_o,
          idx_v, xv, yv, zv, sem):
        wid = lax.axis_index("s") * nc + lax.axis_index("c")
        pltpu.sync_copy(nbr_hbm.at[wid], idx_v)
        hs = []
        for c in range(10):
            hs.append(pltpu.async_copy(px_hbm.at[idx_v.at[c]], xv.at[c], sem))
            hs.append(pltpu.async_copy(py_hbm.at[idx_v.at[c]], yv.at[c], sem))
            hs.append(pltpu.async_copy(pz_hbm.at[idx_v.at[c]], zv.at[c], sem))
        for h in hs:
            h.wait()
        pltpu.sync_copy(xv, nx_o.at[wid])
        pltpu.sync_copy(yv, ny_o.at[wid])
        pltpu.sync_copy(zv, nz_o.at[wid])

    return k(nbr3, spx, spy, spz)


def _k6_edges(nx, ny, nz, sx, sy, sz, W1p, b1, W2, b2):
    def body(nx_ref, ny_ref, nz_ref, sx_ref, sy_ref, sz_ref,
             w1_ref, b1_ref, w2_ref, b2_ref, o_ref):
        dx = nx_ref[...] - sx_ref[...]
        dy = ny_ref[...] - sy_ref[...]
        dz = nz_ref[...] - sz_ref[...]
        norm = jnp.sqrt(dx * dx + dy * dy + dz * dz + EPS)
        x = dx / norm
        y = dy / norm
        z = dz / norm
        zero = jnp.zeros_like(x)
        fe = jnp.concatenate(
            [jnp.ones_like(x), x, y, z,
             x * y, y * z, 3.0 * z * z - 1.0, x * z, x * x - y * y,
             zero, zero, zero, zero, zero, zero, zero], axis=1)
        h1 = jnp.dot(fe, w1_ref[...], preferred_element_type=jnp.float32)
        h1 = jnp.maximum(h1 + b1_ref[...], 0.0)
        he = jnp.dot(h1, w2_ref[...], preferred_element_type=jnp.float32)
        o_ref[...] = he + b2_ref[...]

    f = pl.pallas_call(
        body, grid=(40,),
        in_specs=[pl.BlockSpec((1024, 1), lambda i: (i, 0))] * 6 +
                 [pl.BlockSpec((16, D), lambda i: (0, 0)),
                  pl.BlockSpec((1, D), lambda i: (0, 0)),
                  pl.BlockSpec((D, D), lambda i: (0, 0)),
                  pl.BlockSpec((1, D), lambda i: (0, 0))],
        out_specs=pl.BlockSpec((1024, D), lambda i: (i, 0)),
        out_shape=jax.ShapeDtypeStruct((K * KNN, D), jnp.float32))
    return f(nx, ny, nz, sx, sy, sz, W1p, b1, W2, b2)


def kernel(hn, pos, batch, w_score, W1, b1, W2, b2):
    score = _k1_score(hn, w_score)
    s1 = score.reshape(N)
    spad = jnp.concatenate(
        [s1, jnp.full((NP - N,), -jnp.inf, dtype=jnp.float32)])
    rank = _k2_rank(spad.reshape(NP, 1), spad.reshape(1, NP))
    rank_full = jnp.concatenate(
        [rank[:N, 0], N + jnp.arange(NS - N, dtype=jnp.int32)])
    ivals = jnp.arange(NS, dtype=jnp.int32)
    idx_by_rank = _k3_scatter(rank_full.reshape(32, 4, 80),
                              ivals.reshape(32, 4, 80))
    posT = pos.T
    ghn, spx, spy, spz, sbatch, ssc = _k4_gather(
        idx_by_rank, hn, posT[0], posT[1], posT[2], batch, s1)

    sub_hn, nbr = _k5_knn(
        ghn, ssc.reshape(KP, 1),
        spx.reshape(KP, 1), spy.reshape(KP, 1), spz.reshape(KP, 1),
        spx.reshape(1, KP), spy.reshape(1, KP), spz.reshape(1, KP))

    nxg, nyg, nzg = _k5b_coords(nbr.reshape(32, 10, 128), spx, spy, spz)

    W1p = jnp.pad(W1, ((0, 16 - W1.shape[0]), (0, 0)))
    he = _k6_edges(
        nxg.reshape(EP, 1), nyg.reshape(EP, 1), nzg.reshape(EP, 1),
        jnp.broadcast_to(spx[:, None], (KP, KNN)).reshape(EP, 1),
        jnp.broadcast_to(spy[:, None], (KP, KNN)).reshape(EP, 1),
        jnp.broadcast_to(spz[:, None], (KP, KNN)).reshape(EP, 1),
        W1p, b1.reshape(1, D), W2, b2.reshape(1, D))

    sub_pos = jnp.stack([spx[:K], spy[:K], spz[:K]], axis=1)
    sub_batch = sbatch[:K]
    return sub_hn, sub_pos, sub_batch, he

# --- scband reference (transcript-rebuilt; emitter-appended) ---
"""Pipeline reference for scband-graph-pool-29901562314951 (READ-ONLY COPY).

The authoritative reference and input builder live on the scoring server;
editing this copy changes nothing except your own understanding.
"""

import jax, jax.numpy as jnp
import numpy as np

N = 10000
D = 512
CF = 4
KNN = 16
EPS = 1e-8


def _sph_harm_l2(u):
    # real spherical harmonics up to lmax=2 (unnormalized, 9 components)
    x, y, z = u[:, 0], u[:, 1], u[:, 2]
    return jnp.stack([
        jnp.ones_like(x),          # l=0
        x, y, z,                   # l=1
        x * y, y * z, 3.0 * z * z - 1.0, x * z, x * x - y * y,  # l=2
    ], axis=-1)


def setup_inputs(seed: int = 0) -> dict:
    key = jax.random.key(seed)
    ks = jax.random.split(key, 8)
    hn = jax.random.normal(ks[0], (N, D), dtype=jnp.float32)
    pos = jax.random.normal(ks[1], (N, 3), dtype=jnp.float32) * 3.0
    batch = jnp.zeros((N,), dtype=jnp.int32)
    # scorer: irreps_latent -> '0e' scalar
    w_score = (jax.random.normal(ks[2], (D, 1), dtype=jnp.float32) / np.sqrt(D)).astype(jnp.float32)
    # edge_enc LinNet: irreps_fe (9) -> irreps_latent -> irreps_latent
    W1 = (jax.random.normal(ks[3], (9, D), dtype=jnp.float32) / 3.0).astype(jnp.float32)
    b1 = jnp.zeros((D,), dtype=jnp.float32)
    W2 = (jax.random.normal(ks[4], (D, D), dtype=jnp.float32) / np.sqrt(D)).astype(jnp.float32)
    b2 = jnp.zeros((D,), dtype=jnp.float32)
    return {"hn": hn, "pos": pos, "batch": batch, "w_score": w_score,
            "W1": W1, "b1": b1, "W2": W2, "b2": b2}


def reference(hn, pos, batch, w_score, W1, b1, W2, b2):
    n_nodes = hn.shape[0]
    k_nodes = n_nodes // CF
    # topk scorer
    score = hn @ w_score                      # [N, 1]
    _, idx = jax.lax.top_k(score[:, 0], k_nodes)
    gate = jax.nn.sigmoid(score[idx])         # [k, 1]
    sub_hn = hn[idx] * gate                   # gated pooled features
    sub_pos = pos[idx]
    sub_batch = batch[idx]
    # resample_edges(r): kNN graph on pooled positions (fixed-degree radius-graph surrogate)
    diff = sub_pos[:, None, :] - sub_pos[None, :, :]
    d2 = jnp.sum(diff * diff, axis=-1)        # [k, k]
    d2 = d2 + jnp.eye(k_nodes, dtype=d2.dtype) * 1e9
    _, nbr = jax.lax.top_k(-d2, KNN)          # [k, KNN]
    src = jnp.repeat(jnp.arange(k_nodes), KNN)
    dst = nbr.reshape(-1)
    vec = sub_pos[dst] - sub_pos[src]         # [E, 3]
    norm = jnp.sqrt(jnp.sum(vec * vec, axis=-1, keepdims=True) + EPS)
    u = vec / norm
    fe = _sph_harm_l2(u)                      # [E, 9] edge spherical-harmonic features
    he = jax.nn.relu(fe @ W1 + b1) @ W2 + b2  # edge encoder (LinNet)
    return sub_hn, sub_pos, sub_batch, he

if __name__ == "__main__":
    import jax
    _d = setup_inputs()
    print(jax.jit(kernel)(*tuple(_d.values())))

</pallas_src>

<mosaic_0001>
#map = affine_map<(d0, d1) -> (0)>
#map1 = affine_map<(d0, d1) -> (0, 0)>
module attributes {stable_mosaic.version = 14 : i64} {
  func.func @k(%arg0: i32, %arg1: i32, %arg2: memref<10240xi32, #tpu.memory_space<hbm>>, %arg3: memref<10000x512xf32, #tpu.memory_space<hbm>>, %arg4: memref<10000xf32, #tpu.memory_space<hbm>>, %arg5: memref<10000xf32, #tpu.memory_space<hbm>>, %arg6: memref<10000xf32, #tpu.memory_space<hbm>>, %arg7: memref<10000xi32, #tpu.memory_space<hbm>>, %arg8: memref<10000xf32, #tpu.memory_space<hbm>>, %arg9: memref<2560x512xf32, #tpu.memory_space<hbm>>, %arg10: memref<2560xf32, #tpu.memory_space<hbm>>, %arg11: memref<2560xf32, #tpu.memory_space<hbm>>, %arg12: memref<2560xf32, #tpu.memory_space<hbm>>, %arg13: memref<2560xi32, #tpu.memory_space<hbm>>, %arg14: memref<2560xf32, #tpu.memory_space<hbm>>, %arg15: memref<80xi32, #tpu.memory_space<vmem>>, %arg16: memref<80x512xf32, #tpu.memory_space<vmem>>, %arg17: memref<80xf32, #tpu.memory_space<vmem>>, %arg18: memref<80xf32, #tpu.memory_space<vmem>>, %arg19: memref<80xf32, #tpu.memory_space<vmem>>, %arg20: memref<80xi32, #tpu.memory_space<vmem>>, %arg21: memref<80xf32, #tpu.memory_space<vmem>>, %arg22: memref<!tpu.dma_semaphore, #tpu.memory_space<semaphore_mem>>) attributes {dimension_semantics = [#tpu.dimension_semantics<core_parallel>, #tpu.dimension_semantics<subcore_parallel>], iteration_bounds = array<i64: 2, 16>, scalar_prefetch = 0 : i64, scratch_operands = 8 : i64, tpu.core_type = #tpu.core_type<sc_vector_subcore>, window_params = [{transform_indices = #map}, {transform_indices = #map1}, {transform_indices = #map}, {transform_indices = #map}, {transform_indices = #map}, {transform_indices = #map}, {transform_indices = #map}, {transform_indices = #map1}, {transform_indices = #map}, {transform_indices = #map}, {transform_indices = #map}, {transform_indices = #map}, {transform_indices = #map}]} {
    %mul3A = arith.constant 2 : i32
    %mul3A_0 = arith.muli %arg1, %mul3A : i32
    %add3A = arith.addi %mul3A_0, %arg0 : i32
    %mul3A_1 = arith.constant 80 : i32
    %mul3A_2 = arith.muli %add3A, %mul3A_1 : i32
    "tpu.region"() ({
      %run_scoped3A = tpu.sem_alloc : memref<!tpu.dma_semaphore, #tpu.memory_space<semaphore_mem>>
      %dma_start3A_27 = tpu.memref_slice %arg2[%mul3A_2] : memref<10240xi32, #tpu.memory_space<hbm>> -> memref<80xi32, #tpu.memory_space<hbm>>
      %dma_start3A_28 = tpu.memref_slice %arg2[%mul3A_2] : memref<10240xi32, #tpu.memory_space<hbm>> -> memref<80xi32, #tpu.memory_space<hbm>>
      tpu.enqueue_dma source(%dma_start3A_28 : memref<80xi32, #tpu.memory_space<hbm>>) target(%arg15 : memref<80xi32, #tpu.memory_space<vmem>>) target_semaphore(%run_scoped3A : memref<!tpu.dma_semaphore, #tpu.memory_space<semaphore_mem>>)
      %dma_wait3A_29 = tpu.memref_slice %arg2[%mul3A_2] : memref<10240xi32, #tpu.memory_space<hbm>> -> memref<80xi32, #tpu.memory_space<hbm>>
      %dma_wait3A_30 = tpu.memref_slice %arg2[%mul3A_2] : memref<10240xi32, #tpu.memory_space<hbm>> -> memref<80xi32, #tpu.memory_space<hbm>>
      tpu.wait_dma2 semaphore(%run_scoped3A : memref<!tpu.dma_semaphore, #tpu.memory_space<semaphore_mem>>) src(%dma_wait3A_30 : memref<80xi32, #tpu.memory_space<hbm>>) dst(%arg15 : memref<80xi32, #tpu.memory_space<vmem>>)
      tpu.yield
    }) : () -> ()
    %dma_start3A = arith.constant 0 : i32
    %dma_start3A_3 = arith.constant 0 : i32
    %dma_start3A_4 = tpu.memref_slice %arg3[%dma_start3A, %dma_start3A_3] : memref<10000x512xf32, #tpu.memory_space<hbm>> -> memref<10000x512xf32, #tpu.memory_space<hbm>>
    tpu.enqueue_indirect_dma source(%dma_start3A_4 : memref<10000x512xf32, #tpu.memory_space<hbm>>) target(%arg16 : memref<80x512xf32, #tpu.memory_space<vmem>>) offsets(%arg15 : memref<80xi32, #tpu.memory_space<vmem>>) semaphore(%arg22 : memref<!tpu.dma_semaphore, #tpu.memory_space<semaphore_mem>>)
    %dma_start3A_5 = arith.constant 0 : i32
    %dma_start3A_6 = tpu.memref_slice %arg4[%dma_start3A_5] : memref<10000xf32, #tpu.memory_space<hbm>> -> memref<10000xf32, #tpu.memory_space<hbm>>
    tpu.enqueue_indirect_dma source(%dma_start3A_6 : memref<10000xf32, #tpu.memory_space<hbm>>) target(%arg17 : memref<80xf32, #tpu.memory_space<vmem>>) offsets(%arg15 : memref<80xi32, #tpu.memory_space<vmem>>) semaphore(%arg22 : memref<!tpu.dma_semaphore, #tpu.memory_space<semaphore_mem>>)
    %dma_start3A_7 = arith.constant 0 : i32
    %dma_start3A_8 = tpu.memref_slice %arg5[%dma_start3A_7] : memref<10000xf32, #tpu.memory_space<hbm>> -> memref<10000xf32, #tpu.memory_space<hbm>>
    tpu.enqueue_indirect_dma source(%dma_start3A_8 : memref<10000xf32, #tpu.memory_space<hbm>>) target(%arg18 : memref<80xf32, #tpu.memory_space<vmem>>) offsets(%arg15 : memref<80xi32, #tpu.memory_space<vmem>>) semaphore(%arg22 : memref<!tpu.dma_semaphore, #tpu.memory_space<semaphore_mem>>)
    %dma_start3A_9 = arith.constant 0 : i32
    %dma_start3A_10 = tpu.memref_slice %arg6[%dma_start3A_9] : memref<10000xf32, #tpu.memory_space<hbm>> -> memref<10000xf32, #tpu.memory_space<hbm>>
    tpu.enqueue_indirect_dma source(%dma_start3A_10 : memref<10000xf32, #tpu.memory_space<hbm>>) target(%arg19 : memref<80xf32, #tpu.memory_space<vmem>>) offsets(%arg15 : memref<80xi32, #tpu.memory_space<vmem>>) semaphore(%arg22 : memref<!tpu.dma_semaphore, #tpu.memory_space<semaphore_mem>>)
    %dma_start3A_11 = arith.constant 0 : i32
    %dma_start3A_12 = tpu.memref_slice %arg7[%dma_start3A_11] : memref<10000xi32, #tpu.memory_space<hbm>> -> memref<10000xi32, #tpu.memory_space<hbm>>
    tpu.enqueue_indirect_dma source(%dma_start3A_12 : memref<10000xi32, #tpu.memory_space<hbm>>) target(%arg20 : memref<80xi32, #tpu.memory_space<vmem>>) offsets(%arg15 : memref<80xi32, #tpu.memory_space<vmem>>) semaphore(%arg22 : memref<!tpu.dma_semaphore, #tpu.memory_space<semaphore_mem>>)
    %dma_start3A_13 = arith.constant 0 : i32
    %dma_start3A_14 = tpu.memref_slice %arg8[%dma_start3A_13] : memref<10000xf32, #tpu.memory_space<hbm>> -> memref<10000xf32, #tpu.memory_space<hbm>>
    tpu.enqueue_indirect_dma source(%dma_start3A_14 : memref<10000xf32, #tpu.memory_space<hbm>>) target(%arg21 : memref<80xf32, #tpu.memory_space<vmem>>) offsets(%arg15 : memref<80xi32, #tpu.memory_space<vmem>>) semaphore(%arg22 : memref<!tpu.dma_semaphore, #tpu.memory_space<semaphore_mem>>)
    %dma_wait3A = arith.constant 0 : i32
    %dma_wait3A_15 = arith.constant 0 : i32
    %dma_wait3A_16 = tpu.memref_slice %arg3[%dma_wait3A, %dma_wait3A_15] : memref<10000x512xf32, #tpu.memory_space<hbm>> -> memref<10000x512xf32, #tpu.memory_space<hbm>>
    tpu.wait_indirect_dma semaphore(%arg22 : memref<!tpu.dma_semaphore, #tpu.memory_space<semaphore_mem>>) src(%dma_wait3A_16 : memref<10000x512xf32, #tpu.memory_space<hbm>>) dst(%arg16 : memref<80x512xf32, #tpu.memory_space<vmem>>)
    %dma_wait3A_17 = arith.constant 0 : i32
    %dma_wait3A_18 = tpu.memref_slice %arg4[%dma_wait3A_17] : memref<10000xf32, #tpu.memory_space<hbm>> -> memref<10000xf32, #tpu.memory_space<hbm>>
    tpu.wait_indirect_dma semaphore(%arg22 : memref<!tpu.dma_semaphore, #tpu.memory_space<semaphore_mem>>) src(%dma_wait3A_18 : memref<10000xf32, #tpu.memory_space<hbm>>) dst(%arg17 : memref<80xf32, #tpu.memory_space<vmem>>)
    %dma_wait3A_19 = arith.constant 0 : i32
    %dma_wait3A_20 = tpu.memref_slice %arg5[%dma_wait3A_19] : memref<10000xf32, #tpu.memory_space<hbm>> -> memref<10000xf32, #tpu.memory_space<hbm>>
    tpu.wait_indirect_dma semaphore(%arg22 : memref<!tpu.dma_semaphore, #tpu.memory_space<semaphore_mem>>) src(%dma_wait3A_20 : memref<10000xf32, #tpu.memory_space<hbm>>) dst(%arg18 : memref<80xf32, #tpu.memory_space<vmem>>)
    %dma_wait3A_21 = arith.constant 0 : i32
    %dma_wait3A_22 = tpu.memref_slice %arg6[%dma_wait3A_21] : memref<10000xf32, #tpu.memory_space<hbm>> -> memref<10000xf32, #tpu.memory_space<hbm>>
    tpu.wait_indirect_dma semaphore(%arg22 : memref<!tpu.dma_semaphore, #tpu.memory_space<semaphore_mem>>) src(%dma_wait3A_22 : memref<10000xf32, #tpu.memory_space<hbm>>) dst(%arg19 : memref<80xf32, #tpu.memory_space<vmem>>)
    %dma_wait3A_23 = arith.constant 0 : i32
    %dma_wait3A_24 = tpu.memref_slice %arg7[%dma_wait3A_23] : memref<10000xi32, #tpu.memory_space<hbm>> -> memref<10000xi32, #tpu.memory_space<hbm>>
    tpu.wait_indirect_dma semaphore(%arg22 : memref<!tpu.dma_semaphore, #tpu.memory_space<semaphore_mem>>) src(%dma_wait3A_24 : memref<10000xi32, #tpu.memory_space<hbm>>) dst(%arg20 : memref<80xi32, #tpu.memory_space<vmem>>)
    %dma_wait3A_25 = arith.constant 0 : i32
    %dma_wait3A_26 = tpu.memref_slice %arg8[%dma_wait3A_25] : memref<10000xf32, #tpu.memory_space<hbm>> -> memref<10000xf32, #tpu.memory_space<hbm>>
    tpu.wait_indirect_dma semaphore(%arg22 : memref<!tpu.dma_semaphore, #tpu.memory_space<semaphore_mem>>) src(%dma_wait3A_26 : memref<10000xf32, #tpu.memory_space<hbm>>) dst(%arg21 : memref<80xf32, #tpu.memory_space<vmem>>)
    "tpu.region"() ({
      %run_scoped3A = tpu.sem_alloc : memref<!tpu.dma_semaphore, #tpu.memory_space<semaphore_mem>>
      %dma_start3A_27 = arith.constant 0 : i32
      %dma_start3A_28 = tpu.memref_slice %arg9[%mul3A_2, %dma_start3A_27] : memref<2560x512xf32, #tpu.memory_space<hbm>> -> memref<80x512xf32, #tpu.memory_space<hbm>>
      %dma_start3A_29 = arith.constant 0 : i32
      %dma_start3A_30 = tpu.memref_slice %arg9[%mul3A_2, %dma_start3A_29] : memref<2560x512xf32, #tpu.memory_space<hbm>> -> memref<80x512xf32, #tpu.memory_space<hbm>>
      tpu.enqueue_dma source(%arg16 : memref<80x512xf32, #tpu.memory_space<vmem>>) target(%dma_start3A_30 : memref<80x512xf32, #tpu.memory_space<hbm>>) target_semaphore(%run_scoped3A : memref<!tpu.dma_semaphore, #tpu.memory_space<semaphore_mem>>)
      %dma_wait3A_31 = arith.constant 0 : i32
      %dma_wait3A_32 = tpu.memref_slice %arg9[%mul3A_2, %dma_wait3A_31] : memref<2560x512xf32, #tpu.memory_space<hbm>> -> memref<80x512xf32, #tpu.memory_space<hbm>>
      %dma_wait3A_33 = arith.constant 0 : i32
      %dma_wait3A_34 = tpu.memref_slice %arg9[%mul3A_2, %dma_wait3A_33] : memref<2560x512xf32, #tpu.memory_space<hbm>> -> memref<80x512xf32, #tpu.memory_space<hbm>>
      tpu.wait_dma2 semaphore(%run_scoped3A : memref<!tpu.dma_semaphore, #tpu.memory_space<semaphore_mem>>) src(%arg16 : memref<80x512xf32, #tpu.memory_space<vmem>>) dst(%dma_wait3A_34 : memref<80x512xf32, #tpu.memory_space<hbm>>)
      tpu.yield
    }) : () -> ()
    "tpu.region"() ({
      %run_scoped3A = tpu.sem_alloc : memref<!tpu.dma_semaphore, #tpu.memory_space<semaphore_mem>>
      %dma_start3A_27 = tpu.memref_slice %arg10[%mul3A_2] : memref<2560xf32, #tpu.memory_space<hbm>> -> memref<80xf32, #tpu.memory_space<hbm>>
      %dma_start3A_28 = tpu.memref_slice %arg10[%mul3A_2] : memref<2560xf32, #tpu.memory_space<hbm>> -> memref<80xf32, #tpu.memory_space<hbm>>
      tpu.enqueue_dma source(%arg17 : memref<80xf32, #tpu.memory_space<vmem>>) target(%dma_start3A_28 : memref<80xf32, #tpu.memory_space<hbm>>) target_semaphore(%run_scoped3A : memref<!tpu.dma_semaphore, #tpu.memory_space<semaphore_mem>>)
      %dma_wait3A_29 = tpu.memref_slice %arg10[%mul3A_2] : memref<2560xf32, #tpu.memory_space<hbm>> -> memref<80xf32, #tpu.memory_space<hbm>>
      %dma_wait3A_30 = tpu.memref_slice %arg10[%mul3A_2] : memref<2560xf32, #tpu.memory_space<hbm>> -> memref<80xf32, #tpu.memory_space<hbm>>
      tpu.wait_dma2 semaphore(%run_scoped3A : memref<!tpu.dma_semaphore, #tpu.memory_space<semaphore_mem>>) src(%arg17 : memref<80xf32, #tpu.memory_space<vmem>>) dst(%dma_wait3A_30 : memref<80xf32, #tpu.memory_space<hbm>>)
      tpu.yield
    }) : () -> ()
    "tpu.region"() ({
      %run_scoped3A = tpu.sem_alloc : memref<!tpu.dma_semaphore, #tpu.memory_space<semaphore_mem>>
      %dma_start3A_27 = tpu.memref_slice %arg11[%mul3A_2] : memref<2560xf32, #tpu.memory_space<hbm>> -> memref<80xf32, #tpu.memory_space<hbm>>
      %dma_start3A_28 = tpu.memref_slice %arg11[%mul3A_2] : memref<2560xf32, #tpu.memory_space<hbm>> -> memref<80xf32, #tpu.memory_space<hbm>>
      tpu.enqueue_dma source(%arg18 : memref<80xf32, #tpu.memory_space<vmem>>) target(%dma_start3A_28 : memref<80xf32, #tpu.memory_space<hbm>>) target_semaphore(%run_scoped3A : memref<!tpu.dma_semaphore, #tpu.memory_space<semaphore_mem>>)
      %dma_wait3A_29 = tpu.memref_slice %arg11[%mul3A_2] : memref<2560xf32, #tpu.memory_space<hbm>> -> memref<80xf32, #tpu.memory_space<hbm>>
      %dma_wait3A_30 = tpu.memref_slice %arg11[%mul3A_2] : memref<2560xf32, #tpu.memory_space<hbm>> -> memref<80xf32, #tpu.memory_space<hbm>>
      tpu.wait_dma2 semaphore(%run_scoped3A : memref<!tpu.dma_semaphore, #tpu.memory_space<semaphore_mem>>) src(%arg18 : memref<80xf32, #tpu.memory_space<vmem>>) dst(%dma_wait3A_30 : memref<80xf32, #tpu.memory_space<hbm>>)
      tpu.yield
    }) : () -> ()
    "tpu.region"() ({
      %run_scoped3A = tpu.sem_alloc : memref<!tpu.dma_semaphore, #tpu.memory_space<semaphore_mem>>
      %dma_start3A_27 = tpu.memref_slice %arg12[%mul3A_2] : memref<2560xf32, #tpu.memory_space<hbm>> -> memref<80xf32, #tpu.memory_space<hbm>>
      %dma_start3A_28 = tpu.memref_slice %arg12[%mul3A_2] : memref<2560xf32, #tpu.memory_space<hbm>> -> memref<80xf32, #tpu.memory_space<hbm>>
      tpu.enqueue_dma source(%arg19 : memref<80xf32, #tpu.memory_space<vmem>>) target(%dma_start3A_28 : memref<80xf32, #tpu.memory_space<hbm>>) target_semaphore(%run_scoped3A : memref<!tpu.dma_semaphore, #tpu.memory_space<semaphore_mem>>)
      %dma_wait3A_29 = tpu.memref_slice %arg12[%mul3A_2] : memref<2560xf32, #tpu.memory_space<hbm>> -> memref<80xf32, #tpu.memory_space<hbm>>
      %dma_wait3A_30 = tpu.memref_slice %arg12[%mul3A_2] : memref<2560xf32, #tpu.memory_space<hbm>> -> memref<80xf32, #tpu.memory_space<hbm>>
      tpu.wait_dma2 semaphore(%run_scoped3A : memref<!tpu.dma_semaphore, #tpu.memory_space<semaphore_mem>>) src(%arg19 : memref<80xf32, #tpu.memory_space<vmem>>) dst(%dma_wait3A_30 : memref<80xf32, #tpu.memory_space<hbm>>)
      tpu.yield
    }) : () -> ()
    "tpu.region"() ({
      %run_scoped3A = tpu.sem_alloc : memref<!tpu.dma_semaphore, #tpu.memory_space<semaphore_mem>>
      %dma_start3A_27 = tpu.memref_slice %arg13[%mul3A_2] : memref<2560xi32, #tpu.memory_space<hbm>> -> memref<80xi32, #tpu.memory_space<hbm>>
      %dma_start3A_28 = tpu.memref_slice %arg13[%mul3A_2] : memref<2560xi32, #tpu.memory_space<hbm>> -> memref<80xi32, #tpu.memory_space<hbm>>
      tpu.enqueue_dma source(%arg20 : memref<80xi32, #tpu.memory_space<vmem>>) target(%dma_start3A_28 : memref<80xi32, #tpu.memory_space<hbm>>) target_semaphore(%run_scoped3A : memref<!tpu.dma_semaphore, #tpu.memory_space<semaphore_mem>>)
      %dma_wait3A_29 = tpu.memref_slice %arg13[%mul3A_2] : memref<2560xi32, #tpu.memory_space<hbm>> -> memref<80xi32, #tpu.memory_space<hbm>>
      %dma_wait3A_30 = tpu.memref_slice %arg13[%mul3A_2] : memref<2560xi32, #tpu.memory_space<hbm>> -> memref<80xi32, #tpu.memory_space<hbm>>
      tpu.wait_dma2 semaphore(%run_scoped3A : memref<!tpu.dma_semaphore, #tpu.memory_space<semaphore_mem>>) src(%arg20 : memref<80xi32, #tpu.memory_space<vmem>>) dst(%dma_wait3A_30 : memref<80xi32, #tpu.memory_space<hbm>>)
      tpu.yield
    }) : () -> ()
    "tpu.region"() ({
      %run_scoped3A = tpu.sem_alloc : memref<!tpu.dma_semaphore, #tpu.memory_space<semaphore_mem>>
      %dma_start3A_27 = tpu.memref_slice %arg14[%mul3A_2] : memref<2560xf32, #tpu.memory_space<hbm>> -> memref<80xf32, #tpu.memory_space<hbm>>
      %dma_start3A_28 = tpu.memref_slice %arg14[%mul3A_2] : memref<2560xf32, #tpu.memory_space<hbm>> -> memref<80xf32, #tpu.memory_space<hbm>>
      tpu.enqueue_dma source(%arg21 : memref<80xf32, #tpu.memory_space<vmem>>) target(%dma_start3A_28 : memref<80xf32, #tpu.memory_space<hbm>>) target_semaphore(%run_scoped3A : memref<!tpu.dma_semaphore, #tpu.memory_space<semaphore_mem>>)
      %dma_wait3A_29 = tpu.memref_slice %arg14[%mul3A_2] : memref<2560xf32, #tpu.memory_space<hbm>> -> memref<80xf32, #tpu.memory_space<hbm>>
      %dma_wait3A_30 = tpu.memref_slice %arg14[%mul3A_2] : memref<2560xf32, #tpu.memory_space<hbm>> -> memref<80xf32, #tpu.memory_space<hbm>>
      tpu.wait_dma2 semaphore(%run_scoped3A : memref<!tpu.dma_semaphore, #tpu.memory_space<semaphore_mem>>) src(%arg21 : memref<80xf32, #tpu.memory_space<vmem>>) dst(%dma_wait3A_30 : memref<80xf32, #tpu.memory_space<hbm>>)
      tpu.yield
    }) : () -> ()
    return
  }
}

#map = affine_map<(d0, d1) -> (0, 0, 0)>
#map1 = affine_map<(d0, d1) -> (0)>
module attributes {stable_mosaic.version = 14 : i64} {
  func.func @k(%arg0: i32, %arg1: i32, %arg2: memref<32x4x80xi32, #tpu.memory_space<hbm>>, %arg3: memref<32x4x80xi32, #tpu.memory_space<hbm>>, %arg4: memref<10240xi32, #tpu.memory_space<hbm>>, %arg5: memref<4x80xi32, #tpu.memory_space<vmem>>, %arg6: memref<4x80xi32, #tpu.memory_space<vmem>>, %arg7: memref<!tpu.dma_semaphore, #tpu.memory_space<semaphore_mem>>) attributes {dimension_semantics = [#tpu.dimension_semantics<core_parallel>, #tpu.dimension_semantics<subcore_parallel>], iteration_bounds = array<i64: 2, 16>, scalar_prefetch = 0 : i64, scratch_operands = 3 : i64, tpu.core_type = #tpu.core_type<sc_vector_subcore>, window_params = [{transform_indices = #map}, {transform_indices = #map}, {transform_indices = #map1}]} {
    %mul3A = arith.constant 2 : i32
    %mul3A_0 = arith.muli %arg1, %mul3A : i32
    %add3A = arith.addi %mul3A_0, %arg0 : i32
    "tpu.region"() ({
      %run_scoped3A = tpu.sem_alloc : memref<!tpu.dma_semaphore, #tpu.memory_space<semaphore_mem>>
      %dma_start3A_79 = arith.constant 0 : i32
      %dma_start3A_80 = arith.constant 0 : i32
      %dma_start3A_81 = tpu.memref_slice %arg2[%add3A, %dma_start3A_79, %dma_start3A_80] : memref<32x4x80xi32, #tpu.memory_space<hbm>> -> memref<1x4x80xi32, #tpu.memory_space<hbm>>
      %dma_start3A_82 = tpu.memref_squeeze %dma_start3A_81 : memref<1x4x80xi32, #tpu.memory_space<hbm>> -> memref<4x80xi32, #tpu.memory_space<hbm>>
      %dma_start3A_83 = arith.constant 0 : i32
      %dma_start3A_84 = arith.constant 0 : i32
      %dma_start3A_85 = tpu.memref_slice %arg2[%add3A, %dma_start3A_83, %dma_start3A_84] : memref<32x4x80xi32, #tpu.memory_space<hbm>> -> memref<1x4x80xi32, #tpu.memory_space<hbm>>
      %dma_start3A_86 = tpu.memref_squeeze %dma_start3A_85 : memref<1x4x80xi32, #tpu.memory_space<hbm>> -> memref<4x80xi32, #tpu.memory_space<hbm>>
      tpu.enqueue_dma source(%dma_start3A_86 : memref<4x80xi32, #tpu.memory_space<hbm>>) target(%arg5 : memref<4x80xi32, #tpu.memory_space<vmem>>) target_semaphore(%run_scoped3A : memref<!tpu.dma_semaphore, #tpu.memory_space<semaphore_mem>>)
      %dma_wait3A_87 = arith.constant 0 : i32
      %dma_wait3A_88 = arith.constant 0 : i32
      %dma_wait3A_89 = tpu.memref_slice %arg2[%add3A, %dma_wait3A_87, %dma_wait3A_88] : memref<32x4x80xi32, #tpu.memory_space<hbm>> -> memref<1x4x80xi32, #tpu.memory_space<hbm>>
      %dma_wait3A_90 = tpu.memref_squeeze %dma_wait3A_89 : memref<1x4x80xi32, #tpu.memory_space<hbm>> -> memref<4x80xi32, #tpu.memory_space<hbm>>
      %dma_wait3A_91 = arith.constant 0 : i32
      %dma_wait3A_92 = arith.constant 0 : i32
      %dma_wait3A_93 = tpu.memref_slice %arg2[%add3A, %dma_wait3A_91, %dma_wait3A_92] : memref<32x4x80xi32, #tpu.memory_space<hbm>> -> memref<1x4x80xi32, #tpu.memory_space<hbm>>
      %dma_wait3A_94 = tpu.memref_squeeze %dma_wait3A_93 : memref<1x4x80xi32, #tpu.memory_space<hbm>> -> memref<4x80xi32, #tpu.memory_space<hbm>>
      tpu.wait_dma2 semaphore(%run_scoped3A : memref<!tpu.dma_semaphore, #tpu.memory_space<semaphore_mem>>) src(%dma_wait3A_94 : memref<4x80xi32, #tpu.memory_space<hbm>>) dst(%arg5 : memref<4x80xi32, #tpu.memory_space<vmem>>)
      tpu.yield
    }) : () -> ()
    "tpu.region"() ({
      %run_scoped3A = tpu.sem_alloc : memref<!tpu.dma_semaphore, #tpu.memory_space<semaphore_mem>>
      %dma_start3A_79 = arith.constant 0 : i32
      %dma_start3A_80 = arith.constant 0 : i32
      %dma_start3A_81 = tpu.memref_slice %arg3[%add3A, %dma_start3A_79, %dma_start3A_80] : memref<32x4x80xi32, #tpu.memory_space<hbm>> -> memref<1x4x80xi32, #tpu.memory_space<hbm>>
      %dma_start3A_82 = tpu.memref_squeeze %dma_start3A_81 : memref<1x4x80xi32, #tpu.memory_space<hbm>> -> memref<4x80xi32, #tpu.memory_space<hbm>>
      %dma_start3A_83 = arith.constant 0 : i32
      %dma_start3A_84 = arith.constant 0 : i32
      %dma_start3A_85 = tpu.memref_slice %arg3[%add3A, %dma_start3A_83, %dma_start3A_84] : memref<32x4x80xi32, #tpu.memory_space<hbm>> -> memref<1x4x80xi32, #tpu.memory_space<hbm>>
      %dma_start3A_86 = tpu.memref_squeeze %dma_start3A_85 : memref<1x4x80xi32, #tpu.memory_space<hbm>> -> memref<4x80xi32, #tpu.memory_space<hbm>>
      tpu.enqueue_dma source(%dma_start3A_86 : memref<4x80xi32, #tpu.memory_space<hbm>>) target(%arg6 : memref<4x80xi32, #tpu.memory_space<vmem>>) target_semaphore(%run_scoped3A : memref<!tpu.dma_semaphore, #tpu.memory_space<semaphore_mem>>)
      %dma_wait3A_87 = arith.constant 0 : i32
      %dma_wait3A_88 = arith.constant 0 : i32
      %dma_wait3A_89 = tpu.memref_slice %arg3[%add3A, %dma_wait3A_87, %dma_wait3A_88] : memref<32x4x80xi32, #tpu.memory_space<hbm>> -> memref<1x4x80xi32, #tpu.memory_space<hbm>>
      %dma_wait3A_90 = tpu.memref_squeeze %dma_wait3A_89 : memref<1x4x80xi32, #tpu.memory_space<hbm>> -> memref<4x80xi32, #tpu.memory_space<hbm>>
      %dma_wait3A_91 = arith.constant 0 : i32
      %dma_wait3A_92 = arith.constant 0 : i32
      %dma_wait3A_93 = tpu.memref_slice %arg3[%add3A, %dma_wait3A_91, %dma_wait3A_92] : memref<32x4x80xi32, #tpu.memory_space<hbm>> -> memref<1x4x80xi32, #tpu.memory_space<hbm>>
      %dma_wait3A_94 = tpu.memref_squeeze %dma_wait3A_93 : memref<1x4x80xi32, #tpu.memory_space<hbm>> -> memref<4x80xi32, #tpu.memory_space<hbm>>
      tpu.wait_dma2 semaphore(%run_scoped3A : memref<!tpu.dma_semaphore, #tpu.memory_space<semaphore_mem>>) src(%dma_wait3A_94 : memref<4x80xi32, #tpu.memory_space<hbm>>) dst(%arg6 : memref<4x80xi32, #tpu.memory_space<vmem>>)
      tpu.yield
    }) : () -> ()
    %dma_start3A = arith.constant 0 : i32
    %dma_start3A_1 = arith.constant 0 : i32
    %dma_start3A_2 = arith.constant 0 : i32
    %dma_start3A_3 = tpu.memref_slice %arg6[%dma_start3A, %dma_start3A_2] : memref<4x80xi32, #tpu.memory_space<vmem>> -> memref<1x80xi32, #tpu.memory_space<vmem>>
    %dma_start3A_4 = tpu.memref_squeeze %dma_start3A_3 : memref<1x80xi32, #tpu.memory_space<vmem>> -> memref<80xi32, #tpu.memory_space<vmem>>
    %dma_start3A_5 = arith.constant 0 : i32
    %dma_start3A_6 = tpu.memref_slice %arg5[%dma_start3A_1, %dma_start3A_5] : memref<4x80xi32, #tpu.memory_space<vmem>> -> memref<1x80xi32, #tpu.memory_space<vmem>>
    %dma_start3A_7 = tpu.memref_squeeze %dma_start3A_6 : memref<1x80xi32, #tpu.memory_space<vmem>> -> memref<80xi32, #tpu.memory_space<vmem>>
    %dma_start3A_8 = arith.constant 0 : i32
    %dma_start3A_9 = tpu.memref_slice %arg4[%dma_start3A_8] : memref<10240xi32, #tpu.memory_space<hbm>> -> memref<10240xi32, #tpu.memory_space<hbm>>
    tpu.enqueue_indirect_dma source(%dma_start3A_4 : memref<80xi32, #tpu.memory_space<vmem>>) target(%dma_start3A_9 : memref<10240xi32, #tpu.memory_space<hbm>>) offsets(%dma_start3A_7 : memref<80xi32, #tpu.memory_space<vmem>>) semaphore(%arg7 : memref<!tpu.dma_semaphore, #tpu.memory_space<semaphore_mem>>)
    %dma_start3A_10 = arith.constant 1 : i32
    %dma_start3A_11 = arith.constant 1 : i32
    %dma_start3A_12 = arith.constant 0 : i32
    %dma_start3A_13 = tpu.memref_slice %arg6[%dma_start3A_10, %dma_start3A_12] : memref<4x80xi32, #tpu.memory_space<vmem>> -> memref<1x80xi32, #tpu.memory_space<vmem>>
    %dma_start3A_14 = tpu.memref_squeeze %dma_start3A_13 : memref<1x80xi32, #tpu.memory_space<vmem>> -> memref<80xi32, #tpu.memory_space<vmem>>
    %dma_start3A_15 = arith.constant 0 : i32
    %dma_start3A_16 = tpu.memref_slice %arg5[%dma_start3A_11, %dma_start3A_15] : memref<4x80xi32, #tpu.memory_space<vmem>> -> memref<1x80xi32, #tpu.memory_space<vmem>>
    %dma_start3A_17 = tpu.memref_squeeze %dma_start3A_16 : memref<1x80xi32, #tpu.memory_space<vmem>> -> memref<80xi32, #tpu.memory_space<vmem>>
    %dma_start3A_18 = arith.constant 0 : i32
    %dma_start3A_19 = tpu.memref_slice %arg4[%dma_start3A_18] : memref<10240xi32, #tpu.memory_space<hbm>> -> memref<10240xi32, #tpu.memory_space<hbm>>
    tpu.enqueue_indirect_dma source(%dma_start3A_14 : memref<80xi32, #tpu.memory_space<vmem>>) target(%dma_start3A_19 : memref<10240xi32, #tpu.memory_space<hbm>>) offsets(%dma_start3A_17 : memref<80xi32, #tpu.memory_space<vmem>>) semaphore(%arg7 : memref<!tpu.dma_semaphore, #tpu.memory_space<semaphore_mem>>)
    %dma_start3A_20 = arith.constant 2 : i32
    %dma_start3A_21 = arith.constant 2 : i32
    %dma_start3A_22 = arith.constant 0 : i32
    %dma_start3A_23 = tpu.memref_slice %arg6[%dma_start3A_20, %dma_start3A_22] : memref<4x80xi32, #tpu.memory_space<vmem>> -> memref<1x80xi32, #tpu.memory_space<vmem>>
    %dma_start3A_24 = tpu.memref_squeeze %dma_start3A_23 : memref<1x80xi32, #tpu.memory_space<vmem>> -> memref<80xi32, #tpu.memory_space<vmem>>
    %dma_start3A_25 = arith.constant 0 : i32
    %dma_start3A_26 = tpu.memref_slice %arg5[%dma_start3A_21, %dma_start3A_25] : memref<4x80xi32, #tpu.memory_space<vmem>> -> memref<1x80xi32, #tpu.memory_space<vmem>>
    %dma_start3A_27 = tpu.memref_squeeze %dma_start3A_26 : memref<1x80xi32, #tpu.memory_space<vmem>> -> memref<80xi32, #tpu.memory_space<vmem>>
    %dma_start3A_28 = arith.constant 0 : i32
    %dma_start3A_29 = tpu.memref_slice %arg4[%dma_start3A_28] : memref<10240xi32, #tpu.memory_space<hbm>> -> memref<10240xi32, #tpu.memory_space<hbm>>
    tpu.enqueue_indirect_dma source(%dma_start3A_24 : memref<80xi32, #tpu.memory_space<vmem>>) target(%dma_start3A_29 : memref<10240xi32, #tpu.memory_space<hbm>>) offsets(%dma_start3A_27 : memref<80xi32, #tpu.memory_space<vmem>>) semaphore(%arg7 : memref<!tpu.dma_semaphore, #tpu.memory_space<semaphore_mem>>)
    %dma_start3A_30 = arith.constant 3 : i32
    %dma_start3A_31 = arith.constant 3 : i32
    %dma_start3A_32 = arith.constant 0 : i32
    %dma_start3A_33 = tpu.memref_slice %arg6[%dma_start3A_30, %dma_start3A_32] : memref<4x80xi32, #tpu.memory_space<vmem>> -> memref<1x80xi32, #tpu.memory_space<vmem>>
    %dma_start3A_34 = tpu.memref_squeeze %dma_start3A_33 : memref<1x80xi32, #tpu.memory_space<vmem>> -> memref<80xi32, #tpu.memory_space<vmem>>
    %dma_start3A_35 = arith.constant 0 : i32
    %dma_start3A_36 = tpu.memref_slice %arg5[%dma_start3A_31, %dma_start3A_35] : memref<4x80xi32, #tpu.memory_space<vmem>> -> memref<1x80xi32, #tpu.memory_space<vmem>>
    %dma_start3A_37 = tpu.memref_squeeze %dma_start3A_36 : memref<1x80xi32, #tpu.memory_space<vmem>> -> memref<80xi32, #tpu.memory_space<vmem>>
    %dma_start3A_38 = arith.constant 0 : i32
    %dma_start3A_39 = tpu.memref_slice %arg4[%dma_start3A_38] : memref<10240xi32, #tpu.memory_space<hbm>> -> memref<10240xi32, #tpu.memory_space<hbm>>
    tpu.enqueue_indirect_dma source(%dma_start3A_34 : memref<80xi32, #tpu.memory_space<vmem>>) target(%dma_start3A_39 : memref<10240xi32, #tpu.memory_space<hbm>>) offsets(%dma_start3A_37 : memref<80xi32, #tpu.memory_space<vmem>>) semaphore(%arg7 : memref<!tpu.dma_semaphore, #tpu.memory_space<semaphore_mem>>)
    %dma_wait3A = arith.constant 0 : i32
    %dma_wait3A_40 = arith.constant 0 : i32
    %dma_wait3A_41 = arith.constant 0 : i32
    %dma_wait3A_42 = tpu.memref_slice %arg6[%dma_wait3A, %dma_wait3A_41] : memref<4x80xi32, #tpu.memory_space<vmem>> -> memref<1x80xi32, #tpu.memory_space<vmem>>
    %dma_wait3A_43 = tpu.memref_squeeze %dma_wait3A_42 : memref<1x80xi32, #tpu.memory_space<vmem>> -> memref<80xi32, #tpu.memory_space<vmem>>
    %dma_wait3A_44 = arith.constant 0 : i32
    %dma_wait3A_45 = tpu.memref_slice %arg5[%dma_wait3A_40, %dma_wait3A_44] : memref<4x80xi32, #tpu.memory_space<vmem>> -> memref<1x80xi32, #tpu.memory_space<vmem>>
    %dma_wait3A_46 = tpu.memref_squeeze %dma_wait3A_45 : memref<1x80xi32, #tpu.memory_space<vmem>> -> memref<80xi32, #tpu.memory_space<vmem>>
    %dma_wait3A_47 = arith.constant 0 : i32
    %dma_wait3A_48 = tpu.memref_slice %arg4[%dma_wait3A_47] : memref<10240xi32, #tpu.memory_space<hbm>> -> memref<10240xi32, #tpu.memory_space<hbm>>
    tpu.wait_indirect_dma semaphore(%arg7 : memref<!tpu.dma_semaphore, #tpu.memory_space<semaphore_mem>>) src(%dma_wait3A_43 : memref<80xi32, #tpu.memory_space<vmem>>) dst(%dma_wait3A_48 : memref<10240xi32, #tpu.memory_space<hbm>>)
    %dma_wait3A_49 = arith.constant 1 : i32
    %dma_wait3A_50 = arith.constant 1 : i32
    %dma_wait3A_51 = arith.constant 0 : i32
    %dma_wait3A_52 = tpu.memref_slice %arg6[%dma_wait3A_49, %dma_wait3A_51] : memref<4x80xi32, #tpu.memory_space<vmem>> -> memref<1x80xi32, #tpu.memory_space<vmem>>
    %dma_wait3A_53 = tpu.memref_squeeze %dma_wait3A_52 : memref<1x80xi32, #tpu.memory_space<vmem>> -> memref<80xi32, #tpu.memory_space<vmem>>
    %dma_wait3A_54 = arith.constant 0 : i32
    %dma_wait3A_55 = tpu.memref_slice %arg5[%dma_wait3A_50, %dma_wait3A_54] : memref<4x80xi32, #tpu.memory_space<vmem>> -> memref<1x80xi32, #tpu.memory_space<vmem>>
    %dma_wait3A_56 = tpu.memref_squeeze %dma_wait3A_55 : memref<1x80xi32, #tpu.memory_space<vmem>> -> memref<80xi32, #tpu.memory_space<vmem>>
    %dma_wait3A_57 = arith.constant 0 : i32
    %dma_wait3A_58 = tpu.memref_slice %arg4[%dma_wait3A_57] : memref<10240xi32, #tpu.memory_space<hbm>> -> memref<10240xi32, #tpu.memory_space<hbm>>
    tpu.wait_indirect_dma semaphore(%arg7 : memref<!tpu.dma_semaphore, #tpu.memory_space<semaphore_mem>>) src(%dma_wait3A_53 : memref<80xi32, #tpu.memory_space<vmem>>) dst(%dma_wait3A_58 : memref<10240xi32, #tpu.memory_space<hbm>>)
    %dma_wait3A_59 = arith.constant 2 : i32
    %dma_wait3A_60 = arith.constant 2 : i32
    %dma_wait3A_61 = arith.constant 0 : i32
    %dma_wait3A_62 = tpu.memref_slice %arg6[%dma_wait3A_59, %dma_wait3A_61] : memref<4x80xi32, #tpu.memory_space<vmem>> -> memref<1x80xi32, #tpu.memory_space<vmem>>
    %dma_wait3A_63 = tpu.memref_squeeze %dma_wait3A_62 : memref<1x80xi32, #tpu.memory_space<vmem>> -> memref<80xi32, #tpu.memory_space<vmem>>
    %dma_wait3A_64 = arith.constant 0 : i32
    %dma_wait3A_65 = tpu.memref_slice %arg5[%dma_wait3A_60, %dma_wait3A_64] : memref<4x80xi32, #tpu.memory_space<vmem>> -> memref<1x80xi32, #tpu.memory_space<vmem>>
    %dma_wait3A_66 = tpu.memref_squeeze %dma_wait3A_65 : memref<1x80xi32, #tpu.memory_space<vmem>> -> memref<80xi32, #tpu.memory_space<vmem>>
    %dma_wait3A_67 = arith.constant 0 : i32
    %dma_wait3A_68 = tpu.memref_slice %arg4[%dma_wait3A_67] : memref<10240xi32, #tpu.memory_space<hbm>> -> memref<10240xi32, #tpu.memory_space<hbm>>
    tpu.wait_indirect_dma semaphore(%arg7 : memref<!tpu.dma_semaphore, #tpu.memory_space<semaphore_mem>>) src(%dma_wait3A_63 : memref<80xi32, #tpu.memory_space<vmem>>) dst(%dma_wait3A_68 : memref<10240xi32, #tpu.memory_space<hbm>>)
    %dma_wait3A_69 = arith.constant 3 : i32
    %dma_wait3A_70 = arith.constant 3 : i32
    %dma_wait3A_71 = arith.constant 0 : i32
    %dma_wait3A_72 = tpu.memref_slice %arg6[%dma_wait3A_69, %dma_wait3A_71] : memref<4x80xi32, #tpu.memory_space<vmem>> -> memref<1x80xi32, #tpu.memory_space<vmem>>
    %dma_wait3A_73 = tpu.memref_squeeze %dma_wait3A_72 : memref<1x80xi32, #tpu.memory_space<vmem>> -> memref<80xi32, #tpu.memory_space<vmem>>
    %dma_wait3A_74 = arith.constant 0 : i32
    %dma_wait3A_75 = tpu.memref_slice %arg5[%dma_wait3A_70, %dma_wait3A_74] : memref<4x80xi32, #tpu.memory_space<vmem>> -> memref<1x80xi32, #tpu.memory_space<vmem>>
    %dma_wait3A_76 = tpu.memref_squeeze %dma_wait3A_75 : memref<1x80xi32, #tpu.memory_space<vmem>> -> memref<80xi32, #tpu.memory_space<vmem>>
    %dma_wait3A_77 = arith.constant 0 : i32
    %dma_wait3A_78 = tpu.memref_slice %arg4[%dma_wait3A_77] : memref<10240xi32, #tpu.memory_space<hbm>> -> memref<10240xi32, #tpu.memory_space<hbm>>
    tpu.wait_indirect_dma semaphore(%arg7 : memref<!tpu.dma_semaphore, #tpu.memory_space<semaphore_mem>>) src(%dma_wait3A_73 : memref<80xi32, #tpu.memory_space<vmem>>) dst(%dma_wait3A_78 : memref<10240xi32, #tpu.memory_space<hbm>>)
    return
  }
}

#map = affine_map<(d0, d1) -> (0, 0, 0)>
#map1 = affine_map<(d0, d1) -> (0)>
module attributes {stable_mosaic.version = 14 : i64} {
  func.func @k(%arg0: i32, %arg1: i32, %arg2: memref<32x10x128xi32, #tpu.memory_space<hbm>>, %arg3: memref<2560xf32, #tpu.memory_space<hbm>>, %arg4: memref<2560xf32, #tpu.memory_space<hbm>>, %arg5: memref<2560xf32, #tpu.memory_space<hbm>>, %arg6: memref<32x10x128xf32, #tpu.memory_space<hbm>>, %arg7: memref<32x10x128xf32, #tpu.memory_space<hbm>>, %arg8: memref<32x10x128xf32, #tpu.memory_space<hbm>>, %arg9: memref<10x128xi32, #tpu.memory_space<vmem>>, %arg10: memref<10x128xf32, #tpu.memory_space<vmem>>, %arg11: memref<10x128xf32, #tpu.memory_space<vmem>>, %arg12: memref<10x128xf32, #tpu.memory_space<vmem>>, %arg13: memref<!tpu.dma_semaphore, #tpu.memory_space<semaphore_mem>>) attributes {dimension_semantics = [#tpu.dimension_semantics<core_parallel>, #tpu.dimension_semantics<subcore_parallel>], iteration_bounds = array<i64: 2, 16>, scalar_prefetch = 0 : i64, scratch_operands = 5 : i64, tpu.core_type = #tpu.core_type<sc_vector_subcore>, window_params = [{transform_indices = #map}, {transform_indices = #map1}, {transform_indices = #map1}, {transform_indices = #map1}, {transform_indices = #map}, {transform_indices = #map}, {transform_indices = #map}]} {
    %mul3A = arith.constant 2 : i32
    %mul3A_0 = arith.muli %arg1, %mul3A : i32
    %add3A = arith.addi %mul3A_0, %arg0 : i32
    "tpu.region"() ({
      %run_scoped3A = tpu.sem_alloc : memref<!tpu.dma_semaphore, #tpu.memory_space<semaphore_mem>>
      %dma_start3A_599 = arith.constant 0 : i32
      %dma_start3A_600 = arith.constant 0 : i32
      %dma_start3A_601 = tpu.memref_slice %arg2[%add3A, %dma_start3A_599, %dma_start3A_600] : memref<32x10x128xi32, #tpu.memory_space<hbm>> -> memref<1x10x128xi32, #tpu.memory_space<hbm>>
      %dma_start3A_602 = tpu.memref_squeeze %dma_start3A_601 : memref<1x10x128xi32, #tpu.memory_space<hbm>> -> memref<10x128xi32, #tpu.memory_space<hbm>>
      %dma_start3A_603 = arith.constant 0 : i32
      %dma_start3A_604 = arith.constant 0 : i32
      %dma_start3A_605 = tpu.memref_slice %arg2[%add3A, %dma_start3A_603, %dma_start3A_604] : memref<32x10x128xi32, #tpu.memory_space<hbm>> -> memref<1x10x128xi32, #tpu.memory_space<hbm>>
      %dma_start3A_606 = tpu.memref_squeeze %dma_start3A_605 : memref<1x10x128xi32, #tpu.memory_space<hbm>> -> memref<10x128xi32, #tpu.memory_space<hbm>>
      tpu.enqueue_dma source(%dma_start3A_606 : memref<10x128xi32, #tpu.memory_space<hbm>>) target(%arg9 : memref<10x128xi32, #tpu.memory_space<vmem>>) target_semaphore(%run_scoped3A : memref<!tpu.dma_semaphore, #tpu.memory_space<semaphore_mem>>)
      %dma_wait3A_607 = arith.constant 0 : i32
      %dma_wait3A_608 = arith.constant 0 : i32
      %dma_wait3A_609 = tpu.memref_slice %arg2[%add3A, %dma_wait3A_607, %dma_wait3A_608] : memref<32x10x128xi32, #tpu.memory_space<hbm>> -> memref<1x10x128xi32, #tpu.memory_space<hbm>>
      %dma_wait3A_610 = tpu.memref_squeeze %dma_wait3A_609 : memref<1x10x128xi32, #tpu.memory_space<hbm>> -> memref<10x128xi32, #tpu.memory_space<hbm>>
      %dma_wait3A_611 = arith.constant 0 : i32
      %dma_wait3A_612 = arith.constant 0 : i32
      %dma_wait3A_613 = tpu.memref_slice %arg2[%add3A, %dma_wait3A_611, %dma_wait3A_612] : memref<32x10x128xi32, #tpu.memory_space<hbm>> -> memref<1x10x128xi32, #tpu.memory_space<hbm>>
      %dma_wait3A_614 = tpu.memref_squeeze %dma_wait3A_613 : memref<1x10x128xi32, #tpu.memory_space<hbm>> -> memref<10x128xi32, #tpu.memory_space<hbm>>
      tpu.wait_dma2 semaphore(%run_scoped3A : memref<!tpu.dma_semaphore, #tpu.memory_space<semaphore_mem>>) src(%dma_wait3A_614 : memref<10x128xi32, #tpu.memory_space<hbm>>) dst(%arg9 : memref<10x128xi32, #tpu.memory_space<vmem>>)
      tpu.yield
    }) : () -> ()
    %dma_start3A = arith.constant 0 : i32
    %dma_start3A_1 = arith.constant 0 : i32
    %dma_start3A_2 = arith.constant 0 : i32
    %dma_start3A_3 = tpu.memref_slice %arg10[%dma_start3A_1, %dma_start3A_2] : memref<10x128xf32, #tpu.memory_space<vmem>> -> memref<1x128xf32, #tpu.memory_space<vmem>>
    %dma_start3A_4 = tpu.memref_squeeze %dma_start3A_3 : memref<1x128xf32, #tpu.memory_space<vmem>> -> memref<128xf32, #tpu.memory_space<vmem>>
    %dma_start3A_5 = arith.constant 0 : i32
    %dma_start3A_6 = tpu.memref_slice %arg9[%dma_start3A, %dma_start3A_5] : memref<10x128xi32, #tpu.memory_space<vmem>> -> memref<1x128xi32, #tpu.memory_space<vmem>>
    %dma_start3A_7 = tpu.memref_squeeze %dma_start3A_6 : memref<1x128xi32, #tpu.memory_space<vmem>> -> memref<128xi32, #tpu.memory_space<vmem>>
    %dma_start3A_8 = arith.constant 0 : i32
    %dma_start3A_9 = tpu.memref_slice %arg3[%dma_start3A_8] : memref<2560xf32, #tpu.memory_space<hbm>> -> memref<2560xf32, #tpu.memory_space<hbm>>
    tpu.enqueue_indirect_dma source(%dma_start3A_9 : memref<2560xf32, #tpu.memory_space<hbm>>) target(%dma_start3A_4 : memref<128xf32, #tpu.memory_space<vmem>>) offsets(%dma_start3A_7 : memref<128xi32, #tpu.memory_space<vmem>>) semaphore(%arg13 : memref<!tpu.dma_semaphore, #tpu.memory_space<semaphore_mem>>)
    %dma_start3A_10 = arith.constant 0 : i32
    %dma_start3A_11 = arith.constant 0 : i32
    %dma_start3A_12 = arith.constant 0 : i32
    %dma_start3A_13 = tpu.memref_slice %arg11[%dma_start3A_11, %dma_start3A_12] : memref<10x128xf32, #tpu.memory_space<vmem>> -> memref<1x128xf32, #tpu.memory_space<vmem>>
    %dma_start3A_14 = tpu.memref_squeeze %dma_start3A_13 : memref<1x128xf32, #tpu.memory_space<vmem>> -> memref<128xf32, #tpu.memory_space<vmem>>
    %dma_start3A_15 = arith.constant 0 : i32
    %dma_start3A_16 = tpu.memref_slice %arg9[%dma_start3A_10, %dma_start3A_15] : memref<10x128xi32, #tpu.memory_space<vmem>> -> memref<1x128xi32, #tpu.memory_space<vmem>>
    %dma_start3A_17 = tpu.memref_squeeze %dma_start3A_16 : memref<1x128xi32, #tpu.memory_space<vmem>> -> memref<128xi32, #tpu.memory_space<vmem>>
    %dma_start3A_18 = arith.constant 0 : i32
    %dma_start3A_19 = tpu.memref_slice %arg4[%dma_start3A_18] : memref<2560xf32, #tpu.memory_space<hbm>> -> memref<2560xf32, #tpu.memory_space<hbm>>
    tpu.enqueue_indirect_dma source(%dma_start3A_19 : memref<2560xf32, #tpu.memory_space<hbm>>) target(%dma_start3A_14 : memref<128xf32, #tpu.memory_space<vmem>>) offsets(%dma_start3A_17 : memref<128xi32, #tpu.memory_space<vmem>>) semaphore(%arg13 : memref<!tpu.dma_semaphore, #tpu.memory_space<semaphore_mem>>)
    %dma_start3A_20 = arith.constant 0 : i32
    %dma_start3A_21 = arith.constant 0 : i32
    %dma_start3A_22 = arith.constant 0 : i32
    %dma_start3A_23 = tpu.memref_slice %arg12[%dma_start3A_21, %dma_start3A_22] : memref<10x128xf32, #tpu.memory_space<vmem>> -> memref<1x128xf32, #tpu.memory_space<vmem>>
    %dma_start3A_24 = tpu.memref_squeeze %dma_start3A_23 : memref<1x128xf32, #tpu.memory_space<vmem>> -> memref<128xf32, #tpu.memory_space<vmem>>
    %dma_start3A_25 = arith.constant 0 : i32
    %dma_start3A_26 = tpu.memref_slice %arg9[%dma_start3A_20, %dma_start3A_25] : memref<10x128xi32, #tpu.memory_space<vmem>> -> memref<1x128xi32, #tpu.memory_space<vmem>>
    %dma_start3A_27 = tpu.memref_squeeze %dma_start3A_26 : memref<1x128xi32, #tpu.memory_space<vmem>> -> memref<128xi32, #tpu.memory_space<vmem>>
    %dma_start3A_28 = arith.constant 0 : i32
    %dma_start3A_29 = tpu.memref_slice %arg5[%dma_start3A_28] : memref<2560xf32, #tpu.memory_space<hbm>> -> memref<2560xf32, #tpu.memory_space<hbm>>
    tpu.enqueue_indirect_dma source(%dma_start3A_29 : memref<2560xf32, #tpu.memory_space<hbm>>) target(%dma_start3A_24 : memref<128xf32, #tpu.memory_space<vmem>>) offsets(%dma_start3A_27 : memref<128xi32, #tpu.memory_space<vmem>>) semaphore(%arg13 : memref<!tpu.dma_semaphore, #tpu.memory_space<semaphore_mem>>)
    %dma_start3A_30 = arith.constant 1 : i32
    %dma_start3A_31 = arith.constant 1 : i32
    %dma_start3A_32 = arith.constant 0 : i32
    %dma_start3A_33 = tpu.memref_slice %arg10[%dma_start3A_31, %dma_start3A_32] : memref<10x128xf32, #tpu.memory_space<vmem>> -> memref<1x128xf32, #tpu.memory_space<vmem>>
    %dma_start3A_34 = tpu.memref_squeeze %dma_start3A_33 : memref<1x128xf32, #tpu.memory_space<vmem>> -> memref<128xf32, #tpu.memory_space<vmem>>
    %dma_start3A_35 = arith.constant 0 : i32
    %dma_start3A_36 = tpu.memref_slice %arg9[%dma_start3A_30, %dma_start3A_35] : memref<10x128xi32, #tpu.memory_space<vmem>> -> memref<1x128xi32, #tpu.memory_space<vmem>>
    %dma_start3A_37 = tpu.memref_squeeze %dma_start3A_36 : memref<1x128xi32, #tpu.memory_space<vmem>> -> memref<128xi32, #tpu.memory_space<vmem>>
    %dma_start3A_38 = arith.constant 0 : i32
    %dma_start3A_39 = tpu.memref_slice %arg3[%dma_start3A_38] : memref<2560xf32, #tpu.memory_space<hbm>> -> memref<2560xf32, #tpu.memory_space<hbm>>
    tpu.enqueue_indirect_dma source(%dma_start3A_39 : memref<2560xf32, #tpu.memory_space<hbm>>) target(%dma_start3A_34 : memref<128xf32, #tpu.memory_space<vmem>>) offsets(%dma_start3A_37 : memref<128xi32, #tpu.memory_space<vmem>>) semaphore(%arg13 : memref<!tpu.dma_semaphore, #tpu.memory_space<semaphore_mem>>)
    %dma_start3A_40 = arith.constant 1 : i32
    %dma_start3A_41 = arith.constant 1 : i32
    %dma_start3A_42 = arith.constant 0 : i32
    %dma_start3A_43 = tpu.memref_slice %arg11[%dma_start3A_41, %dma_start3A_42] : memref<10x128xf32, #tpu.memory_space<vmem>> -> memref<1x128xf32, #tpu.memory_space<vmem>>
    %dma_start3A_44 = tpu.memref_squeeze %dma_start3A_43 : memref<1x128xf32, #tpu.memory_space<vmem>> -> memref<128xf32, #tpu.memory_space<vmem>>
    %dma_start3A_45 = arith.constant 0 : i32
    %dma_start3A_46 = tpu.memref_slice %arg9[%dma_start3A_40, %dma_start3A_45] : memref<10x128xi32, #tpu.memory_space<vmem>> -> memref<1x128xi32, #tpu.memory_space<vmem>>
    %dma_start3A_47 = tpu.memref_squeeze %dma_start3A_46 : memref<1x128xi32, #tpu.memory_space<vmem>> -> memref<128xi32, #tpu.memory_space<vmem>>
    %dma_start3A_48 = arith.constant 0 : i32
    %dma_start3A_49 = tpu.memref_slice %arg4[%dma_start3A_48] : memref<2560xf32, #tpu.memory_space<hbm>> -> memref<2560xf32, #tpu.memory_space<hbm>>
    tpu.enqueue_indirect_dma source(%dma_start3A_49 : memref<2560xf32, #tpu.memory_space<hbm>>) target(%dma_start3A_44 : memref<128xf32, #tpu.memory_space<vmem>>) offsets(%dma_start3A_47 : memref<128xi32, #tpu.memory_space<vmem>>) semaphore(%arg13 : memref<!tpu.dma_semaphore, #tpu.memory_space<semaphore_mem>>)
    %dma_start3A_50 = arith.constant 1 : i32
    %dma_start3A_51 = arith.constant 1 : i32
    %dma_start3A_52 = arith.constant 0 : i32
    %dma_start3A_53 = tpu.memref_slice %arg12[%dma_start3A_51, %dma_start3A_52] : memref<10x128xf32, #tpu.memory_space<vmem>> -> memref<1x128xf32, #tpu.memory_space<vmem>>
    %dma_start3A_54 = tpu.memref_squeeze %dma_start3A_53 : memref<1x128xf32, #tpu.memory_space<vmem>> -> memref<128xf32, #tpu.memory_space<vmem>>
    %dma_start3A_55 = arith.constant 0 : i32
    %dma_start3A_56 = tpu.memref_slice %arg9[%dma_start3A_50, %dma_start3A_55] : memref<10x128xi32, #tpu.memory_space<vmem>> -> memref<1x128xi32, #tpu.memory_space<vmem>>
    %dma_start3A_57 = tpu.memref_squeeze %dma_start3A_56 : memref<1x128xi32, #tpu.memory_space<vmem>> -> memref<128xi32, #tpu.memory_space<vmem>>
    %dma_start3A_58 = arith.constant 0 : i32
    %dma_start3A_59 = tpu.memref_slice %arg5[%dma_start3A_58] : memref<2560xf32, #tpu.memory_space<hbm>> -> memref<2560xf32, #tpu.memory_space<hbm>>
    tpu.enqueue_indirect_dma source(%dma_start3A_59 : memref<2560xf32, #tpu.memory_space<hbm>>) target(%dma_start3A_54 : memref<128xf32, #tpu.memory_space<vmem>>) offsets(%dma_start3A_57 : memref<128xi32, #tpu.memory_space<vmem>>) semaphore(%arg13 : memref<!tpu.dma_semaphore, #tpu.memory_space<semaphore_mem>>)
    %dma_start3A_60 = arith.constant 2 : i32
    %dma_start3A_61 = arith.constant 2 : i32
    %dma_start3A_62 = arith.constant 0 : i32
    %dma_start3A_63 = tpu.memref_slice %arg10[%dma_start3A_61, %dma_start3A_62] : memref<10x128xf32, #tpu.memory_space<vmem>> -> memref<1x128xf32, #tpu.memory_space<vmem>>
    %dma_start3A_64 = tpu.memref_squeeze %dma_start3A_63 : memref<1x128xf32, #tpu.memory_space<vmem>> -> memref<128xf32, #tpu.memory_space<vmem>>
    %dma_start3A_65 = arith.constant 0 : i32
    %dma_start3A_66 = tpu.memref_slice %arg9[%dma_start3A_60, %dma_start3A_65] : memref<10x128xi32, #tpu.memory_space<vmem>> -> memref<1x128xi32, #tpu.memory_space<vmem>>
    %dma_start3A_67 = tpu.memref_squeeze %dma_start3A_66 : memref<1x128xi32, #tpu.memory_space<vmem>> -> memref<128xi32, #tpu.memory_space<vmem>>
    %dma_start3A_68 = arith.constant 0 : i32
    %dma_start3A_69 = tpu.memref_slice %arg3[%dma_start3A_68] : memref<2560xf32, #tpu.memory_space<hbm>> -> memref<2560xf32, #tpu.memory_space<hbm>>
    tpu.enqueue_indirect_dma source(%dma_start3A_69 : memref<2560xf32, #tpu.memory_space<hbm>>) target(%dma_start3A_64 : memref<128xf32, #tpu.memory_space<vmem>>) offsets(%dma_start3A_67 : memref<128xi32, #tpu.memory_space<vmem>>) semaphore(%arg13 : memref<!tpu.dma_semaphore, #tpu.memory_space<semaphore_mem>>)
    %dma_start3A_70 = arith.constant 2 : i32
    %dma_start3A_71 = arith.constant 2 : i32
    %dma_start3A_72 = arith.constant 0 : i32
    %dma_start3A_73 = tpu.memref_slice %arg11[%dma_start3A_71, %dma_start3A_72] : memref<10x128xf32, #tpu.memory_space<vmem>> -> memref<1x128xf32, #tpu.memory_space<vmem>>
    %dma_start3A_74 = tpu.memref_squeeze %dma_start3A_73 : memref<1x128xf32, #tpu.memory_space<vmem>> -> memref<128xf32, #tpu.memory_space<vmem>>
    %dma_start3A_75 = arith.constant 0 : i32
    %dma_start3A_76 = tpu.memref_slice %arg9[%dma_start3A_70, %dma_start3A_75] : memref<10x128xi32, #tpu.memory_space<vmem>> -> memref<1x128xi32, #tpu.memory_space<vmem>>
    %dma_start3A_77 = tpu.memref_squeeze %dma_start3A_76 : memref<1x128xi32, #tpu.memory_space<vmem>> -> memref<128xi32, #tpu.memory_space<vmem>>
    %dma_start3A_78 = arith.constant 0 : i32
    %dma_start3A_79 = tpu.memref_slice %arg4[%dma_start3A_78] : memref<2560xf32, #tpu.memory_space<hbm>> -> memref<2560xf32, #tpu.memory_space<hbm>>
    tpu.enqueue_indirect_dma source(%dma_start3A_79 : memref<2560xf32, #tpu.memory_space<hbm>>) target(%dma_start3A_74 : memref<128xf32, #tpu.memory_space<vmem>>) offsets(%dma_start3A_77 : memref<128xi32, #tpu.memory_space<vmem>>) semaphore(%arg13 : memref<!tpu.dma_semaphore, #tpu.memory_space<semaphore_mem>>)
    %dma_start3A_80 = arith.constant 2 : i32
    %dma_start3A_81 = arith.constant 2 : i32
    %dma_start3A_82 = arith.constant 0 : i32
    %dma_start3A_83 = tpu.memref_slice %arg12[%dma_start3A_81, %dma_start3A_82] : memref<10x128xf32, #tpu.memory_space<vmem>> -> memref<1x128xf32, #tpu.memory_space<vmem>>
    %dma_start3A_84 = tpu.memref_squeeze %dma_start3A_83 : memref<1x128xf32, #tpu.memory_space<vmem>> -> memref<128xf32, #tpu.memory_space<vmem>>
    %dma_start3A_85 = arith.constant 0 : i32
    %dma_start3A_86 = tpu.memref_slice %arg9[%dma_start3A_80, %dma_start3A_85] : memref<10x128xi32, #tpu.memory_space<vmem>> -> memref<1x128xi32, #tpu.memory_space<vmem>>
    %dma_start3A_87 = tpu.memref_squeeze %dma_start3A_86 : memref<1x128xi32, #tpu.memory_space<vmem>> -> memref<128xi32, #tpu.memory_space<vmem>>
    %dma_start3A_88 = arith.constant 0 : i32
    %dma_start3A_89 = tpu.memref_slice %arg5[%dma_start3A_88] : memref<2560xf32, #tpu.memory_space<hbm>> -> memref<2560xf32, #tpu.memory_space<hbm>>
    tpu.enqueue_indirect_dma source(%dma_start3A_89 : memref<2560xf32, #tpu.memory_space<hbm>>) target(%dma_start3A_84 : memref<128xf32, #tpu.memory_space<vmem>>) offsets(%dma_start3A_87 : memref<128xi32, #tpu.memory_space<vmem>>) semaphore(%arg13 : memref<!tpu.dma_semaphore, #tpu.memory_space<semaphore_mem>>)
    %dma_start3A_90 = arith.constant 3 : i32
    %dma_start3A_91 = arith.constant 3 : i32
    %dma_start3A_92 = arith.constant 0 : i32
    %dma_start3A_93 = tpu.memref_slice %arg10[%dma_start3A_91, %dma_start3A_92] : memref<10x128xf32, #tpu.memory_space<vmem>> -> memref<1x128xf32, #tpu.memory_space<vmem>>
    %dma_start3A_94 = tpu.memref_squeeze %dma_start3A_93 : memref<1x128xf32, #tpu.memory_space<vmem>> -> memref<128xf32, #tpu.memory_space<vmem>>
    %dma_start3A_95 = arith.constant 0 : i32
    %dma_start3A_96 = tpu.memref_slice %arg9[%dma_start3A_90, %dma_start3A_95] : memref<10x128xi32, #tpu.memory_space<vmem>> -> memref<1x128xi32, #tpu.memory_space<vmem>>
    %dma_start3A_97 = tpu.memref_squeeze %dma_start3A_96 : memref<1x128xi32, #tpu.memory_space<vmem>> -> memref<128xi32, #tpu.memory_space<vmem>>
    %dma_start3A_98 = arith.constant 0 : i32
    %dma_start3A_99 = tpu.memref_slice %arg3[%dma_start3A_98] : memref<2560xf32, #tpu.memory_space<hbm>> -> memref<2560xf32, #tpu.memory_space<hbm>>
    tpu.enqueue_indirect_dma source(%dma_start3A_99 : memref<2560xf32, #tpu.memory_space<hbm>>) target(%dma_start3A_94 : memref<128xf32, #tpu.memory_space<vmem>>) offsets(%dma_start3A_97 : memref<128xi32, #tpu.memory_space<vmem>>) semaphore(%arg13 : memref<!tpu.dma_semaphore, #tpu.memory_space<semaphore_mem>>)
    %dma_start3A_100 = arith.constant 3 : i32
    %dma_start3A_101 = arith.constant 3 : i32
    %dma_start3A_102 = arith.constant 0 : i32
    %dma_start3A_103 = tpu.memref_slice %arg11[%dma_start3A_101, %dma_start3A_102] : memref<10x128xf32, #tpu.memory_space<vmem>> -> memref<1x128xf32, #tpu.memory_space<vmem>>
    %dma_start3A_104 = tpu.memref_squeeze %dma_start3A_103 : memref<1x128xf32, #tpu.memory_space<vmem>> -> memref<128xf32, #tpu.memory_space<vmem>>
    %dma_start3A_105 = arith.constant 0 : i32
    %dma_start3A_106 = tpu.memref_slice %arg9[%dma_start3A_100, %dma_start3A_105] : memref<10x128xi32, #tpu.memory_space<vmem>> -> memref<1x128xi32, #tpu.memory_space<vmem>>
    %dma_start3A_107 = tpu.memref_squeeze %dma_start3A_106 : memref<1x128xi32, #tpu.memory_space<vmem>> -> memref<128xi32, #tpu.memory_space<vmem>>
    %dma_start3A_108 = arith.constant 0 : i32
    %dma_start3A_109 = tpu.memref_slice %arg4[%dma_start3A_108] : memref<2560xf32, #tpu.memory_space<hbm>> -> memref<2560xf32, #tpu.memory_space<hbm>>
    tpu.enqueue_indirect_dma source(%dma_start3A_109 : memref<2560xf32, #tpu.memory_space<hbm>>) target(%dma_start3A_104 : memref<128xf32, #tpu.memory_space<vmem>>) offsets(%dma_start3A_107 : memref<128xi32, #tpu.memory_space<vmem>>) semaphore(%arg13 : memref<!tpu.dma_semaphore, #tpu.memory_space<semaphore_mem>>)
    %dma_start3A_110 = arith.constant 3 : i32
    %dma_start3A_111 = arith.constant 3 : i32
    %dma_start3A_112 = arith.constant 0 : i32
    %dma_start3A_113 = tpu.memref_slice %arg12[%dma_start3A_111, %dma_start3A_112] : memref<10x128xf32, #tpu.memory_space<vmem>> -> memref<1x128xf32, #tpu.memory_space<vmem>>
    %dma_start3A_114 = tpu.memref_squeeze %dma_start3A_113 : memref<1x128xf32, #tpu.memory_space<vmem>> -> memref<128xf32, #tpu.memory_space<vmem>>
    %dma_start3A_115 = arith.constant 0 : i32
    %dma_start3A_116 = tpu.memref_slice %arg9[%dma_start3A_110, %dma_start3A_115] : memref<10x128xi32, #tpu.memory_space<vmem>> -> memref<1x128xi32, #tpu.memory_space<vmem>>
    %dma_start3A_117 = tpu.memref_squeeze %dma_start3A_116 : memref<1x128xi32, #tpu.memory_space<vmem>> -> memref<128xi32, #tpu.memory_space<vmem>>
    %dma_start3A_118 = arith.constant 0 : i32
    %dma_start3A_119 = tpu.memref_slice %arg5[%dma_start3A_118] : memref<2560xf32, #tpu.memory_space<hbm>> -> memref<2560xf32, #tpu.memory_space<hbm>>
    tpu.enqueue_indirect_dma source(%dma_start3A_119 : memref<2560xf32, #tpu.memory_space<hbm>>) target(%dma_start3A_114 : memref<128xf32, #tpu.memory_space<vmem>>) offsets(%dma_start3A_117 : memref<128xi32, #tpu.memory_space<vmem>>) semaphore(%arg13 : memref<!tpu.dma_semaphore, #tpu.memory_space<semaphore_mem>>)
    %dma_start3A_120 = arith.constant 4 : i32
    %dma_start3A_121 = arith.constant 4 : i32
    %dma_start3A_122 = arith.constant 0 : i32
    %dma_start3A_123 = tpu.memref_slice %arg10[%dma_start3A_121, %dma_start3A_122] : memref<10x128xf32, #tpu.memory_space<vmem>> -> memref<1x128xf32, #tpu.memory_space<vmem>>
    %dma_start3A_124 = tpu.memref_squeeze %dma_start3A_123 : memref<1x128xf32, #tpu.memory_space<vmem>> -> memref<128xf32, #tpu.memory_space<vmem>>
    %dma_start3A_125 = arith.constant 0 : i32
    %dma_start3A_126 = tpu.memref_slice %arg9[%dma_start3A_120, %dma_start3A_125] : memref<10x128xi32, #tpu.memory_space<vmem>> -> memref<1x128xi32, #tpu.memory_space<vmem>>
    %dma_start3A_127 = tpu.memref_squeeze %dma_start3A_126 : memref<1x128xi32, #tpu.memory_space<vmem>> -> memref<128xi32, #tpu.memory_space<vmem>>
    %dma_start3A_128 = arith.constant 0 : i32
    %dma_start3A_129 = tpu.memref_slice %arg3[%dma_start3A_128] : memref<2560xf32, #tpu.memory_space<hbm>> -> memref<2560xf32, #tpu.memory_space<hbm>>
    tpu.enqueue_indirect_dma source(%dma_start3A_129 : memref<2560xf32, #tpu.memory_space<hbm>>) target(%dma_start3A_124 : memref<128xf32, #tpu.memory_space<vmem>>) offsets(%dma_start3A_127 : memref<128xi32, #tpu.memory_space<vmem>>) semaphore(%arg13 : memref<!tpu.dma_semaphore, #tpu.memory_space<semaphore_mem>>)
    %dma_start3A_130 = arith.constant 4 : i32
    %dma_start3A_131 = arith.constant 4 : i32
    %dma_start3A_132 = arith.constant 0 : i32
    %dma_start3A_133 = tpu.memref_slice %arg11[%dma_start3A_131, %dma_start3A_132] : memref<10x128xf32, #tpu.memory_space<vmem>> -> memref<1x128xf32, #tpu.memory_space<vmem>>
    %dma_start3A_134 = tpu.memref_squeeze %dma_start3A_133 : memref<1x128xf32, #tpu.memory_space<vmem>> -> memref<128xf32, #tpu.memory_space<vmem>>
    %dma_start3A_135 = arith.constant 0 : i32
    %dma_start3A_136 = tpu.memref_slice %arg9[%dma_start3A_130, %dma_start3A_135] : memref<10x128xi32, #tpu.memory_space<vmem>> -> memref<1x128xi32, #tpu.memory_space<vmem>>
    %dma_start3A_137 = tpu.memref_squeeze %dma_start3A_136 : memref<1x128xi32, #tpu.memory_space<vmem>> -> memref<128xi32, #tpu.memory_space<vmem>>
    %dma_start3A_138 = arith.constant 0 : i32
    %dma_start3A_139 = tpu.memref_slice %arg4[%dma_start3A_138] : memref<2560xf32, #tpu.memory_space<hbm>> -> memref<2560xf32, #tpu.memory_space<hbm>>
    tpu.enqueue_indirect_dma source(%dma_start3A_139 : memref<2560xf32, #tpu.memory_space<hbm>>) target(%dma_start3A_134 : memref<128xf32, #tpu.memory_space<vmem>>) offsets(%dma_start3A_137 : memref<128xi32, #tpu.memory_space<vmem>>) semaphore(%arg13 : memref<!tpu.dma_semaphore, #tpu.memory_space<semaphore_mem>>)
    %dma_start3A_140 = arith.constant 4 : i32
    %dma_start3A_141 = arith.constant 4 : i32
    %dma_start3A_142 = arith.constant 0 : i32
    %dma_start3A_143 = tpu.memref_slice %arg12[%dma_start3A_141, %dma_start3A_142] : memref<10x128xf32, #tpu.memory_space<vmem>> -> memref<1x128xf32, #tpu.memory_space<vmem>>
    %dma_start3A_144 = tpu.memref_squeeze %dma_start3A_143 : memref<1x128xf32, #tpu.memory_space<vmem>> -> memref<128xf32, #tpu.memory_space<vmem>>
    %dma_start3A_145 = arith.constant 0 : i32
    %dma_start3A_146 = tpu.memref_slice %arg9[%dma_start3A_140, %dma_start3A_145] : memref<10x128xi32, #tpu.memory_space<vmem>> -> memref<1x128xi32, #tpu.memory_space<vmem>>
    %dma_start3A_147 = tpu.memref_squeeze %dma_start3A_146 : memref<1x128xi32, #tpu.memory_space<vmem>> -> memref<128xi32, #tpu.memory_space<vmem>>
    %dma_start3A_148 = arith.constant 0 : i32
    %dma_start3A_149 = tpu.memref_slice %arg5[%dma_start3A_148] : memref<2560xf32, #tpu.memory_space<hbm>> -> memref<2560xf32, #tpu.memory_space<hbm>>
    tpu.enqueue_indirect_dma source(%dma_start3A_149 : memref<2560xf32, #tpu.memory_space<hbm>>) target(%dma_start3A_144 : memref<128xf32, #tpu.memory_space<vmem>>) offsets(%dma_start3A_147 : memref<128xi32, #tpu.memory_space<vmem>>) semaphore(%arg13 : memref<!tpu.dma_semaphore, #tpu.memory_space<semaphore_mem>>)
    %dma_start3A_150 = arith.constant 5 : i32
    %dma_start3A_151 = arith.constant 5 : i32
    %dma_start3A_152 = arith.constant 0 : i32
    %dma_start3A_153 = tpu.memref_slice %arg10[%dma_start3A_151, %dma_start3A_152] : memref<10x128xf32, #tpu.memory_space<vmem>> -> memref<1x128xf32, #tpu.memory_space<vmem>>
    %dma_start3A_154 = tpu.memref_squeeze %dma_start3A_153 : memref<1x128xf32, #tpu.memory_space<vmem>> -> memref<128xf32, #tpu.memory_space<vmem>>
    %dma_start3A_155 = arith.constant 0 : i32
    %dma_start3A_156 = tpu.memref_slice %arg9[%dma_start3A_150, %dma_start3A_155] : memref<10x128xi32, #tpu.memory_space<vmem>> -> memref<1x128xi32, #tpu.memory_space<vmem>>
    %dma_start3A_157 = tpu.memref_squeeze %dma_start3A_156 : memref<1x128xi32, #tpu.memory_space<vmem>> -> memref<128xi32, #tpu.memory_space<vmem>>
    %dma_start3A_158 = arith.constant 0 : i32
    %dma_start3A_159 = tpu.memref_slice %arg3[%dma_start3A_158] : memref<2560xf32, #tpu.memory_space<hbm>> -> memref<2560xf32, #tpu.memory_space<hbm>>
    tpu.enqueue_indirect_dma source(%dma_start3A_159 : memref<2560xf32, #tpu.memory_space<hbm>>) target(%dma_start3A_154 : memref<128xf32, #tpu.memory_space<vmem>>) offsets(%dma_start3A_157 : memref<128xi32, #tpu.memory_space<vmem>>) semaphore(%arg13 : memref<!tpu.dma_semaphore, #tpu.memory_space<semaphore_mem>>)
    %dma_start3A_160 = arith.constant 5 : i32
    %dma_start3A_161 = arith.constant 5 : i32
    %dma_start3A_162 = arith.constant 0 : i32
    %dma_start3A_163 = tpu.memref_slice %arg11[%dma_start3A_161, %dma_start3A_162] : memref<10x128xf32, #tpu.memory_space<vmem>> -> memref<1x128xf32, #tpu.memory_space<vmem>>
    %dma_start3A_164 = tpu.memref_squeeze %dma_start3A_163 : memref<1x128xf32, #tpu.memory_space<vmem>> -> memref<128xf32, #tpu.memory_space<vmem>>
    %dma_start3A_165 = arith.constant 0 : i32
    %dma_start3A_166 = tpu.memref_slice %arg9[%dma_start3A_160, %dma_start3A_165] : memref<10x128xi32, #tpu.memory_space<vmem>> -> memref<1x128xi32, #tpu.memory_space<vmem>>
    %dma_start3A_167 = tpu.memref_squeeze %dma_start3A_166 : memref<1x128xi32, #tpu.memory_space<vmem>> -> memref<128xi32, #tpu.memory_space<vmem>>
    %dma_start3A_168 = arith.constant 0 : i32
    %dma_start3A_169 = tpu.memref_slice %arg4[%dma_start3A_168] : memref<2560xf32, #tpu.memory_space<hbm>> -> memref<2560xf32, #tpu.memory_space<hbm>>
    tpu.enqueue_indirect_dma source(%dma_start3A_169 : memref<2560xf32, #tpu.memory_space<hbm>>) target(%dma_start3A_164 : memref<128xf32, #tpu.memory_space<vmem>>) offsets(%dma_start3A_167 : memref<128xi32, #tpu.memory_space<vmem>>) semaphore(%arg13 : memref<!tpu.dma_semaphore, #tpu.memory_space<semaphore_mem>>)
    %dma_start3A_170 = arith.constant 5 : i32
    %dma_start3A_171 = arith.constant 5 : i32
    %dma_start3A_172 = arith.constant 0 : i32
    %dma_start3A_173 = tpu.memref_slice %arg12[%dma_start3A_171, %dma_start3A_172] : memref<10x128xf32, #tpu.memory_space<vmem>> -> memref<1x128xf32, #tpu.memory_space<vmem>>
    %dma_start3A_174 = tpu.memref_squeeze %dma_start3A_173 : memref<1x128xf32, #tpu.memory_space<vmem>> -> memref<128xf32, #tpu.memory_space<vmem>>
    %dma_start3A_175 = arith.constant 0 : i32
    %dma_start3A_176 = tpu.memref_slice %arg9[%dma_start3A_170, %dma_start3A_175] : memref<10x128xi32, #tpu.memory_space<vmem>> -> memref<1x128xi32, #tpu.memory_space<vmem>>
    %dma_start3A_177 = tpu.memref_squeeze %dma_start3A_176 : memref<1x128xi32, #tpu.memory_space<vmem>> -> memref<128xi32, #tpu.memory_space<vmem>>
    %dma_start3A_178 = arith.constant 0 : i32
    %dma_start3A_179 = tpu.memref_slice %arg5[%dma_start3A_178] : memref<2560xf32, #tpu.memory_space<hbm>> -> memref<2560xf32, #tpu.memory_space<hbm>>
    tpu.enqueue_indirect_dma source(%dma_start3A_179 : memref<2560xf32, #tpu.memory_space<hbm>>) target(%dma_start3A_174 : memref<128xf32, #tpu.memory_space<vmem>>) offsets(%dma_start3A_177 : memref<128xi32, #tpu.memory_space<vmem>>) semaphore(%arg13 : memref<!tpu.dma_semaphore, #tpu.memory_space<semaphore_mem>>)
    %dma_start3A_180 = arith.constant 6 : i32
    %dma_start3A_181 = arith.constant 6 : i32
    %dma_start3A_182 = arith.constant 0 : i32
    %dma_start3A_183 = tpu.memref_slice %arg10[%dma_start3A_181, %dma_start3A_182] : memref<10x128xf32, #tpu.memory_space<vmem>> -> memref<1x128xf32, #tpu.memory_space<vmem>>
    %dma_start3A_184 = tpu.memref_squeeze %dma_start3A_183 : memref<1x128xf32, #tpu.memory_space<vmem>> -> memref<128xf32, #tpu.memory_space<vmem>>
    %dma_start3A_185 = arith.constant 0 : i32
    %dma_start3A_186 = tpu.memref_slice %arg9[%dma_start3A_180, %dma_start3A_185] : memref<10x128xi32, #tpu.memory_space<vmem>> -> memref<1x128xi32, #tpu.memory_space<vmem>>
    %dma_start3A_187 = tpu.memref_squeeze %dma_start3A_186 : memref<1x128xi32, #tpu.memory_space<vmem>> -> memref<128xi32, #tpu.memory_space<vmem>>
    %dma_start3A_188 = arith.constant 0 : i32
    %dma_start3A_189 = tpu.memref_slice %arg3[%dma_start3A_188] : memref<2560xf32, #tpu.memory_space<hbm>> -> memref<2560xf32, #tpu.memory_space<hbm>>
    tpu.enqueue_indirect_dma source(%dma_start3A_189 : memref<2560xf32, #tpu.memory_space<hbm>>) target(%dma_start3A_184 : memref<128xf32, #tpu.memory_space<vmem>>) offsets(%dma_start3A_187 : memref<128xi32, #tpu.memory_space<vmem>>) semaphore(%arg13 : memref<!tpu.dma_semaphore, #tpu.memory_space<semaphore_mem>>)
    %dma_start3A_190 = arith.constant 6 : i32
    %dma_start3A_191 = arith.constant 6 : i32
    %dma_start3A_192 = arith.constant 0 : i32
    %dma_start3A_193 = tpu.memref_slice %arg11[%dma_start3A_191, %dma_start3A_192] : memref<10x128xf32, #tpu.memory_space<vmem>> -> memref<1x128xf32, #tpu.memory_space<vmem>>
    %dma_start3A_194 = tpu.memref_squeeze %dma_start3A_193 : memref<1x128xf32, #tpu.memory_space<vmem>> -> memref<128xf32, #tpu.memory_space<vmem>>
    %dma_start3A_195 = arith.constant 0 : i32
    %dma_start3A_196 = tpu.memref_slice %arg9[%dma_start3A_190, %dma_start3A_195] : memref<10x128xi32, #tpu.memory_space<vmem>> -> memref<1x128xi32, #tpu.memory_space<vmem>>
    %dma_start3A_197 = tpu.memref_squeeze %dma_start3A_196 : memref<1x128xi32, #tpu.memory_space<vmem>> -> memref<128xi32, #tpu.memory_space<vmem>>
    %dma_start3A_198 = arith.constant 0 : i32
    %dma_start3A_199 = tpu.memref_slice %arg4[%dma_start3A_198] : memref<2560xf32, #tpu.memory_space<hbm>> -> memref<2560xf32, #tpu.memory_space<hbm>>
    tpu.enqueue_indirect_dma source(%dma_start3A_199 : memref<2560xf32, #tpu.memory_space<hbm>>) target(%dma_start3A_194 : memref<128xf32, #tpu.memory_space<vmem>>) offsets(%dma_start3A_197 : memref<128xi32, #tpu.memory_space<vmem>>) semaphore(%arg13 : memref<!tpu.dma_semaphore, #tpu.memory_space<semaphore_mem>>)
    %dma_start3A_200 = arith.constant 6 : i32
    %dma_start3A_201 = arith.constant 6 : i32
    %dma_start3A_202 = arith.constant 0 : i32
    %dma_start3A_203 = tpu.memref_slice %arg12[%dma_start3A_201, %dma_start3A_202] : memref<10x128xf32, #tpu.memory_space<vmem>> -> memref<1x128xf32, #tpu.memory_space<vmem>>
    %dma_start3A_204 = tpu.memref_squeeze %dma_start3A_203 : memref<1x128xf32, #tpu.memory_space<vmem>> -> memref<128xf32, #tpu.memory_space<vmem>>
    %dma_start3A_205 = arith.constant 0 : i32
    %dma_start3A_206 = tpu.memref_slice %arg9[%dma_start3A_200, %dma_start3A_205] : memref<10x128xi32, #tpu.memory_space<vmem>> -> memref<1x128xi32, #tpu.memory_space<vmem>>
    %dma_start3A_207 = tpu.memref_squeeze %dma_start3A_206 : memref<1x128xi32, #tpu.memory_space<vmem>> -> memref<128xi32, #tpu.memory_space<vmem>>
    %dma_start3A_208 = arith.constant 0 : i32
    %dma_start3A_209 = tpu.memref_slice %arg5[%dma_start3A_208] : memref<2560xf32, #tpu.memory_space<hbm>> -> memref<2560xf32, #tpu.memory_space<hbm>>
    tpu.enqueue_indirect_dma source(%dma_start3A_209 : memref<2560xf32, #tpu.memory_space<hbm>>) target(%dma_start3A_204 : memref<128xf32, #tpu.memory_space<vmem>>) offsets(%dma_start3A_207 : memref<128xi32, #tpu.memory_space<vmem>>) semaphore(%arg13 : memref<!tpu.dma_semaphore, #tpu.memory_space<semaphore_mem>>)
    %dma_start3A_210 = arith.constant 7 : i32
    %dma_start3A_211 = arith.constant 7 : i32
    %dma_start3A_212 = arith.constant 0 : i32
    %dma_start3A_213 = tpu.memref_slice %arg10[%dma_start3A_211, %dma_start3A_212] : memref<10x128xf32, #tpu.memory_space<vmem>> -> memref<1x128xf32, #tpu.memory_space<vmem>>
    %dma_start3A_214 = tpu.memref_squeeze %dma_start3A_213 : memref<1x128xf32, #tpu.memory_space<vmem>> -> memref<128xf32, #tpu.memory_space<vmem>>
    %dma_start3A_215 = arith.constant 0 : i32
    %dma_start3A_216 = tpu.memref_slice %arg9[%dma_start3A_210, %dma_start3A_215] : memref<10x128xi32, #tpu.memory_space<vmem>> -> memref<1x128xi32, #tpu.memory_space<vmem>>
    %dma_start3A_217 = tpu.memref_squeeze %dma_start3A_216 : memref<1x128xi32, #tpu.memory_space<vmem>> -> memref<128xi32, #tpu.memory_space<vmem>>
    %dma_start3A_218 = arith.constant 0 : i32
    %dma_start3A_219 = tpu.memref_slice %arg3[%dma_start3A_218] : memref<2560xf32, #tpu.memory_space<hbm>> -> memref<2560xf32, #tpu.memory_space<hbm>>
    tpu.enqueue_indirect_dma source(%dma_start3A_219 : memref<2560xf32, #tpu.memory_space<hbm>>) target(%dma_start3A_214 : memref<128xf32, #tpu.memory_space<vmem>>) offsets(%dma_start3A_217 : memref<128xi32, #tpu.memory_space<vmem>>) semaphore(%arg13 : memref<!tpu.dma_semaphore, #tpu.memory_space<semaphore_mem>>)
    %dma_start3A_220 = arith.constant 7 : i32
    %dma_start3A_221 = arith.constant 7 : i32
    %dma_start3A_222 = arith.constant 0 : i32
    %dma_start3A_223 = tpu.memref_slice %arg11[%dma_start3A_221, %dma_start3A_222] : memref<10x128xf32, #tpu.memory_space<vmem>> -> memref<1x128xf32, #tpu.memory_space<vmem>>
    %dma_start3A_224 = tpu.memref_squeeze %dma_start3A_223 : memref<1x128xf32, #tpu.memory_space<vmem>> -> memref<128xf32, #tpu.memory_space<vmem>>
    %dma_start3A_225 = arith.constant 0 : i32
    %dma_start3A_226 = tpu.memref_slice %arg9[%dma_start3A_220, %dma_start3A_225] : memref<10x128xi32, #tpu.memory_space<vmem>> -> memref<1x128xi32, #tpu.memory_space<vmem>>
    %dma_start3A_227 = tpu.memref_squeeze %dma_start3A_226 : memref<1x128xi32, #tpu.memory_space<vmem>> -> memref<128xi32, #tpu.memory_space<vmem>>
    %dma_start3A_228 = arith.constant 0 : i32
    %dma_start3A_229 = tpu.memref_slice %arg4[%dma_start3A_228] : memref<2560xf32, #tpu.memory_space<hbm>> -> memref<2560xf32, #tpu.memory_space<hbm>>
    tpu.enqueue_indirect_dma source(%dma_start3A_229 : memref<2560xf32, #tpu.memory_space<hbm>>) target(%dma_start3A_224 : memref<128xf32, #tpu.memory_space<vmem>>) offsets(%dma_start3A_227 : memref<128xi32, #tpu.memory_space<vmem>>) semaphore(%arg13 : memref<!tpu.dma_semaphore, #tpu.memory_space<semaphore_mem>>)
    %dma_start3A_230 = arith.constant 7 : i32
    %dma_start3A_231 = arith.constant 7 : i32
    %dma_start3A_232 = arith.constant 0 : i32
    %dma_start3A_233 = tpu.memref_slice %arg12[%dma_start3A_231, %dma_start3A_232] : memref<10x128xf32, #tpu.memory_space<vmem>> -> memref<1x128xf32, #tpu.memory_space<vmem>>
    %dma_start3A_234 = tpu.memref_squeeze %dma_start3A_233 : memref<1x128xf32, #tpu.memory_space<vmem>> -> memref<128xf32, #tpu.memory_space<vmem>>
    %dma_start3A_235 = arith.constant 0 : i32
    %dma_start3A_236 = tpu.memref_slice %arg9[%dma_start3A_230, %dma_start3A_235] : memref<10x128xi32, #tpu.memory_space<vmem>> -> memref<1x128xi32, #tpu.memory_space<vmem>>
    %dma_start3A_237 = tpu.memref_squeeze %dma_start3A_236 : memref<1x128xi32, #tpu.memory_space<vmem>> -> memref<128xi32, #tpu.memory_space<vmem>>
    %dma_start3A_238 = arith.constant 0 : i32
    %dma_start3A_239 = tpu.memref_slice %arg5[%dma_start3A_238] : memref<2560xf32, #tpu.memory_space<hbm>> -> memref<2560xf32, #tpu.memory_space<hbm>>
    tpu.enqueue_indirect_dma source(%dma_start3A_239 : memref<2560xf32, #tpu.memory_space<hbm>>) target(%dma_start3A_234 : memref<128xf32, #tpu.memory_space<vmem>>) offsets(%dma_start3A_237 : memref<128xi32, #tpu.memory_space<vmem>>) semaphore(%arg13 : memref<!tpu.dma_semaphore, #tpu.memory_space<semaphore_mem>>)
    %dma_start3A_240 = arith.constant 8 : i32
    %dma_start3A_241 = arith.constant 8 : i32
    %dma_start3A_242 = arith.constant 0 : i32
    %dma_start3A_243 = tpu.memref_slice %arg10[%dma_start3A_241, %dma_start3A_242] : memref<10x128xf32, #tpu.memory_space<vmem>> -> memref<1x128xf32, #tpu.memory_space<vmem>>
    %dma_start3A_244 = tpu.memref_squeeze %dma_start3A_243 : memref<1x128xf32, #tpu.memory_space<vmem>> -> memref<128xf32, #tpu.memory_space<vmem>>
    %dma_start3A_245 = arith.constant 0 : i32
    %dma_start3A_246 = tpu.memref_slice %arg9[%dma_start3A_240, %dma_start3A_245] : memref<10x128xi32, #tpu.memory_space<vmem>> -> memref<1x128xi32, #tpu.memory_space<vmem>>
    %dma_start3A_247 = tpu.memref_squeeze %dma_start3A_246 : memref<1x128xi32, #tpu.memory_space<vmem>> -> memref<128xi32, #tpu.memory_space<vmem>>
    %dma_start3A_248 = arith.constant 0 : i32
    %dma_start3A_249 = tpu.memref_slice %arg3[%dma_start3A_248] : memref<2560xf32, #tpu.memory_space<hbm>> -> memref<2560xf32, #tpu.memory_space<hbm>>
    tpu.enqueue_indirect_dma source(%dma_start3A_249 : memref<2560xf32, #tpu.memory_space<hbm>>) target(%dma_start3A_244 : memref<128xf32, #tpu.memory_space<vmem>>) offsets(%dma_start3A_247 : memref<128xi32, #tpu.memory_space<vmem>>) semaphore(%arg13 : memref<!tpu.dma_semaphore, #tpu.memory_space<semaphore_mem>>)
    %dma_start3A_250 = arith.constant 8 : i32
    %dma_start3A_251 = arith.constant 8 : i32
    %dma_start3A_252 = arith.constant 0 : i32
    %dma_start3A_253 = tpu.memref_slice %arg11[%dma_start3A_251, %dma_start3A_252] : memref<10x128xf32, #tpu.memory_space<vmem>> -> memref<1x128xf32, #tpu.memory_space<vmem>>
    %dma_start3A_254 = tpu.memref_squeeze %dma_start3A_253 : memref<1x128xf32, #tpu.memory_space<vmem>> -> memref<128xf32, #tpu.memory_space<vmem>>
    %dma_start3A_255 = arith.constant 0 : i32
    %dma_start3A_256 = tpu.memref_slice %arg9[%dma_start3A_250, %dma_start3A_255] : memref<10x128xi32, #tpu.memory_space<vmem>> -> memref<1x128xi32, #tpu.memory_space<vmem>>
    %dma_start3A_257 = tpu.memref_squeeze %dma_start3A_256 : memref<1x128xi32, #tpu.memory_space<vmem>> -> memref<128xi32, #tpu.memory_space<vmem>>
    %dma_start3A_258 = arith.constant 0 : i32
    %dma_start3A_259 = tpu.memref_slice %arg4[%dma_start3A_258] : memref<2560xf32, #tpu.memory_space<hbm>> -> memref<2560xf32, #tpu.memory_space<hbm>>
    tpu.enqueue_indirect_dma source(%dma_start3A_259 : memref<2560xf32, #tpu.memory_space<hbm>>) target(%dma_start3A_254 : memref<128xf32, #tpu.memory_space<vmem>>) offsets(%dma_start3A_257 : memref<128xi32, #tpu.memory_space<vmem>>) semaphore(%arg13 : memref<!tpu.dma_semaphore, #tpu.memory_space<semaphore_mem>>)
    %dma_start3A_260 = arith.constant 8 : i32
    %dma_start3A_261 = arith.constant 8 : i32
    %dma_start3A_262 = arith.constant 0 : i32
    %dma_start3A_263 = tpu.memref_slice %arg12[%dma_start3A_261, %dma_start3A_262] : memref<10x128xf32, #tpu.memory_space<vmem>> -> memref<1x128xf32, #tpu.memory_space<vmem>>
    %dma_start3A_264 = tpu.memref_squeeze %dma_start3A_263 : memref<1x128xf32, #tpu.memory_space<vmem>> -> memref<128xf32, #tpu.memory_space<vmem>>
    %dma_start3A_265 = arith.constant 0 : i32
    %dma_start3A_266 = tpu.memref_slice %arg9[%dma_start3A_260, %dma_start3A_265] : memref<10x128xi32, #tpu.memory_space<vmem>> -> memref<1x128xi32, #tpu.memory_space<vmem>>
    %dma_start3A_267 = tpu.memref_squeeze %dma_start3A_266 : memref<1x128xi32, #tpu.memory_space<vmem>> -> memref<128xi32, #tpu.memory_space<vmem>>
    %dma_start3A_268 = arith.constant 0 : i32
    %dma_start3A_269 = tpu.memref_slice %arg5[%dma_start3A_268] : memref<2560xf32, #tpu.memory_space<hbm>> -> memref<2560xf32, #tpu.memory_space<hbm>>
    tpu.enqueue_indirect_dma source(%dma_start3A_269 : memref<2560xf32, #tpu.memory_space<hbm>>) target(%dma_start3A_264 : memref<128xf32, #tpu.memory_space<vmem>>) offsets(%dma_start3A_267 : memref<128xi32, #tpu.memory_space<vmem>>) semaphore(%arg13 : memref<!tpu.dma_semaphore, #tpu.memory_space<semaphore_mem>>)
    %dma_start3A_270 = arith.constant 9 : i32
    %dma_start3A_271 = arith.constant 9 : i32
    %dma_start3A_272 = arith.constant 0 : i32
    %dma_start3A_273 = tpu.memref_slice %arg10[%dma_start3A_271, %dma_start3A_272] : memref<10x128xf32, #tpu.memory_space<vmem>> -> memref<1x128xf32, #tpu.memory_space<vmem>>
    %dma_start3A_274 = tpu.memref_squeeze %dma_start3A_273 : memref<1x128xf32, #tpu.memory_space<vmem>> -> memref<128xf32, #tpu.memory_space<vmem>>
    %dma_start3A_275 = arith.constant 0 : i32
    %dma_start3A_276 = tpu.memref_slice %arg9[%dma_start3A_270, %dma_start3A_275] : memref<10x128xi32, #tpu.memory_space<vmem>> -> memref<1x128xi32, #tpu.memory_space<vmem>>
    %dma_start3A_277 = tpu.memref_squeeze %dma_start3A_276 : memref<1x128xi32, #tpu.memory_space<vmem>> -> memref<128xi32, #tpu.memory_space<vmem>>
    %dma_start3A_278 = arith.constant 0 : i32
    %dma_start3A_279 = tpu.memref_slice %arg3[%dma_start3A_278] : memref<2560xf32, #tpu.memory_space<hbm>> -> memref<2560xf32, #tpu.memory_space<hbm>>
    tpu.enqueue_indirect_dma source(%dma_start3A_279 : memref<2560xf32, #tpu.memory_space<hbm>>) target(%dma_start3A_274 : memref<128xf32, #tpu.memory_space<vmem>>) offsets(%dma_start3A_277 : memref<128xi32, #tpu.memory_space<vmem>>) semaphore(%arg13 : memref<!tpu.dma_semaphore, #tpu.memory_space<semaphore_mem>>)
    %dma_start3A_280 = arith.constant 9 : i32
    %dma_start3A_281 = arith.constant 9 : i32
    %dma_start3A_282 = arith.constant 0 : i32
    %dma_start3A_283 = tpu.memref_slice %arg11[%dma_start3A_281, %dma_start3A_282] : memref<10x128xf32, #tpu.memory_space<vmem>> -> memref<1x128xf32, #tpu.memory_space<vmem>>
    %dma_start3A_284 = tpu.memref_squeeze %dma_start3A_283 : memref<1x128xf32, #tpu.memory_space<vmem>> -> memref<128xf32, #tpu.memory_space<vmem>>
    %dma_start3A_285 = arith.constant 0 : i32
    %dma_start3A_286 = tpu.memref_slice %arg9[%dma_start3A_280, %dma_start3A_285] : memref<10x128xi32, #tpu.memory_space<vmem>> -> memref<1x128xi32, #tpu.memory_space<vmem>>
    %dma_start3A_287 = tpu.memref_squeeze %dma_start3A_286 : memref<1x128xi32, #tpu.memory_space<vmem>> -> memref<128xi32, #tpu.memory_space<vmem>>
    %dma_start3A_288 = arith.constant 0 : i32
    %dma_start3A_289 = tpu.memref_slice %arg4[%dma_start3A_288] : memref<2560xf32, #tpu.memory_space<hbm>> -> memref<2560xf32, #tpu.memory_space<hbm>>
    tpu.enqueue_indirect_dma source(%dma_start3A_289 : memref<2560xf32, #tpu.memory_space<hbm>>) target(%dma_start3A_284 : memref<128xf32, #tpu.memory_space<vmem>>) offsets(%dma_start3A_287 : memref<128xi32, #tpu.memory_space<vmem>>) semaphore(%arg13 : memref<!tpu.dma_semaphore, #tpu.memory_space<semaphore_mem>>)
    %dma_start3A_290 = arith.constant 9 : i32
    %dma_start3A_291 = arith.constant 9 : i32
    %dma_start3A_292 = arith.constant 0 : i32
    %dma_start3A_293 = tpu.memref_slice %arg12[%dma_start3A_291, %dma_start3A_292] : memref<10x128xf32, #tpu.memory_space<vmem>> -> memref<1x128xf32, #tpu.memory_space<vmem>>
    %dma_start3A_294 = tpu.memref_squeeze %dma_start3A_293 : memref<1x128xf32, #tpu.memory_space<vmem>> -> memref<128xf32, #tpu.memory_space<vmem>>
    %dma_start3A_295 = arith.constant 0 : i32
    %dma_start3A_296 = tpu.memref_slice %arg9[%dma_start3A_290, %dma_start3A_295] : memref<10x128xi32, #tpu.memory_space<vmem>> -> memref<1x128xi32, #tpu.memory_space<vmem>>
    %dma_start3A_297 = tpu.memref_squeeze %dma_start3A_296 : memref<1x128xi32, #tpu.memory_space<vmem>> -> memref<128xi32, #tpu.memory_space<vmem>>
    %dma_start3A_298 = arith.constant 0 : i32
    %dma_start3A_299 = tpu.memref_slice %arg5[%dma_start3A_298] : memref<2560xf32, #tpu.memory_space<hbm>> -> memref<2560xf32, #tpu.memory_space<hbm>>
    tpu.enqueue_indirect_dma source(%dma_start3A_299 : memref<2560xf32, #tpu.memory_space<hbm>>) target(%dma_start3A_294 : memref<128xf32, #tpu.memory_space<vmem>>) offsets(%dma_start3A_297 : memref<128xi32, #tpu.memory_space<vmem>>) semaphore(%arg13 : memref<!tpu.dma_semaphore, #tpu.memory_space<semaphore_mem>>)
    %dma_wait3A = arith.constant 0 : i32
    %dma_wait3A_300 = arith.constant 0 : i32
    %dma_wait3A_301 = arith.constant 0 : i32
    %dma_wait3A_302 = tpu.memref_slice %arg10[%dma_wait3A_300, %dma_wait3A_301] : memref<10x128xf32, #tpu.memory_space<vmem>> -> memref<1x128xf32, #tpu.memory_space<vmem>>
    %dma_wait3A_303 = tpu.memref_squeeze %dma_wait3A_302 : memref<1x128xf32, #tpu.memory_space<vmem>> -> memref<128xf32, #tpu.memory_space<vmem>>
    %dma_wait3A_304 = arith.constant 0 : i32
    %dma_wait3A_305 = tpu.memref_slice %arg9[%dma_wait3A, %dma_wait3A_304] : memref<10x128xi32, #tpu.memory_space<vmem>> -> memref<1x128xi32, #tpu.memory_space<vmem>>
    %dma_wait3A_306 = tpu.memref_squeeze %dma_wait3A_305 : memref<1x128xi32, #tpu.memory_space<vmem>> -> memref<128xi32, #tpu.memory_space<vmem>>
    %dma_wait3A_307 = arith.constant 0 : i32
    %dma_wait3A_308 = tpu.memref_slice %arg3[%dma_wait3A_307] : memref<2560xf32, #tpu.memory_space<hbm>> -> memref<2560xf32, #tpu.memory_space<hbm>>
    tpu.wait_indirect_dma semaphore(%arg13 : memref<!tpu.dma_semaphore, #tpu.memory_space<semaphore_mem>>) src(%dma_wait3A_308 : memref<2560xf32, #tpu.memory_space<hbm>>) dst(%dma_wait3A_303 : memref<128xf32, #tpu.memory_space<vmem>>)
    %dma_wait3A_309 = arith.constant 0 : i32
    %dma_wait3A_310 = arith.constant 0 : i32
    %dma_wait3A_311 = arith.constant 0 : i32
    %dma_wait3A_312 = tpu.memref_slice %arg11[%dma_wait3A_310, %dma_wait3A_311] : memref<10x128xf32, #tpu.memory_space<vmem>> -> memref<1x128xf32, #tpu.memory_space<vmem>>
    %dma_wait3A_313 = tpu.memref_squeeze %dma_wait3A_312 : memref<1x128xf32, #tpu.memory_space<vmem>> -> memref<128xf32, #tpu.memory_space<vmem>>
    %dma_wait3A_314 = arith.constant 0 : i32
    %dma_wait3A_315 = tpu.memref_slice %arg9[%dma_wait3A_309, %dma_wait3A_314] : memref<10x128xi32, #tpu.memory_space<vmem>> -> memref<1x128xi32, #tpu.memory_space<vmem>>
    %dma_wait3A_316 = tpu.memref_squeeze %dma_wait3A_315 : memref<1x128xi32, #tpu.memory_space<vmem>> -> memref<128xi32, #tpu.memory_space<vmem>>
    %dma_wait3A_317 = arith.constant 0 : i32
    %dma_wait3A_318 = tpu.memref_slice %arg4[%dma_wait3A_317] : memref<2560xf32, #tpu.memory_space<hbm>> -> memref<2560xf32, #tpu.memory_space<hbm>>
    tpu.wait_indirect_dma semaphore(%arg13 : memref<!tpu.dma_semaphore, #tpu.memory_space<semaphore_mem>>) src(%dma_wait3A_318 : memref<2560xf32, #tpu.memory_space<hbm>>) dst(%dma_wait3A_313 : memref<128xf32, #tpu.memory_space<vmem>>)
    %dma_wait3A_319 = arith.constant 0 : i32
    %dma_wait3A_320 = arith.constant 0 : i32
    %dma_wait3A_321 = arith.constant 0 : i32
    %dma_wait3A_322 = tpu.memref_slice %arg12[%dma_wait3A_320, %dma_wait3A_321] : memref<10x128xf32, #tpu.memory_space<vmem>> -> memref<1x128xf32, #tpu.memory_space<vmem>>
    %dma_wait3A_323 = tpu.memref_squeeze %dma_wait3A_322 : memref<1x128xf32, #tpu.memory_space<vmem>> -> memref<128xf32, #tpu.memory_space<vmem>>
    %dma_wait3A_324 = arith.constant 0 : i32
    %dma_wait3A_325 = tpu.memref_slice %arg9[%dma_wait3A_319, %dma_wait3A_324] : memref<10x128xi32, #tpu.memory_space<vmem>> -> memref<1x128xi32, #tpu.memory_space<vmem>>
    %dma_wait3A_326 = tpu.memref_squeeze %dma_wait3A_325 : memref<1x128xi32, #tpu.memory_space<vmem>> -> memref<128xi32, #tpu.memory_space<vmem>>
    %dma_wait3A_327 = arith.constant 0 : i32
    %dma_wait3A_328 = tpu.memref_slice %arg5[%dma_wait3A_327] : memref<2560xf32, #tpu.memory_space<hbm>> -> memref<2560xf32, #tpu.memory_space<hbm>>
    tpu.wait_indirect_dma semaphore(%arg13 : memref<!tpu.dma_semaphore, #tpu.memory_space<semaphore_mem>>) src(%dma_wait3A_328 : memref<2560xf32, #tpu.memory_space<hbm>>) dst(%dma_wait3A_323 : memref<128xf32, #tpu.memory_space<vmem>>)
    %dma_wait3A_329 = arith.constant 1 : i32
    %dma_wait3A_330 = arith.constant 1 : i32
    %dma_wait3A_331 = arith.constant 0 : i32
    %dma_wait3A_332 = tpu.memref_slice %arg10[%dma_wait3A_330, %dma_wait3A_331] : memref<10x128xf32, #tpu.memory_space<vmem>> -> memref<1x128xf32, #tpu.memory_space<vmem>>
    %dma_wait3A_333 = tpu.memref_squeeze %dma_wait3A_332 : memref<1x128xf32, #tpu.memory_space<vmem>> -> memref<128xf32, #tpu.memory_space<vmem>>
    %dma_wait3A_334 = arith.constant 0 : i32
    %dma_wait3A_335 = tpu.memref_slice %arg9[%dma_wait3A_329, %dma_wait3A_334] : memref<10x128xi32, #tpu.memory_space<vmem>> -> memref<1x128xi32, #tpu.memory_space<vmem>>
    %dma_wait3A_336 = tpu.memref_squeeze %dma_wait3A_335 : memref<1x128xi32, #tpu.memory_space<vmem>> -> memref<128xi32, #tpu.memory_space<vmem>>
    %dma_wait3A_337 = arith.constant 0 : i32
    %dma_wait3A_338 = tpu.memref_slice %arg3[%dma_wait3A_337] : memref<2560xf32, #tpu.memory_space<hbm>> -> memref<2560xf32, #tpu.memory_space<hbm>>
    tpu.wait_indirect_dma semaphore(%arg13 : memref<!tpu.dma_semaphore, #tpu.memory_space<semaphore_mem>>) src(%dma_wait3A_338 : memref<2560xf32, #tpu.memory_space<hbm>>) dst(%dma_wait3A_333 : memref<128xf32, #tpu.memory_space<vmem>>)
    %dma_wait3A_339 = arith.constant 1 : i32
    %dma_wait3A_340 = arith.constant 1 : i32
    %dma_wait3A_341 = arith.constant 0 : i32
    %dma_wait3A_342 = tpu.memref_slice %arg11[%dma_wait3A_340, %dma_wait3A_341] : memref<10x128xf32, #tpu.memory_space<vmem>> -> memref<1x128xf32, #tpu.memory_space<vmem>>
    %dma_wait3A_343 = tpu.memref_squeeze %dma_wait3A_342 : memref<1x128xf32, #tpu.memory_space<vmem>> -> memref<128xf32, #tpu.memory_space<vmem>>
    %dma_wait3A_344 = arith.constant 0 : i32
    %dma_wait3A_345 = tpu.memref_slice %arg9[%dma_wait3A_339, %dma_wait3A_344] : memref<10x128xi32, #tpu.memory_space<vmem>> -> memref<1x128xi32, #tpu.memory_space<vmem>>
    %dma_wait3A_346 = tpu.memref_squeeze %dma_wait3A_345 : memref<1x128xi32, #tpu.memory_space<vmem>> -> memref<128xi32, #tpu.memory_space<vmem>>
    %dma_wait3A_347 = arith.constant 0 : i32
    %dma_wait3A_348 = tpu.memref_slice %arg4[%dma_wait3A_347] : memref<2560xf32, #tpu.memory_space<hbm>> -> memref<2560xf32, #tpu.memory_space<hbm>>
    tpu.wait_indirect_dma semaphore(%arg13 : memref<!tpu.dma_semaphore, #tpu.memory_space<semaphore_mem>>) src(%dma_wait3A_348 : memref<2560xf32, #tpu.memory_space<hbm>>) dst(%dma_wait3A_343 : memref<128xf32, #tpu.memory_space<vmem>>)
    %dma_wait3A_349 = arith.constant 1 : i32
    %dma_wait3A_350 = arith.constant 1 : i32
    %dma_wait3A_351 = arith.constant 0 : i32
    %dma_wait3A_352 = tpu.memref_slice %arg12[%dma_wait3A_350, %dma_wait3A_351] : memref<10x128xf32, #tpu.memory_space<vmem>> -> memref<1x128xf32, #tpu.memory_space<vmem>>
    %dma_wait3A_353 = tpu.memref_squeeze %dma_wait3A_352 : memref<1x128xf32, #tpu.memory_space<vmem>> -> memref<128xf32, #tpu.memory_space<vmem>>
    %dma_wait3A_354 = arith.constant 0 : i32
    %dma_wait3A_355 = tpu.memref_slice %arg9[%dma_wait3A_349, %dma_wait3A_354] : memref<10x128xi32, #tpu.memory_space<vmem>> -> memref<1x128xi32, #tpu.memory_space<vmem>>
    %dma_wait3A_356 = tpu.memref_squeeze %dma_wait3A_355 : memref<1x128xi32, #tpu.memory_space<vmem>> -> memref<128xi32, #tpu.memory_space<vmem>>
    %dma_wait3A_357 = arith.constant 0 : i32
    %dma_wait3A_358 = tpu.memref_slice %arg5[%dma_wait3A_357] : memref<2560xf32, #tpu.memory_space<hbm>> -> memref<2560xf32, #tpu.memory_space<hbm>>
    tpu.wait_indirect_dma semaphore(%arg13 : memref<!tpu.dma_semaphore, #tpu.memory_space<semaphore_mem>>) src(%dma_wait3A_358 : memref<2560xf32, #tpu.memory_space<hbm>>) dst(%dma_wait3A_353 : memref<128xf32, #tpu.memory_space<vmem>>)
    %dma_wait3A_359 = arith.constant 2 : i32
    %dma_wait3A_360 = arith.constant 2 : i32
    %dma_wait3A_361 = arith.constant 0 : i32
    %dma_wait3A_362 = tpu.memref_slice %arg10[%dma_wait3A_360, %dma_wait3A_361] : memref<10x128xf32, #tpu.memory_space<vmem>> -> memref<1x128xf32, #tpu.memory_space<vmem>>
    %dma_wait3A_363 = tpu.memref_squeeze %dma_wait3A_362 : memref<1x128xf32, #tpu.memory_space<vmem>> -> memref<128xf32, #tpu.memory_space<vmem>>
    %dma_wait3A_364 = arith.constant 0 : i32
    %dma_wait3A_365 = tpu.memref_slice %arg9[%dma_wait3A_359, %dma_wait3A_364] : memref<10x128xi32, #tpu.memory_space<vmem>> -> memref<1x128xi32, #tpu.memory_space<vmem>>
    %dma_wait3A_366 = tpu.memref_squeeze %dma_wait3A_365 : memref<1x128xi32, #tpu.memory_space<vmem>> -> memref<128xi32, #tpu.memory_space<vmem>>
    %dma_wait3A_367 = arith.constant 0 : i32
    %dma_wait3A_368 = tpu.memref_slice %arg3[%dma_wait3A_367] : memref<2560xf32, #tpu.memory_space<hbm>> -> memref<2560xf32, #tpu.memory_space<hbm>>
    tpu.wait_indirect_dma semaphore(%arg13 : memref<!tpu.dma_semaphore, #tpu.memory_space<semaphore_mem>>) src(%dma_wait3A_368 : memref<2560xf32, #tpu.memory_space<hbm>>) dst(%dma_wait3A_363 : memref<128xf32, #tpu.memory_space<vmem>>)
    %dma_wait3A_369 = arith.constant 2 : i32
    %dma_wait3A_370 = arith.constant 2 : i32
    %dma_wait3A_371 = arith.constant 0 : i32
    %dma_wait3A_372 = tpu.memref_slice %arg11[%dma_wait3A_370, %dma_wait3A_371] : memref<10x128xf32, #tpu.memory_space<vmem>> -> memref<1x128xf32, #tpu.memory_space<vmem>>
    %dma_wait3A_373 = tpu.memref_squeeze %dma_wait3A_372 : memref<1x128xf32, #tpu.memory_space<vmem>> -> memref<128xf32, #tpu.memory_space<vmem>>
    %dma_wait3A_374 = arith.constant 0 : i32
    %dma_wait3A_375 = tpu.memref_slice %arg9[%dma_wait3A_369, %dma_wait3A_374] : memref<10x128xi32, #tpu.memory_space<vmem>> -> memref<1x128xi32, #tpu.memory_space<vmem>>
    %dma_wait3A_376 = tpu.memref_squeeze %dma_wait3A_375 : memref<1x128xi32, #tpu.memory_space<vmem>> -> memref<128xi32, #tpu.memory_space<vmem>>
    %dma_wait3A_377 = arith.constant 0 : i32
    %dma_wait3A_378 = tpu.memref_slice %arg4[%dma_wait3A_377] : memref<2560xf32, #tpu.memory_space<hbm>> -> memref<2560xf32, #tpu.memory_space<hbm>>
    tpu.wait_indirect_dma semaphore(%arg13 : memref<!tpu.dma_semaphore, #tpu.memory_space<semaphore_mem>>) src(%dma_wait3A_378 : memref<2560xf32, #tpu.memory_space<hbm>>) dst(%dma_wait3A_373 : memref<128xf32, #tpu.memory_space<vmem>>)
    %dma_wait3A_379 = arith.constant 2 : i32
    %dma_wait3A_380 = arith.constant 2 : i32
    %dma_wait3A_381 = arith.constant 0 : i32
    %dma_wait3A_382 = tpu.memref_slice %arg12[%dma_wait3A_380, %dma_wait3A_381] : memref<10x128xf32, #tpu.memory_space<vmem>> -> memref<1x128xf32, #tpu.memory_space<vmem>>
    %dma_wait3A_383 = tpu.memref_squeeze %dma_wait3A_382 : memref<1x128xf32, #tpu.memory_space<vmem>> -> memref<128xf32, #tpu.memory_space<vmem>>
    %dma_wait3A_384 = arith.constant 0 : i32
    %dma_wait3A_385 = tpu.memref_slice %arg9[%dma_wait3A_379, %dma_wait3A_384] : memref<10x128xi32, #tpu.memory_space<vmem>> -> memref<1x128xi32, #tpu.memory_space<vmem>>
    %dma_wait3A_386 = tpu.memref_squeeze %dma_wait3A_385 : memref<1x128xi32, #tpu.memory_space<vmem>> -> memref<128xi32, #tpu.memory_space<vmem>>
    %dma_wait3A_387 = arith.constant 0 : i32
    %dma_wait3A_388 = tpu.memref_slice %arg5[%dma_wait3A_387] : memref<2560xf32, #tpu.memory_space<hbm>> -> memref<2560xf32, #tpu.memory_space<hbm>>
    tpu.wait_indirect_dma semaphore(%arg13 : memref<!tpu.dma_semaphore, #tpu.memory_space<semaphore_mem>>) src(%dma_wait3A_388 : memref<2560xf32, #tpu.memory_space<hbm>>) dst(%dma_wait3A_383 : memref<128xf32, #tpu.memory_space<vmem>>)
    %dma_wait3A_389 = arith.constant 3 : i32
    %dma_wait3A_390 = arith.constant 3 : i32
    %dma_wait3A_391 = arith.constant 0 : i32
    %dma_wait3A_392 = tpu.memref_slice %arg10[%dma_wait3A_390, %dma_wait3A_391] : memref<10x128xf32, #tpu.memory_space<vmem>> -> memref<1x128xf32, #tpu.memory_space<vmem>>
    %dma_wait3A_393 = tpu.memref_squeeze %dma_wait3A_392 : memref<1x128xf32, #tpu.memory_space<vmem>> -> memref<128xf32, #tpu.memory_space<vmem>>
    %dma_wait3A_394 = arith.constant 0 : i32
    %dma_wait3A_395 = tpu.memref_slice %arg9[%dma_wait3A_389, %dma_wait3A_394] : memref<10x128xi32, #tpu.memory_space<vmem>> -> memref<1x128xi32, #tpu.memory_space<vmem>>
    %dma_wait3A_396 = tpu.memref_squeeze %dma_wait3A_395 : memref<1x128xi32, #tpu.memory_space<vmem>> -> memref<128xi32, #tpu.memory_space<vmem>>
    %dma_wait3A_397 = arith.constant 0 : i32
    %dma_wait3A_398 = tpu.memref_slice %arg3[%dma_wait3A_397] : memref<2560xf32, #tpu.memory_space<hbm>> -> memref<2560xf32, #tpu.memory_space<hbm>>
    tpu.wait_indirect_dma semaphore(%arg13 : memref<!tpu.dma_semaphore, #tpu.memory_space<semaphore_mem>>) src(%dma_wait3A_398 : memref<2560xf32, #tpu.memory_space<hbm>>) dst(%dma_wait3A_393 : memref<128xf32, #tpu.memory_space<vmem>>)
    %dma_wait3A_399 = arith.constant 3 : i32
    %dma_wait3A_400 = arith.constant 3 : i32
    %dma_wait3A_401 = arith.constant 0 : i32
    %dma_wait3A_402 = tpu.memref_slice %arg11[%dma_wait3A_400, %dma_wait3A_401] : memref<10x128xf32, #tpu.memory_space<vmem>> -> memref<1x128xf32, #tpu.memory_space<vmem>>
    %dma_wait3A_403 = tpu.memref_squeeze %dma_wait3A_402 : memref<1x128xf32, #tpu.memory_space<vmem>> -> memref<128xf32, #tpu.memory_space<vmem>>
    %dma_wait3A_404 = arith.constant 0 : i32
    %dma_wait3A_405 = tpu.memref_slice %arg9[%dma_wait3A_399, %dma_wait3A_404] : memref<10x128xi32, #tpu.memory_space<vmem>> -> memref<1x128xi32, #tpu.memory_space<vmem>>
    %dma_wait3A_406 = tpu.memref_squeeze %dma_wait3A_405 : memref<1x128xi32, #tpu.memory_space<vmem>> -> memref<128xi32, #tpu.memory_space<vmem>>
    %dma_wait3A_407 = arith.constant 0 : i32
    %dma_wait3A_408 = tpu.memref_slice %arg4[%dma_wait3A_407] : memref<2560xf32, #tpu.memory_space<hbm>> -> memref<2560xf32, #tpu.memory_space<hbm>>
    tpu.wait_indirect_dma semaphore(%arg13 : memref<!tpu.dma_semaphore, #tpu.memory_space<semaphore_mem>>) src(%dma_wait3A_408 : memref<2560xf32, #tpu.memory_space<hbm>>) dst(%dma_wait3A_403 : memref<128xf32, #tpu.memory_space<vmem>>)
    %dma_wait3A_409 = arith.constant 3 : i32
    %dma_wait3A_410 = arith.constant 3 : i32
    %dma_wait3A_411 = arith.constant 0 : i32
    %dma_wait3A_412 = tpu.memref_slice %arg12[%dma_wait3A_410, %dma_wait3A_411] : memref<10x128xf32, #tpu.memory_space<vmem>> -> memref<1x128xf32, #tpu.memory_space<vmem>>
    %dma_wait3A_413 = tpu.memref_squeeze %dma_wait3A_412 : memref<1x128xf32, #tpu.memory_space<vmem>> -> memref<128xf32, #tpu.memory_space<vmem>>
    %dma_wait3A_414 = arith.constant 0 : i32
    %dma_wait3A_415 = tpu.memref_slice %arg9[%dma_wait3A_409, %dma_wait3A_414] : memref<10x128xi32, #tpu.memory_space<vmem>> -> memref<1x128xi32, #tpu.memory_space<vmem>>
    %dma_wait3A_416 = tpu.memref_squeeze %dma_wait3A_415 : memref<1x128xi32, #tpu.memory_space<vmem>> -> memref<128xi32, #tpu.memory_space<vmem>>
    %dma_wait3A_417 = arith.constant 0 : i32
    %dma_wait3A_418 = tpu.memref_slice %arg5[%dma_wait3A_417] : memref<2560xf32, #tpu.memory_space<hbm>> -> memref<2560xf32, #tpu.memory_space<hbm>>
    tpu.wait_indirect_dma semaphore(%arg13 : memref<!tpu.dma_semaphore, #tpu.memory_space<semaphore_mem>>) src(%dma_wait3A_418 : memref<2560xf32, #tpu.memory_space<hbm>>) dst(%dma_wait3A_413 : memref<128xf32, #tpu.memory_space<vmem>>)
    %dma_wait3A_419 = arith.constant 4 : i32
    %dma_wait3A_420 = arith.constant 4 : i32
    %dma_wait3A_421 = arith.constant 0 : i32
    %dma_wait3A_422 = tpu.memref_slice %arg10[%dma_wait3A_420, %dma_wait3A_421] : memref<10x128xf32, #tpu.memory_space<vmem>> -> memref<1x128xf32, #tpu.memory_space<vmem>>
    %dma_wait3A_423 = tpu.memref_squeeze %dma_wait3A_422 : memref<1x128xf32, #tpu.memory_space<vmem>> -> memref<128xf32, #tpu.memory_space<vmem>>
    %dma_wait3A_424 = arith.constant 0 : i32
    %dma_wait3A_425 = tpu.memref_slice %arg9[%dma_wait3A_419, %dma_wait3A_424] : memref<10x128xi32, #tpu.memory_space<vmem>> -> memref<1x128xi32, #tpu.memory_space<vmem>>
    %dma_wait3A_426 = tpu.memref_squeeze %dma_wait3A_425 : memref<1x128xi32, #tpu.memory_space<vmem>> -> memref<128xi32, #tpu.memory_space<vmem>>
    %dma_wait3A_427 = arith.constant 0 : i32
    %dma_wait3A_428 = tpu.memref_slice %arg3[%dma_wait3A_427] : memref<2560xf32, #tpu.memory_space<hbm>> -> memref<2560xf32, #tpu.memory_space<hbm>>
    tpu.wait_indirect_dma semaphore(%arg13 : memref<!tpu.dma_semaphore, #tpu.memory_space<semaphore_mem>>) src(%dma_wait3A_428 : memref<2560xf32, #tpu.memory_space<hbm>>) dst(%dma_wait3A_423 : memref<128xf32, #tpu.memory_space<vmem>>)
    %dma_wait3A_429 = arith.constant 4 : i32
    %dma_wait3A_430 = arith.constant 4 : i32
    %dma_wait3A_431 = arith.constant 0 : i32
    %dma_wait3A_432 = tpu.memref_slice %arg11[%dma_wait3A_430, %dma_wait3A_431] : memref<10x128xf32, #tpu.memory_space<vmem>> -> memref<1x128xf32, #tpu.memory_space<vmem>>
    %dma_wait3A_433 = tpu.memref_squeeze %dma_wait3A_432 : memref<1x128xf32, #tpu.memory_space<vmem>> -> memref<128xf32, #tpu.memory_space<vmem>>
    %dma_wait3A_434 = arith.constant 0 : i32
    %dma_wait3A_435 = tpu.memref_slice %arg9[%dma_wait3A_429, %dma_wait3A_434] : memref<10x128xi32, #tpu.memory_space<vmem>> -> memref<1x128xi32, #tpu.memory_space<vmem>>
    %dma_wait3A_436 = tpu.memref_squeeze %dma_wait3A_435 : memref<1x128xi32, #tpu.memory_space<vmem>> -> memref<128xi32, #tpu.memory_space<vmem>>
    %dma_wait3A_437 = arith.constant 0 : i32
    %dma_wait3A_438 = tpu.memref_slice %arg4[%dma_wait3A_437] : memref<2560xf32, #tpu.memory_space<hbm>> -> memref<2560xf32, #tpu.memory_space<hbm>>
    tpu.wait_indirect_dma semaphore(%arg13 : memref<!tpu.dma_semaphore, #tpu.memory_space<semaphore_mem>>) src(%dma_wait3A_438 : memref<2560xf32, #tpu.memory_space<hbm>>) dst(%dma_wait3A_433 : memref<128xf32, #tpu.memory_space<vmem>>)
    %dma_wait3A_439 = arith.constant 4 : i32
    %dma_wait3A_440 = arith.constant 4 : i32
    %dma_wait3A_441 = arith.constant 0 : i32
    %dma_wait3A_442 = tpu.memref_slice %arg12[%dma_wait3A_440, %dma_wait3A_441] : memref<10x128xf32, #tpu.memory_space<vmem>> -> memref<1x128xf32, #tpu.memory_space<vmem>>
    %dma_wait3A_443 = tpu.memref_squeeze %dma_wait3A_442 : memref<1x128xf32, #tpu.memory_space<vmem>> -> memref<128xf32, #tpu.memory_space<vmem>>
    %dma_wait3A_444 = arith.constant 0 : i32
    %dma_wait3A_445 = tpu.memref_slice %arg9[%dma_wait3A_439, %dma_wait3A_444] : memref<10x128xi32, #tpu.memory_space<vmem>> -> memref<1x128xi32, #tpu.memory_space<vmem>>
    %dma_wait3A_446 = tpu.memref_squeeze %dma_wait3A_445 : memref<1x128xi32, #tpu.memory_space<vmem>> -> memref<128xi32, #tpu.memory_space<vmem>>
    %dma_wait3A_447 = arith.constant 0 : i32
    %dma_wait3A_448 = tpu.memref_slice %arg5[%dma_wait3A_447] : memref<2560xf32, #tpu.memory_space<hbm>> -> memref<2560xf32, #tpu.memory_space<hbm>>
    tpu.wait_indirect_dma semaphore(%arg13 : memref<!tpu.dma_semaphore, #tpu.memory_space<semaphore_mem>>) src(%dma_wait3A_448 : memref<2560xf32, #tpu.memory_space<hbm>>) dst(%dma_wait3A_443 : memref<128xf32, #tpu.memory_space<vmem>>)
    %dma_wait3A_449 = arith.constant 5 : i32
    %dma_wait3A_450 = arith.constant 5 : i32
    %dma_wait3A_451 = arith.constant 0 : i32
    %dma_wait3A_452 = tpu.memref_slice %arg10[%dma_wait3A_450, %dma_wait3A_451] : memref<10x128xf32, #tpu.memory_space<vmem>> -> memref<1x128xf32, #tpu.memory_space<vmem>>
    %dma_wait3A_453 = tpu.memref_squeeze %dma_wait3A_452 : memref<1x128xf32, #tpu.memory_space<vmem>> -> memref<128xf32, #tpu.memory_space<vmem>>
    %dma_wait3A_454 = arith.constant 0 : i32
    %dma_wait3A_455 = tpu.memref_slice %arg9[%dma_wait3A_449, %dma_wait3A_454] : memref<10x128xi32, #tpu.memory_space<vmem>> -> memref<1x128xi32, #tpu.memory_space<vmem>>
    %dma_wait3A_456 = tpu.memref_squeeze %dma_wait3A_455 : memref<1x128xi32, #tpu.memory_space<vmem>> -> memref<128xi32, #tpu.memory_space<vmem>>
    %dma_wait3A_457 = arith.constant 0 : i32
    %dma_wait3A_458 = tpu.memref_slice %arg3[%dma_wait3A_457] : memref<2560xf32, #tpu.memory_space<hbm>> -> memref<2560xf32, #tpu.memory_space<hbm>>
    tpu.wait_indirect_dma semaphore(%arg13 : memref<!tpu.dma_semaphore, #tpu.memory_space<semaphore_mem>>) src(%dma_wait3A_458 : memref<2560xf32, #tpu.memory_space<hbm>>) dst(%dma_wait3A_453 : memref<128xf32, #tpu.memory_space<vmem>>)
    %dma_wait3A_459 = arith.constant 5 : i32
    %dma_wait3A_460 = arith.constant 5 : i32
    %dma_wait3A_461 = arith.constant 0 : i32
    %dma_wait3A_462 = tpu.memref_slice %arg11[%dma_wait3A_460, %dma_wait3A_461] : memref<10x128xf32, #tpu.memory_space<vmem>> -> memref<1x128xf32, #tpu.memory_space<vmem>>
    %dma_wait3A_463 = tpu.memref_squeeze %dma_wait3A_462 : memref<1x128xf32, #tpu.memory_space<vmem>> -> memref<128xf32, #tpu.memory_space<vmem>>
    %dma_wait3A_464 = arith.constant 0 : i32
    %dma_wait3A_465 = tpu.memref_slice %arg9[%dma_wait3A_459, %dma_wait3A_464] : memref<10x128xi32, #tpu.memory_space<vmem>> -> memref<1x128xi32, #tpu.memory_space<vmem>>
    %dma_wait3A_466 = tpu.memref_squeeze %dma_wait3A_465 : memref<1x128xi32, #tpu.memory_space<vmem>> -> memref<128xi32, #tpu.memory_space<vmem>>
    %dma_wait3A_467 = arith.constant 0 : i32
    %dma_wait3A_468 = tpu.memref_slice %arg4[%dma_wait3A_467] : memref<2560xf32, #tpu.memory_space<hbm>> -> memref<2560xf32, #tpu.memory_space<hbm>>
    tpu.wait_indirect_dma semaphore(%arg13 : memref<!tpu.dma_semaphore, #tpu.memory_space<semaphore_mem>>) src(%dma_wait3A_468 : memref<2560xf32, #tpu.memory_space<hbm>>) dst(%dma_wait3A_463 : memref<128xf32, #tpu.memory_space<vmem>>)
    %dma_wait3A_469 = arith.constant 5 : i32
    %dma_wait3A_470 = arith.constant 5 : i32
    %dma_wait3A_471 = arith.constant 0 : i32
    %dma_wait3A_472 = tpu.memref_slice %arg12[%dma_wait3A_470, %dma_wait3A_471] : memref<10x128xf32, #tpu.memory_space<vmem>> -> memref<1x128xf32, #tpu.memory_space<vmem>>
    %dma_wait3A_473 = tpu.memref_squeeze %dma_wait3A_472 : memref<1x128xf32, #tpu.memory_space<vmem>> -> memref<128xf32, #tpu.memory_space<vmem>>
    %dma_wait3A_474 = arith.constant 0 : i32
    %dma_wait3A_475 = tpu.memref_slice %arg9[%dma_wait3A_469, %dma_wait3A_474] : memref<10x128xi32, #tpu.memory_space<vmem>> -> memref<1x128xi32, #tpu.memory_space<vmem>>
    %dma_wait3A_476 = tpu.memref_squeeze %dma_wait3A_475 : memref<1x128xi32, #tpu.memory_space<vmem>> -> memref<128xi32, #tpu.memory_space<vmem>>
    %dma_wait3A_477 = arith.constant 0 : i32
    %dma_wait3A_478 = tpu.memref_slice %arg5[%dma_wait3A_477] : memref<2560xf32, #tpu.memory_space<hbm>> -> memref<2560xf32, #tpu.memory_space<hbm>>
    tpu.wait_indirect_dma semaphore(%arg13 : memref<!tpu.dma_semaphore, #tpu.memory_space<semaphore_mem>>) src(%dma_wait3A_478 : memref<2560xf32, #tpu.memory_space<hbm>>) dst(%dma_wait3A_473 : memref<128xf32, #tpu.memory_space<vmem>>)
    %dma_wait3A_479 = arith.constant 6 : i32
    %dma_wait3A_480 = arith.constant 6 : i32
    %dma_wait3A_481 = arith.constant 0 : i32
    %dma_wait3A_482 = tpu.memref_slice %arg10[%dma_wait3A_480, %dma_wait3A_481] : memref<10x128xf32, #tpu.memory_space<vmem>> -> memref<1x128xf32, #tpu.memory_space<vmem>>
    %dma_wait3A_483 = tpu.memref_squeeze %dma_wait3A_482 : memref<1x128xf32, #tpu.memory_space<vmem>> -> memref<128xf32, #tpu.memory_space<vmem>>
    %dma_wait3A_484 = arith.constant 0 : i32
    %dma_wait3A_485 = tpu.memref_slice %arg9[%dma_wait3A_479, %dma_wait3A_484] : memref<10x128xi32, #tpu.memory_space<vmem>> -> memref<1x128xi32, #tpu.memory_space<vmem>>
    %dma_wait3A_486 = tpu.memref_squeeze %dma_wait3A_485 : memref<1x128xi32, #tpu.memory_space<vmem>> -> memref<128xi32, #tpu.memory_space<vmem>>
    %dma_wait3A_487 = arith.constant 0 : i32
    %dma_wait3A_488 = tpu.memref_slice %arg3[%dma_wait3A_487] : memref<2560xf32, #tpu.memory_space<hbm>> -> memref<2560xf32, #tpu.memory_space<hbm>>
    tpu.wait_indirect_dma semaphore(%arg13 : memref<!tpu.dma_semaphore, #tpu.memory_space<semaphore_mem>>) src(%dma_wait3A_488 : memref<2560xf32, #tpu.memory_space<hbm>>) dst(%dma_wait3A_483 : memref<128xf32, #tpu.memory_space<vmem>>)
    %dma_wait3A_489 = arith.constant 6 : i32
    %dma_wait3A_490 = arith.constant 6 : i32
    %dma_wait3A_491 = arith.constant 0 : i32
    %dma_wait3A_492 = tpu.memref_slice %arg11[%dma_wait3A_490, %dma_wait3A_491] : memref<10x128xf32, #tpu.memory_space<vmem>> -> memref<1x128xf32, #tpu.memory_space<vmem>>
    %dma_wait3A_493 = tpu.memref_squeeze %dma_wait3A_492 : memref<1x128xf32, #tpu.memory_space<vmem>> -> memref<128xf32, #tpu.memory_space<vmem>>
    %dma_wait3A_494 = arith.constant 0 : i32
    %dma_wait3A_495 = tpu.memref_slice %arg9[%dma_wait3A_489, %dma_wait3A_494] : memref<10x128xi32, #tpu.memory_space<vmem>> -> memref<1x128xi32, #tpu.memory_space<vmem>>
    %dma_wait3A_496 = tpu.memref_squeeze %dma_wait3A_495 : memref<1x128xi32, #tpu.memory_space<vmem>> -> memref<128xi32, #tpu.memory_space<vmem>>
    %dma_wait3A_497 = arith.constant 0 : i32
    %dma_wait3A_498 = tpu.memref_slice %arg4[%dma_wait3A_497] : memref<2560xf32, #tpu.memory_space<hbm>> -> memref<2560xf32, #tpu.memory_space<hbm>>
    tpu.wait_indirect_dma semaphore(%arg13 : memref<!tpu.dma_semaphore, #tpu.memory_space<semaphore_mem>>) src(%dma_wait3A_498 : memref<2560xf32, #tpu.memory_space<hbm>>) dst(%dma_wait3A_493 : memref<128xf32, #tpu.memory_space<vmem>>)
    %dma_wait3A_499 = arith.constant 6 : i32
    %dma_wait3A_500 = arith.constant 6 : i32
    %dma_wait3A_501 = arith.constant 0 : i32
    %dma_wait3A_502 = tpu.memref_slice %arg12[%dma_wait3A_500, %dma_wait3A_501] : memref<10x128xf32, #tpu.memory_space<vmem>> -> memref<1x128xf32, #tpu.memory_space<vmem>>
    %dma_wait3A_503 = tpu.memref_squeeze %dma_wait3A_502 : memref<1x128xf32, #tpu.memory_space<vmem>> -> memref<128xf32, #tpu.memory_space<vmem>>
    %dma_wait3A_504 = arith.constant 0 : i32
    %dma_wait3A_505 = tpu.memref_slice %arg9[%dma_wait3A_499, %dma_wait3A_504] : memref<10x128xi32, #tpu.memory_space<vmem>> -> memref<1x128xi32, #tpu.memory_space<vmem>>
    %dma_wait3A_506 = tpu.memref_squeeze %dma_wait3A_505 : memref<1x128xi32, #tpu.memory_space<vmem>> -> memref<128xi32, #tpu.memory_space<vmem>>
    %dma_wait3A_507 = arith.constant 0 : i32
    %dma_wait3A_508 = tpu.memref_slice %arg5[%dma_wait3A_507] : memref<2560xf32, #tpu.memory_space<hbm>> -> memref<2560xf32, #tpu.memory_space<hbm>>
    tpu.wait_indirect_dma semaphore(%arg13 : memref<!tpu.dma_semaphore, #tpu.memory_space<semaphore_mem>>) src(%dma_wait3A_508 : memref<2560xf32, #tpu.memory_space<hbm>>) dst(%dma_wait3A_503 : memref<128xf32, #tpu.memory_space<vmem>>)
    %dma_wait3A_509 = arith.constant 7 : i32
    %dma_wait3A_510 = arith.constant 7 : i32
    %dma_wait3A_511 = arith.constant 0 : i32
    %dma_wait3A_512 = tpu.memref_slice %arg10[%dma_wait3A_510, %dma_wait3A_511] : memref<10x128xf32, #tpu.memory_space<vmem>> -> memref<1x128xf32, #tpu.memory_space<vmem>>
    %dma_wait3A_513 = tpu.memref_squeeze %dma_wait3A_512 : memref<1x128xf32, #tpu.memory_space<vmem>> -> memref<128xf32, #tpu.memory_space<vmem>>
    %dma_wait3A_514 = arith.constant 0 : i32
    %dma_wait3A_515 = tpu.memref_slice %arg9[%dma_wait3A_509, %dma_wait3A_514] : memref<10x128xi32, #tpu.memory_space<vmem>> -> memref<1x128xi32, #tpu.memory_space<vmem>>
    %dma_wait3A_516 = tpu.memref_squeeze %dma_wait3A_515 : memref<1x128xi32, #tpu.memory_space<vmem>> -> memref<128xi32, #tpu.memory_space<vmem>>
    %dma_wait3A_517 = arith.constant 0 : i32
    %dma_wait3A_518 = tpu.memref_slice %arg3[%dma_wait3A_517] : memref<2560xf32, #tpu.memory_space<hbm>> -> memref<2560xf32, #tpu.memory_space<hbm>>
    tpu.wait_indirect_dma semaphore(%arg13 : memref<!tpu.dma_semaphore, #tpu.memory_space<semaphore_mem>>) src(%dma_wait3A_518 : memref<2560xf32, #tpu.memory_space<hbm>>) dst(%dma_wait3A_513 : memref<128xf32, #tpu.memory_space<vmem>>)
    %dma_wait3A_519 = arith.constant 7 : i32
    %dma_wait3A_520 = arith.constant 7 : i32
    %dma_wait3A_521 = arith.constant 0 : i32
    %dma_wait3A_522 = tpu.memref_slice %arg11[%dma_wait3A_520, %dma_wait3A_521] : memref<10x128xf32, #tpu.memory_space<vmem>> -> memref<1x128xf32, #tpu.memory_space<vmem>>
    %dma_wait3A_523 = tpu.memref_squeeze %dma_wait3A_522 : memref<1x128xf32, #tpu.memory_space<vmem>> -> memref<128xf32, #tpu.memory_space<vmem>>
    %dma_wait3A_524 = arith.constant 0 : i32
    %dma_wait3A_525 = tpu.memref_slice %arg9[%dma_wait3A_519, %dma_wait3A_524] : memref<10x128xi32, #tpu.memory_space<vmem>> -> memref<1x128xi32, #tpu.memory_space<vmem>>
    %dma_wait3A_526 = tpu.memref_squeeze %dma_wait3A_525 : memref<1x128xi32, #tpu.memory_space<vmem>> -> memref<128xi32, #tpu.memory_space<vmem>>
    %dma_wait3A_527 = arith.constant 0 : i32
    %dma_wait3A_528 = tpu.memref_slice %arg4[%dma_wait3A_527] : memref<2560xf32, #tpu.memory_space<hbm>> -> memref<2560xf32, #tpu.memory_space<hbm>>
    tpu.wait_indirect_dma semaphore(%arg13 : memref<!tpu.dma_semaphore, #tpu.memory_space<semaphore_mem>>) src(%dma_wait3A_528 : memref<2560xf32, #tpu.memory_space<hbm>>) dst(%dma_wait3A_523 : memref<128xf32, #tpu.memory_space<vmem>>)
    %dma_wait3A_529 = arith.constant 7 : i32
    %dma_wait3A_530 = arith.constant 7 : i32
    %dma_wait3A_531 = arith.constant 0 : i32
    %dma_wait3A_532 = tpu.memref_slice %arg12[%dma_wait3A_530, %dma_wait3A_531] : memref<10x128xf32, #tpu.memory_space<vmem>> -> memref<1x128xf32, #tpu.memory_space<vmem>>
    %dma_wait3A_533 = tpu.memref_squeeze %dma_wait3A_532 : memref<1x128xf32, #tpu.memory_space<vmem>> -> memref<128xf32, #tpu.memory_space<vmem>>
    %dma_wait3A_534 = arith.constant 0 : i32
    %dma_wait3A_535 = tpu.memref_slice %arg9[%dma_wait3A_529, %dma_wait3A_534] : memref<10x128xi32, #tpu.memory_space<vmem>> -> memref<1x128xi32, #tpu.memory_space<vmem>>
    %dma_wait3A_536 = tpu.memref_squeeze %dma_wait3A_535 : memref<1x128xi32, #tpu.memory_space<vmem>> -> memref<128xi32, #tpu.memory_space<vmem>>
    %dma_wait3A_537 = arith.constant 0 : i32
    %dma_wait3A_538 = tpu.memref_slice %arg5[%dma_wait3A_537] : memref<2560xf32, #tpu.memory_space<hbm>> -> memref<2560xf32, #tpu.memory_space<hbm>>
    tpu.wait_indirect_dma semaphore(%arg13 : memref<!tpu.dma_semaphore, #tpu.memory_space<semaphore_mem>>) src(%dma_wait3A_538 : memref<2560xf32, #tpu.memory_space<hbm>>) dst(%dma_wait3A_533 : memref<128xf32, #tpu.memory_space<vmem>>)
    %dma_wait3A_539 = arith.constant 8 : i32
    %dma_wait3A_540 = arith.constant 8 : i32
    %dma_wait3A_541 = arith.constant 0 : i32
    %dma_wait3A_542 = tpu.memref_slice %arg10[%dma_wait3A_540, %dma_wait3A_541] : memref<10x128xf32, #tpu.memory_space<vmem>> -> memref<1x128xf32, #tpu.memory_space<vmem>>
    %dma_wait3A_543 = tpu.memref_squeeze %dma_wait3A_542 : memref<1x128xf32, #tpu.memory_space<vmem>> -> memref<128xf32, #tpu.memory_space<vmem>>
    %dma_wait3A_544 = arith.constant 0 : i32
    %dma_wait3A_545 = tpu.memref_slice %arg9[%dma_wait3A_539, %dma_wait3A_544] : memref<10x128xi32, #tpu.memory_space<vmem>> -> memref<1x128xi32, #tpu.memory_space<vmem>>
    %dma_wait3A_546 = tpu.memref_squeeze %dma_wait3A_545 : memref<1x128xi32, #tpu.memory_space<vmem>> -> memref<128xi32, #tpu.memory_space<vmem>>
    %dma_wait3A_547 = arith.constant 0 : i32
    %dma_wait3A_548 = tpu.memref_slice %arg3[%dma_wait3A_547] : memref<2560xf32, #tpu.memory_space<hbm>> -> memref<2560xf32, #tpu.memory_space<hbm>>
    tpu.wait_indirect_dma semaphore(%arg13 : memref<!tpu.dma_semaphore, #tpu.memory_space<semaphore_mem>>) src(%dma_wait3A_548 : memref<2560xf32, #tpu.memory_space<hbm>>) dst(%dma_wait3A_543 : memref<128xf32, #tpu.memory_space<vmem>>)
    %dma_wait3A_549 = arith.constant 8 : i32
    %dma_wait3A_550 = arith.constant 8 : i32
    %dma_wait3A_551 = arith.constant 0 : i32
    %dma_wait3A_552 = tpu.memref_slice %arg11[%dma_wait3A_550, %dma_wait3A_551] : memref<10x128xf32, #tpu.memory_space<vmem>> -> memref<1x128xf32, #tpu.memory_space<vmem>>
    %dma_wait3A_553 = tpu.memref_squeeze %dma_wait3A_552 : memref<1x128xf32, #tpu.memory_space<vmem>> -> memref<128xf32, #tpu.memory_space<vmem>>
    %dma_wait3A_554 = arith.constant 0 : i32
    %dma_wait3A_555 = tpu.memref_slice %arg9[%dma_wait3A_549, %dma_wait3A_554] : memref<10x128xi32, #tpu.memory_space<vmem>> -> memref<1x128xi32, #tpu.memory_space<vmem>>
    %dma_wait3A_556 = tpu.memref_squeeze %dma_wait3A_555 : memref<1x128xi32, #tpu.memory_space<vmem>> -> memref<128xi32, #tpu.memory_space<vmem>>
    %dma_wait3A_557 = arith.constant 0 : i32
    %dma_wait3A_558 = tpu.memref_slice %arg4[%dma_wait3A_557] : memref<2560xf32, #tpu.memory_space<hbm>> -> memref<2560xf32, #tpu.memory_space<hbm>>
    tpu.wait_indirect_dma semaphore(%arg13 : memref<!tpu.dma_semaphore, #tpu.memory_space<semaphore_mem>>) src(%dma_wait3A_558 : memref<2560xf32, #tpu.memory_space<hbm>>) dst(%dma_wait3A_553 : memref<128xf32, #tpu.memory_space<vmem>>)
    %dma_wait3A_559 = arith.constant 8 : i32
    %dma_wait3A_560 = arith.constant 8 : i32
    %dma_wait3A_561 = arith.constant 0 : i32
    %dma_wait3A_562 = tpu.memref_slice %arg12[%dma_wait3A_560, %dma_wait3A_561] : memref<10x128xf32, #tpu.memory_space<vmem>> -> memref<1x128xf32, #tpu.memory_space<vmem>>
    %dma_wait3A_563 = tpu.memref_squeeze %dma_wait3A_562 : memref<1x128xf32, #tpu.memory_space<vmem>> -> memref<128xf32, #tpu.memory_space<vmem>>
    %dma_wait3A_564 = arith.constant 0 : i32
    %dma_wait3A_565 = tpu.memref_slice %arg9[%dma_wait3A_559, %dma_wait3A_564] : memref<10x128xi32, #tpu.memory_space<vmem>> -> memref<1x128xi32, #tpu.memory_space<vmem>>
    %dma_wait3A_566 = tpu.memref_squeeze %dma_wait3A_565 : memref<1x128xi32, #tpu.memory_space<vmem>> -> memref<128xi32, #tpu.memory_space<vmem>>
    %dma_wait3A_567 = arith.constant 0 : i32
    %dma_wait3A_568 = tpu.memref_slice %arg5[%dma_wait3A_567] : memref<2560xf32, #tpu.memory_space<hbm>> -> memref<2560xf32, #tpu.memory_space<hbm>>
    tpu.wait_indirect_dma semaphore(%arg13 : memref<!tpu.dma_semaphore, #tpu.memory_space<semaphore_mem>>) src(%dma_wait3A_568 : memref<2560xf32, #tpu.memory_space<hbm>>) dst(%dma_wait3A_563 : memref<128xf32, #tpu.memory_space<vmem>>)
    %dma_wait3A_569 = arith.constant 9 : i32
    %dma_wait3A_570 = arith.constant 9 : i32
    %dma_wait3A_571 = arith.constant 0 : i32
    %dma_wait3A_572 = tpu.memref_slice %arg10[%dma_wait3A_570, %dma_wait3A_571] : memref<10x128xf32, #tpu.memory_space<vmem>> -> memref<1x128xf32, #tpu.memory_space<vmem>>
    %dma_wait3A_573 = tpu.memref_squeeze %dma_wait3A_572 : memref<1x128xf32, #tpu.memory_space<vmem>> -> memref<128xf32, #tpu.memory_space<vmem>>
    %dma_wait3A_574 = arith.constant 0 : i32
    %dma_wait3A_575 = tpu.memref_slice %arg9[%dma_wait3A_569, %dma_wait3A_574] : memref<10x128xi32, #tpu.memory_space<vmem>> -> memref<1x128xi32, #tpu.memory_space<vmem>>
    %dma_wait3A_576 = tpu.memref_squeeze %dma_wait3A_575 : memref<1x128xi32, #tpu.memory_space<vmem>> -> memref<128xi32, #tpu.memory_space<vmem>>
    %dma_wait3A_577 = arith.constant 0 : i32
    %dma_wait3A_578 = tpu.memref_slice %arg3[%dma_wait3A_577] : memref<2560xf32, #tpu.memory_space<hbm>> -> memref<2560xf32, #tpu.memory_space<hbm>>
    tpu.wait_indirect_dma semaphore(%arg13 : memref<!tpu.dma_semaphore, #tpu.memory_space<semaphore_mem>>) src(%dma_wait3A_578 : memref<2560xf32, #tpu.memory_space<hbm>>) dst(%dma_wait3A_573 : memref<128xf32, #tpu.memory_space<vmem>>)
    %dma_wait3A_579 = arith.constant 9 : i32
    %dma_wait3A_580 = arith.constant 9 : i32
    %dma_wait3A_581 = arith.constant 0 : i32
    %dma_wait3A_582 = tpu.memref_slice %arg11[%dma_wait3A_580, %dma_wait3A_581] : memref<10x128xf32, #tpu.memory_space<vmem>> -> memref<1x128xf32, #tpu.memory_space<vmem>>
    %dma_wait3A_583 = tpu.memref_squeeze %dma_wait3A_582 : memref<1x128xf32, #tpu.memory_space<vmem>> -> memref<128xf32, #tpu.memory_space<vmem>>
    %dma_wait3A_584 = arith.constant 0 : i32
    %dma_wait3A_585 = tpu.memref_slice %arg9[%dma_wait3A_579, %dma_wait3A_584] : memref<10x128xi32, #tpu.memory_space<vmem>> -> memref<1x128xi32, #tpu.memory_space<vmem>>
    %dma_wait3A_586 = tpu.memref_squeeze %dma_wait3A_585 : memref<1x128xi32, #tpu.memory_space<vmem>> -> memref<128xi32, #tpu.memory_space<vmem>>
    %dma_wait3A_587 = arith.constant 0 : i32
    %dma_wait3A_588 = tpu.memref_slice %arg4[%dma_wait3A_587] : memref<2560xf32, #tpu.memory_space<hbm>> -> memref<2560xf32, #tpu.memory_space<hbm>>
    tpu.wait_indirect_dma semaphore(%arg13 : memref<!tpu.dma_semaphore, #tpu.memory_space<semaphore_mem>>) src(%dma_wait3A_588 : memref<2560xf32, #tpu.memory_space<hbm>>) dst(%dma_wait3A_583 : memref<128xf32, #tpu.memory_space<vmem>>)
    %dma_wait3A_589 = arith.constant 9 : i32
    %dma_wait3A_590 = arith.constant 9 : i32
    %dma_wait3A_591 = arith.constant 0 : i32
    %dma_wait3A_592 = tpu.memref_slice %arg12[%dma_wait3A_590, %dma_wait3A_591] : memref<10x128xf32, #tpu.memory_space<vmem>> -> memref<1x128xf32, #tpu.memory_space<vmem>>
    %dma_wait3A_593 = tpu.memref_squeeze %dma_wait3A_592 : memref<1x128xf32, #tpu.memory_space<vmem>> -> memref<128xf32, #tpu.memory_space<vmem>>
    %dma_wait3A_594 = arith.constant 0 : i32
    %dma_wait3A_595 = tpu.memref_slice %arg9[%dma_wait3A_589, %dma_wait3A_594] : memref<10x128xi32, #tpu.memory_space<vmem>> -> memref<1x128xi32, #tpu.memory_space<vmem>>
    %dma_wait3A_596 = tpu.memref_squeeze %dma_wait3A_595 : memref<1x128xi32, #tpu.memory_space<vmem>> -> memref<128xi32, #tpu.memory_space<vmem>>
    %dma_wait3A_597 = arith.constant 0 : i32
    %dma_wait3A_598 = tpu.memref_slice %arg5[%dma_wait3A_597] : memref<2560xf32, #tpu.memory_space<hbm>> -> memref<2560xf32, #tpu.memory_space<hbm>>
    tpu.wait_indirect_dma semaphore(%arg13 : memref<!tpu.dma_semaphore, #tpu.memory_space<semaphore_mem>>) src(%dma_wait3A_598 : memref<2560xf32, #tpu.memory_space<hbm>>) dst(%dma_wait3A_593 : memref<128xf32, #tpu.memory_space<vmem>>)
    "tpu.region"() ({
      %run_scoped3A = tpu.sem_alloc : memref<!tpu.dma_semaphore, #tpu.memory_space<semaphore_mem>>
      %dma_start3A_599 = arith.constant 0 : i32
      %dma_start3A_600 = arith.constant 0 : i32
      %dma_start3A_601 = tpu.memref_slice %arg6[%add3A, %dma_start3A_599, %dma_start3A_600] : memref<32x10x128xf32, #tpu.memory_space<hbm>> -> memref<1x10x128xf32, #tpu.memory_space<hbm>>
      %dma_start3A_602 = tpu.memref_squeeze %dma_start3A_601 : memref<1x10x128xf32, #tpu.memory_space<hbm>> -> memref<10x128xf32, #tpu.memory_space<hbm>>
      %dma_start3A_603 = arith.constant 0 : i32
      %dma_start3A_604 = arith.constant 0 : i32
      %dma_start3A_605 = tpu.memref_slice %arg6[%add3A, %dma_start3A_603, %dma_start3A_604] : memref<32x10x128xf32, #tpu.memory_space<hbm>> -> memref<1x10x128xf32, #tpu.memory_space<hbm>>
      %dma_start3A_606 = tpu.memref_squeeze %dma_start3A_605 : memref<1x10x128xf32, #tpu.memory_space<hbm>> -> memref<10x128xf32, #tpu.memory_space<hbm>>
      tpu.enqueue_dma source(%arg10 : memref<10x128xf32, #tpu.memory_space<vmem>>) target(%dma_start3A_606 : memref<10x128xf32, #tpu.memory_space<hbm>>) target_semaphore(%run_scoped3A : memref<!tpu.dma_semaphore, #tpu.memory_space<semaphore_mem>>)
      %dma_wait3A_607 = arith.constant 0 : i32
      %dma_wait3A_608 = arith.constant 0 : i32
      %dma_wait3A_609 = tpu.memref_slice %arg6[%add3A, %dma_wait3A_607, %dma_wait3A_608] : memref<32x10x128xf32, #tpu.memory_space<hbm>> -> memref<1x10x128xf32, #tpu.memory_space<hbm>>
      %dma_wait3A_610 = tpu.memref_squeeze %dma_wait3A_609 : memref<1x10x128xf32, #tpu.memory_space<hbm>> -> memref<10x128xf32, #tpu.memory_space<hbm>>
      %dma_wait3A_611 = arith.constant 0 : i32
      %dma_wait3A_612 = arith.constant 0 : i32
      %dma_wait3A_613 = tpu.memref_slice %arg6[%add3A, %dma_wait3A_611, %dma_wait3A_612] : memref<32x10x128xf32, #tpu.memory_space<hbm>> -> memref<1x10x128xf32, #tpu.memory_space<hbm>>
      %dma_wait3A_614 = tpu.memref_squeeze %dma_wait3A_613 : memref<1x10x128xf32, #tpu.memory_space<hbm>> -> memref<10x128xf32, #tpu.memory_space<hbm>>
      tpu.wait_dma2 semaphore(%run_scoped3A : memref<!tpu.dma_semaphore, #tpu.memory_space<semaphore_mem>>) src(%arg10 : memref<10x128xf32, #tpu.memory_space<vmem>>) dst(%dma_wait3A_614 : memref<10x128xf32, #tpu.memory_space<hbm>>)
      tpu.yield
    }) : () -> ()
    "tpu.region"() ({
      %run_scoped3A = tpu.sem_alloc : memref<!tpu.dma_semaphore, #tpu.memory_space<semaphore_mem>>
      %dma_start3A_599 = arith.constant 0 : i32
      %dma_start3A_600 = arith.constant 0 : i32
      %dma_start3A_601 = tpu.memref_slice %arg7[%add3A, %dma_start3A_599, %dma_start3A_600] : memref<32x10x128xf32, #tpu.memory_space<hbm>> -> memref<1x10x128xf32, #tpu.memory_space<hbm>>
      %dma_start3A_602 = tpu.memref_squeeze %dma_start3A_601 : memref<1x10x128xf32, #tpu.memory_space<hbm>> -> memref<10x128xf32, #tpu.memory_space<hbm>>
      %dma_start3A_603 = arith.constant 0 : i32
      %dma_start3A_604 = arith.constant 0 : i32
      %dma_start3A_605 = tpu.memref_slice %arg7[%add3A, %dma_start3A_603, %dma_start3A_604] : memref<32x10x128xf32, #tpu.memory_space<hbm>> -> memref<1x10x128xf32, #tpu.memory_space<hbm>>
      %dma_start3A_606 = tpu.memref_squeeze %dma_start3A_605 : memref<1x10x128xf32, #tpu.memory_space<hbm>> -> memref<10x128xf32, #tpu.memory_space<hbm>>
      tpu.enqueue_dma source(%arg11 : memref<10x128xf32, #tpu.memory_space<vmem>>) target(%dma_start3A_606 : memref<10x128xf32, #tpu.memory_space<hbm>>) target_semaphore(%run_scoped3A : memref<!tpu.dma_semaphore, #tpu.memory_space<semaphore_mem>>)
      %dma_wait3A_607 = arith.constant 0 : i32
      %dma_wait3A_608 = arith.constant 0 : i32
      %dma_wait3A_609 = tpu.memref_slice %arg7[%add3A, %dma_wait3A_607, %dma_wait3A_608] : memref<32x10x128xf32, #tpu.memory_space<hbm>> -> memref<1x10x128xf32, #tpu.memory_space<hbm>>
      %dma_wait3A_610 = tpu.memref_squeeze %dma_wait3A_609 : memref<1x10x128xf32, #tpu.memory_space<hbm>> -> memref<10x128xf32, #tpu.memory_space<hbm>>
      %dma_wait3A_611 = arith.constant 0 : i32
      %dma_wait3A_612 = arith.constant 0 : i32
      %dma_wait3A_613 = tpu.memref_slice %arg7[%add3A, %dma_wait3A_611, %dma_wait3A_612] : memref<32x10x128xf32, #tpu.memory_space<hbm>> -> memref<1x10x128xf32, #tpu.memory_space<hbm>>
      %dma_wait3A_614 = tpu.memref_squeeze %dma_wait3A_613 : memref<1x10x128xf32, #tpu.memory_space<hbm>> -> memref<10x128xf32, #tpu.memory_space<hbm>>
      tpu.wait_dma2 semaphore(%run_scoped3A : memref<!tpu.dma_semaphore, #tpu.memory_space<semaphore_mem>>) src(%arg11 : memref<10x128xf32, #tpu.memory_space<vmem>>) dst(%dma_wait3A_614 : memref<10x128xf32, #tpu.memory_space<hbm>>)
      tpu.yield
    }) : () -> ()
    "tpu.region"() ({
      %run_scoped3A = tpu.sem_alloc : memref<!tpu.dma_semaphore, #tpu.memory_space<semaphore_mem>>
      %dma_start3A_599 = arith.constant 0 : i32
      %dma_start3A_600 = arith.constant 0 : i32
      %dma_start3A_601 = tpu.memref_slice %arg8[%add3A, %dma_start3A_599, %dma_start3A_600] : memref<32x10x128xf32, #tpu.memory_space<hbm>> -> memref<1x10x128xf32, #tpu.memory_space<hbm>>
      %dma_start3A_602 = tpu.memref_squeeze %dma_start3A_601 : memref<1x10x128xf32, #tpu.memory_space<hbm>> -> memref<10x128xf32, #tpu.memory_space<hbm>>
      %dma_start3A_603 = arith.constant 0 : i32
      %dma_start3A_604 = arith.constant 0 : i32
      %dma_start3A_605 = tpu.memref_slice %arg8[%add3A, %dma_start3A_603, %dma_start3A_604] : memref<32x10x128xf32, #tpu.memory_space<hbm>> -> memref<1x10x128xf32, #tpu.memory_space<hbm>>
      %dma_start3A_606 = tpu.memref_squeeze %dma_start3A_605 : memref<1x10x128xf32, #tpu.memory_space<hbm>> -> memref<10x128xf32, #tpu.memory_space<hbm>>
      tpu.enqueue_dma source(%arg12 : memref<10x128xf32, #tpu.memory_space<vmem>>) target(%dma_start3A_606 : memref<10x128xf32, #tpu.memory_space<hbm>>) target_semaphore(%run_scoped3A : memref<!tpu.dma_semaphore, #tpu.memory_space<semaphore_mem>>)
      %dma_wait3A_607 = arith.constant 0 : i32
      %dma_wait3A_608 = arith.constant 0 : i32
      %dma_wait3A_609 = tpu.memref_slice %arg8[%add3A, %dma_wait3A_607, %dma_wait3A_608] : memref<32x10x128xf32, #tpu.memory_space<hbm>> -> memref<1x10x128xf32, #tpu.memory_space<hbm>>
      %dma_wait3A_610 = tpu.memref_squeeze %dma_wait3A_609 : memref<1x10x128xf32, #tpu.memory_space<hbm>> -> memref<10x128xf32, #tpu.memory_space<hbm>>
      %dma_wait3A_611 = arith.constant 0 : i32
      %dma_wait3A_612 = arith.constant 0 : i32
      %dma_wait3A_613 = tpu.memref_slice %arg8[%add3A, %dma_wait3A_611, %dma_wait3A_612] : memref<32x10x128xf32, #tpu.memory_space<hbm>> -> memref<1x10x128xf32, #tpu.memory_space<hbm>>
      %dma_wait3A_614 = tpu.memref_squeeze %dma_wait3A_613 : memref<1x10x128xf32, #tpu.memory_space<hbm>> -> memref<10x128xf32, #tpu.memory_space<hbm>>
      tpu.wait_dma2 semaphore(%run_scoped3A : memref<!tpu.dma_semaphore, #tpu.memory_space<semaphore_mem>>) src(%arg12 : memref<10x128xf32, #tpu.memory_space<vmem>>) dst(%dma_wait3A_614 : memref<10x128xf32, #tpu.memory_space<hbm>>)
      tpu.yield
    }) : () -> ()
    return
  }
}

module attributes {stable_mosaic.version = 14 : i64} {
  func.func @body(%arg0: i32, %arg1: memref<256x512xf32, #tpu.memory_space<vmem>>, %arg2: memref<512x1xf32, #tpu.memory_space<vmem>>, %arg3: memref<256x1xf32, #tpu.memory_space<vmem>>) attributes {dimension_semantics = [#tpu.dimension_semantics<arbitrary>], iteration_bounds = array<i64: 40>, scalar_prefetch = 0 : i64, scratch_operands = 0 : i64, tpu.core_type = #tpu.core_type<tc>, window_params = [{transform_indices = @transform_0, window_bounds = array<i64: 256, 512>}, {pipeline_mode = #tpu.pipeline_mode<synchronous>, transform_indices = @transform_1, window_bounds = array<i64: 512, 1>}, {transform_indices = @transform_2, window_bounds = array<i64: 256, 1>}]} {
    %get3A = arith.constant 0 : index
    %get3A_0 = arith.constant 0 : index
    %get3A_1 = vector.load %arg1[%get3A, %get3A_0] : memref<256x512xf32, #tpu.memory_space<vmem>>, vector<256x512xf32>
    %get3A_2 = arith.constant 0 : index
    %get3A_3 = arith.constant 0 : index
    %get3A_4 = vector.load %arg2[%get3A_2, %get3A_3] : memref<512x1xf32, #tpu.memory_space<vmem>>, vector<512x1xf32>
    %dot_general3A = arith.constant dense<0.000000e+00> : vector<256x1xf32>
    %dot_general3A_5 = tpu.matmul %get3A_1, %get3A_4, %dot_general3A {dimension_numbers = #tpu.dot_dimension_numbers<[1], [0], [0], [1], [0, 0, 1, 1], [], []>, transpose_lhs_hint = false} : vector<256x512xf32>, vector<512x1xf32>, vector<256x1xf32> -> vector<256x1xf32>
    %swap3A = arith.constant 0 : index
    %swap3A_6 = arith.constant 0 : index
    %swap3A_7 = vector.load %arg3[%swap3A, %swap3A_6] : memref<256x1xf32, #tpu.memory_space<vmem>>, vector<256x1xf32>
    tpu.vector_store %arg3[%swap3A, %swap3A_6], %dot_general3A_5 {strides = array<i32>} : memref<256x1xf32, #tpu.memory_space<vmem>>, vector<256x1xf32>,
    return
  }
  func.func @transform_0(%arg0: i32) -> (i32, i32) {
    %c0_i32 = arith.constant 0 : i32
    %c0_i32_0 = arith.constant 0 : i32
    return %arg0, %c0_i32 : i32, i32
  }
  func.func @transform_1(%arg0: i32) -> (i32, i32) {
    %c0_i32 = arith.constant 0 : i32
    %c0_i32_0 = arith.constant 0 : i32
    %c0_i32_1 = arith.constant 0 : i32
    return %c0_i32, %c0_i32_0 : i32, i32
  }
  func.func @transform_2(%arg0: i32) -> (i32, i32) {
    %c0_i32 = arith.constant 0 : i32
    %c0_i32_0 = arith.constant 0 : i32
    return %arg0, %c0_i32 : i32, i32
  }
}

module attributes {stable_mosaic.version = 14 : i64} {
  func.func @body(%arg0: i32, %arg1: memref<128x1xf32, #tpu.memory_space<vmem>>, %arg2: memref<1x10112xf32, #tpu.memory_space<vmem>>, %arg3: memref<128x1xi32, #tpu.memory_space<vmem>>) attributes {dimension_semantics = [#tpu.dimension_semantics<arbitrary>], iteration_bounds = array<i64: 79>, scalar_prefetch = 0 : i64, scratch_operands = 0 : i64, tpu.core_type = #tpu.core_type<tc>, window_params = [{transform_indices = @transform_0, window_bounds = array<i64: 128, 1>}, {pipeline_mode = #tpu.pipeline_mode<synchronous>, transform_indices = @transform_1, window_bounds = array<i64: 1, 10112>}, {transform_indices = @transform_2, window_bounds = array<i64: 128, 1>}]} {
    %get3A = arith.constant 0 : index
    %get3A_0 = arith.constant 0 : index
    %get3A_1 = vector.load %arg1[%get3A, %get3A_0] : memref<128x1xf32, #tpu.memory_space<vmem>>, vector<128x1xf32>
    %mul3A = arith.constant 128 : i32
    %mul3A_2 = arith.muli %arg0, %mul3A : i32
    %iota3A = tpu.iota {dimensions = array<i32: 0>} : vector<128x1xi32>
    %add3A = vector.broadcast %mul3A_2 : i32 to vector<128x1xi32>
    %add3A_3 = arith.addi %add3A, %iota3A : vector<128x1xi32>
    %get3A_4 = arith.constant 0 : index
    %get3A_5 = arith.constant 0 : index
    %get3A_6 = vector.load %arg2[%get3A_4, %get3A_5] : memref<1x10112xf32, #tpu.memory_space<vmem>>, vector<1x10112xf32>
    %iota3A_7 = tpu.iota {dimensions = array<i32: 1>} : vector<1x10112xi32>
    %gt3A = vector.broadcast %get3A_6 : vector<1x10112xf32> to vector<128x10112xf32>
    %gt3A_8 = vector.broadcast %get3A_1 : vector<128x1xf32> to vector<128x10112xf32>
    %gt3A_9 = arith.cmpf ogt, %gt3A, %gt3A_8 : vector<128x10112xf32>
    %eq3A = vector.broadcast %get3A_6 : vector<1x10112xf32> to vector<128x10112xf32>
    %eq3A_10 = vector.broadcast %get3A_1 : vector<128x1xf32> to vector<128x10112xf32>
    %eq3A_11 = arith.cmpf oeq, %eq3A, %eq3A_10 : vector<128x10112xf32>
    %lt3A = vector.broadcast %iota3A_7 : vector<1x10112xi32> to vector<128x10112xi32>
    %lt3A_12 = vector.broadcast %add3A_3 : vector<128x1xi32> to vector<128x10112xi32>
    %lt3A_13 = arith.cmpi slt, %lt3A, %lt3A_12 : vector<128x10112xi32>
    %and3A = arith.andi %eq3A_11, %lt3A_13 : vector<128x10112xi1>
    %or3A = arith.ori %gt3A_9, %and3A : vector<128x10112xi1>
    %convert_element_type3A = arith.extui %or3A : vector<128x10112xi1> to vector<128x10112xi32>
    %reduce_sum3A = arith.constant dense<0> : vector<128xi32>
    %reduce_sum3A_14 = vector.multi_reduction <add>, %convert_element_type3A, %reduce_sum3A [1] : vector<128x10112xi32> to vector<128xi32>
    %broadcast_in_dim3A = vector.shape_cast %reduce_sum3A_14 : vector<128xi32> to vector<128x1xi32>
    %swap3A = arith.constant 0 : index
    %swap3A_15 = arith.constant 0 : index
    %swap3A_16 = vector.load %arg3[%swap3A, %swap3A_15] : memref<128x1xi32, #tpu.memory_space<vmem>>, vector<128x1xi32>
    tpu.vector_store %arg3[%swap3A, %swap3A_15], %broadcast_in_dim3A {strides = array<i32>} : memref<128x1xi32, #tpu.memory_space<vmem>>, vector<128x1xi32>,
    return
  }
  func.func @transform_0(%arg0: i32) -> (i32, i32) {
    %c0_i32 = arith.constant 0 : i32
    %c0_i32_0 = arith.constant 0 : i32
    return %arg0, %c0_i32 : i32, i32
  }
  func.func @transform_1(%arg0: i32) -> (i32, i32) {
    %c0_i32 = arith.constant 0 : i32
    %c0_i32_0 = arith.constant 0 : i32
    %c0_i32_1 = arith.constant 0 : i32
    return %c0_i32, %c0_i32_0 : i32, i32
  }
  func.func @transform_2(%arg0: i32) -> (i32, i32) {
    %c0_i32 = arith.constant 0 : i32
    %c0_i32_0 = arith.constant 0 : i32
    return %arg0, %c0_i32 : i32, i32
  }
}

module attributes {stable_mosaic.version = 14 : i64} {
  func.func @body(%arg0: i32, %arg1: memref<128x512xf32, #tpu.memory_space<vmem>>, %arg2: memref<128x1xf32, #tpu.memory_space<vmem>>, %arg3: memref<128x1xf32, #tpu.memory_space<vmem>>, %arg4: memref<128x1xf32, #tpu.memory_space<vmem>>, %arg5: memref<128x1xf32, #tpu.memory_space<vmem>>, %arg6: memref<1x2560xf32, #tpu.memory_space<vmem>>, %arg7: memref<1x2560xf32, #tpu.memory_space<vmem>>, %arg8: memref<1x2560xf32, #tpu.memory_space<vmem>>, %arg9: memref<128x512xf32, #tpu.memory_space<vmem>>, %arg10: memref<128x16xi32, #tpu.memory_space<vmem>>) attributes {dimension_semantics = [#tpu.dimension_semantics<arbitrary>], iteration_bounds = array<i64: 20>, scalar_prefetch = 0 : i64, scratch_operands = 0 : i64, tpu.core_type = #tpu.core_type<tc>, window_params = [{transform_indices = @transform_0, window_bounds = array<i64: 128, 512>}, {transform_indices = @transform_1, window_bounds = array<i64: 128, 1>}, {transform_indices = @transform_2, window_bounds = array<i64: 128, 1>}, {transform_indices = @transform_3, window_bounds = array<i64: 128, 1>}, {transform_indices = @transform_4, window_bounds = array<i64: 128, 1>}, {pipeline_mode = #tpu.pipeline_mode<synchronous>, transform_indices = @transform_5, window_bounds = array<i64: 1, 2560>}, {pipeline_mode = #tpu.pipeline_mode<synchronous>, transform_indices = @transform_6, window_bounds = array<i64: 1, 2560>}, {pipeline_mode = #tpu.pipeline_mode<synchronous>, transform_indices = @transform_7, window_bounds = array<i64: 1, 2560>}, {transform_indices = @transform_8, window_bounds = array<i64: 128, 512>}, {transform_indices = @transform_9, window_bounds = array<i64: 128, 16>}]} {
    %mul3A = arith.constant 128 : i32
    %mul3A_0 = arith.muli %arg0, %mul3A : i32
    %iota3A = tpu.iota {dimensions = array<i32: 0>} : vector<128x1xi32>
    %add3A = vector.broadcast %mul3A_0 : i32 to vector<128x1xi32>
    %add3A_1 = arith.addi %add3A, %iota3A : vector<128x1xi32>
    %iota3A_2 = tpu.iota {dimensions = array<i32: 1>} : vector<1x2560xi32>
    %get3A = arith.constant 0 : index
    %get3A_3 = arith.constant 0 : index
    %get3A_4 = vector.load %arg3[%get3A, %get3A_3] : memref<128x1xf32, #tpu.memory_space<vmem>>, vector<128x1xf32>
    %get3A_5 = arith.constant 0 : index
    %get3A_6 = arith.constant 0 : index
    %get3A_7 = vector.load %arg6[%get3A_5, %get3A_6] : memref<1x2560xf32, #tpu.memory_space<vmem>>, vector<1x2560xf32>
    %sub3A = vector.broadcast %get3A_4 : vector<128x1xf32> to vector<128x2560xf32>
    %sub3A_8 = vector.broadcast %get3A_7 : vector<1x2560xf32> to vector<128x2560xf32>
    %sub3A_9 = arith.subf %sub3A, %sub3A_8 : vector<128x2560xf32>
    %get3A_10 = arith.constant 0 : index
    %get3A_11 = arith.constant 0 : index
    %get3A_12 = vector.load %arg4[%get3A_10, %get3A_11] : memref<128x1xf32, #tpu.memory_space<vmem>>, vector<128x1xf32>
    %get3A_13 = arith.constant 0 : index
    %get3A_14 = arith.constant 0 : index
    %get3A_15 = vector.load %arg7[%get3A_13, %get3A_14] : memref<1x2560xf32, #tpu.memory_space<vmem>>, vector<1x2560xf32>
    %sub3A_16 = vector.broadcast %get3A_12 : vector<128x1xf32> to vector<128x2560xf32>
    %sub3A_17 = vector.broadcast %get3A_15 : vector<1x2560xf32> to vector<128x2560xf32>
    %sub3A_18 = arith.subf %sub3A_16, %sub3A_17 : vector<128x2560xf32>
    %get3A_19 = arith.constant 0 : index
    %get3A_20 = arith.constant 0 : index
    %get3A_21 = vector.load %arg5[%get3A_19, %get3A_20] : memref<128x1xf32, #tpu.memory_space<vmem>>, vector<128x1xf32>
    %get3A_22 = arith.constant 0 : index
    %get3A_23 = arith.constant 0 : index
    %get3A_24 = vector.load %arg8[%get3A_22, %get3A_23] : memref<1x2560xf32, #tpu.memory_space<vmem>>, vector<1x2560xf32>
    %sub3A_25 = vector.broadcast %get3A_21 : vector<128x1xf32> to vector<128x2560xf32>
    %sub3A_26 = vector.broadcast %get3A_24 : vector<1x2560xf32> to vector<128x2560xf32>
    %sub3A_27 = arith.subf %sub3A_25, %sub3A_26 : vector<128x2560xf32>
    %mul3A_28 = arith.mulf %sub3A_9, %sub3A_9 : vector<128x2560xf32>
    %mul3A_29 = arith.mulf %sub3A_18, %sub3A_18 : vector<128x2560xf32>
    %add3A_30 = arith.addf %mul3A_28, %mul3A_29 : vector<128x2560xf32>
    %mul3A_31 = arith.mulf %sub3A_27, %sub3A_27 : vector<128x2560xf32>
    %add3A_32 = arith.addf %add3A_30, %mul3A_31 : vector<128x2560xf32>
    %eq3A = vector.broadcast %iota3A_2 : vector<1x2560xi32> to vector<128x2560xi32>
    %eq3A_33 = vector.broadcast %add3A_1 : vector<128x1xi32> to vector<128x2560xi32>
    %eq3A_34 = arith.cmpi eq, %eq3A, %eq3A_33 : vector<128x2560xi32>
    %jit3A = arith.constant 1.000000e+09 : f32
    %broadcast_in_dim3A = vector.broadcast %jit3A : f32 to vector<128x2560xf32>
    %select_n3A = arith.select %eq3A_34, %broadcast_in_dim3A, %add3A_32 : vector<128x2560xi1>, vector<128x2560xf32>
    %ge3A = arith.constant 2500 : i32
    %ge3A_35 = vector.broadcast %ge3A : i32 to vector<1x2560xi32>
    %ge3A_36 = arith.cmpi sge, %iota3A_2, %ge3A_35 : vector<1x2560xi32>
    %jit3A_37 = arith.constant 3.000000e+15 : f32
    %broadcast_in_dim3A_38 = vector.shape_cast %ge3A_36 : vector<1x2560xi1> to vector<1x2560xi1>
    %broadcast_in_dim3A_39 = vector.broadcast %broadcast_in_dim3A_38 : vector<1x2560xi1> to vector<128x2560xi1>
    %broadcast_in_dim3A_40 = vector.broadcast %jit3A_37 : f32 to vector<128x2560xf32>
    %select_n3A_41 = arith.select %broadcast_in_dim3A_39, %broadcast_in_dim3A_40, %select_n3A : vector<128x2560xi1>, vector<128x2560xf32>
    %reduce_min3A = arith.constant dense<0x7F800000> : vector<128xf32>
    %reduce_min3A_42 = vector.multi_reduction <minimumf>, %select_n3A_41, %reduce_min3A [1] : vector<128x2560xf32> to vector<128xf32>
    %broadcast_in_dim3A_43 = vector.shape_cast %reduce_min3A_42 : vector<128xf32> to vector<128x1xf32>
    %eq3A_44 = vector.broadcast %broadcast_in_dim3A_43 : vector<128x1xf32> to vector<128x2560xf32>
    %eq3A_45 = arith.cmpf oeq, %select_n3A_41, %eq3A_44 : vector<128x2560xf32>
    %jit3A_46 = arith.constant 1073741824 : i32
    %broadcast_in_dim3A_47 = vector.shape_cast %iota3A_2 : vector<1x2560xi32> to vector<1x2560xi32>
    %broadcast_in_dim3A_48 = vector.broadcast %broadcast_in_dim3A_47 : vector<1x2560xi32> to vector<128x2560xi32>
    %broadcast_in_dim3A_49 = vector.broadcast %jit3A_46 : i32 to vector<128x2560xi32>
    %select_n3A_50 = arith.select %eq3A_45, %broadcast_in_dim3A_48, %broadcast_in_dim3A_49 : vector<128x2560xi1>, vector<128x2560xi32>
    %reduce_min3A_51 = arith.constant dense<2147483647> : vector<128xi32>
    %reduce_min3A_52 = vector.multi_reduction <minsi>, %select_n3A_50, %reduce_min3A_51 [1] : vector<128x2560xi32> to vector<128xi32>
    %broadcast_in_dim3A_53 = vector.shape_cast %reduce_min3A_52 : vector<128xi32> to vector<128x1xi32>
    %swap3A = arith.constant 0 : index
    %swap3A_54 = arith.constant 0 : index
    %swap3A_55 = vector.load %arg10[%swap3A, %swap3A_54] : memref<128x16xi32, #tpu.memory_space<vmem>>, vector<128x1xi32>
    tpu.vector_store %arg10[%swap3A, %swap3A_54], %broadcast_in_dim3A_53 {strides = array<i32>} : memref<128x16xi32, #tpu.memory_space<vmem>>, vector<128x1xi32>,
    %eq3A_56 = vector.broadcast %iota3A_2 : vector<1x2560xi32> to vector<128x2560xi32>
    %eq3A_57 = vector.broadcast %broadcast_in_dim3A_53 : vector<128x1xi32> to vector<128x2560xi32>
    %eq3A_58 = arith.cmpi eq, %eq3A_56, %eq3A_57 : vector<128x2560xi32>
    %jit3A_59 = arith.constant 3.000000e+15 : f32
    %broadcast_in_dim3A_60 = vector.broadcast %jit3A_59 : f32 to vector<128x2560xf32>
    %select_n3A_61 = arith.select %eq3A_58, %broadcast_in_dim3A_60, %select_n3A_41 : vector<128x2560xi1>, vector<128x2560xf32>
    %reduce_min3A_62 = arith.constant dense<0x7F800000> : vector<128xf32>
    %reduce_min3A_63 = vector.multi_reduction <minimumf>, %select_n3A_61, %reduce_min3A_62 [1] : vector<128x2560xf32> to vector<128xf32>
    %broadcast_in_dim3A_64 = vector.shape_cast %reduce_min3A_63 : vector<128xf32> to vector<128x1xf32>
    %eq3A_65 = vector.broadcast %broadcast_in_dim3A_64 : vector<128x1xf32> to vector<128x2560xf32>
    %eq3A_66 = arith.cmpf oeq, %select_n3A_61, %eq3A_65 : vector<128x2560xf32>
    %jit3A_67 = arith.constant 1073741824 : i32
    %broadcast_in_dim3A_68 = vector.shape_cast %iota3A_2 : vector<1x2560xi32> to vector<1x2560xi32>
    %broadcast_in_dim3A_69 = vector.broadcast %broadcast_in_dim3A_68 : vector<1x2560xi32> to vector<128x2560xi32>
    %broadcast_in_dim3A_70 = vector.broadcast %jit3A_67 : i32 to vector<128x2560xi32>
    %select_n3A_71 = arith.select %eq3A_66, %broadcast_in_dim3A_69, %broadcast_in_dim3A_70 : vector<128x2560xi1>, vector<128x2560xi32>
    %reduce_min3A_72 = arith.constant dense<2147483647> : vector<128xi32>
    %reduce_min3A_73 = vector.multi_reduction <minsi>, %select_n3A_71, %reduce_min3A_72 [1] : vector<128x2560xi32> to vector<128xi32>
    %broadcast_in_dim3A_74 = vector.shape_cast %reduce_min3A_73 : vector<128xi32> to vector<128x1xi32>
    %swap3A_75 = arith.constant 0 : index
    %swap3A_76 = arith.constant 1 : index
    %swap3A_77 = vector.load %arg10[%swap3A_75, %swap3A_76] : memref<128x16xi32, #tpu.memory_space<vmem>>, vector<128x1xi32>
    tpu.vector_store %arg10[%swap3A_75, %swap3A_76], %broadcast_in_dim3A_74 {strides = array<i32>} : memref<128x16xi32, #tpu.memory_space<vmem>>, vector<128x1xi32>,
    %eq3A_78 = vector.broadcast %iota3A_2 : vector<1x2560xi32> to vector<128x2560xi32>
    %eq3A_79 = vector.broadcast %broadcast_in_dim3A_74 : vector<128x1xi32> to vector<128x2560xi32>
    %eq3A_80 = arith.cmpi eq, %eq3A_78, %eq3A_79 : vector<128x2560xi32>
    %jit3A_81 = arith.constant 3.000000e+15 : f32
    %broadcast_in_dim3A_82 = vector.broadcast %jit3A_81 : f32 to vector<128x2560xf32>
    %select_n3A_83 = arith.select %eq3A_80, %broadcast_in_dim3A_82, %select_n3A_61 : vector<128x2560xi1>, vector<128x2560xf32>
    %reduce_min3A_84 = arith.constant dense<0x7F800000> : vector<128xf32>
    %reduce_min3A_85 = vector.multi_reduction <minimumf>, %select_n3A_83, %reduce_min3A_84 [1] : vector<128x2560xf32> to vector<128xf32>
    %broadcast_in_dim3A_86 = vector.shape_cast %reduce_min3A_85 : vector<128xf32> to vector<128x1xf32>
    %eq3A_87 = vector.broadcast %broadcast_in_dim3A_86 : vector<128x1xf32> to vector<128x2560xf32>
    %eq3A_88 = arith.cmpf oeq, %select_n3A_83, %eq3A_87 : vector<128x2560xf32>
    %jit3A_89 = arith.constant 1073741824 : i32
    %broadcast_in_dim3A_90 = vector.shape_cast %iota3A_2 : vector<1x2560xi32> to vector<1x2560xi32>
    %broadcast_in_dim3A_91 = vector.broadcast %broadcast_in_dim3A_90 : vector<1x2560xi32> to vector<128x2560xi32>
    %broadcast_in_dim3A_92 = vector.broadcast %jit3A_89 : i32 to vector<128x2560xi32>
    %select_n3A_93 = arith.select %eq3A_88, %broadcast_in_dim3A_91, %broadcast_in_dim3A_92 : vector<128x2560xi1>, vector<128x2560xi32>
    %reduce_min3A_94 = arith.constant dense<2147483647> : vector<128xi32>
    %reduce_min3A_95 = vector.multi_reduction <minsi>, %select_n3A_93, %reduce_min3A_94 [1] : vector<128x2560xi32> to vector<128xi32>
    %broadcast_in_dim3A_96 = vector.shape_cast %reduce_min3A_95 : vector<128xi32> to vector<128x1xi32>
    %swap3A_97 = arith.constant 0 : index
    %swap3A_98 = arith.constant 2 : index
    %swap3A_99 = vector.load %arg10[%swap3A_97, %swap3A_98] : memref<128x16xi32, #tpu.memory_space<vmem>>, vector<128x1xi32>
    tpu.vector_store %arg10[%swap3A_97, %swap3A_98], %broadcast_in_dim3A_96 {strides = array<i32>} : memref<128x16xi32, #tpu.memory_space<vmem>>, vector<128x1xi32>,
    %eq3A_100 = vector.broadcast %iota3A_2 : vector<1x2560xi32> to vector<128x2560xi32>
    %eq3A_101 = vector.broadcast %broadcast_in_dim3A_96 : vector<128x1xi32> to vector<128x2560xi32>
    %eq3A_102 = arith.cmpi eq, %eq3A_100, %eq3A_101 : vector<128x2560xi32>
    %jit3A_103 = arith.constant 3.000000e+15 : f32
    %broadcast_in_dim3A_104 = vector.broadcast %jit3A_103 : f32 to vector<128x2560xf32>
    %select_n3A_105 = arith.select %eq3A_102, %broadcast_in_dim3A_104, %select_n3A_83 : vector<128x2560xi1>, vector<128x2560xf32>
    %reduce_min3A_106 = arith.constant dense<0x7F800000> : vector<128xf32>
    %reduce_min3A_107 = vector.multi_reduction <minimumf>, %select_n3A_105, %reduce_min3A_106 [1] : vector<128x2560xf32> to vector<128xf32>
    %broadcast_in_dim3A_108 = vector.shape_cast %reduce_min3A_107 : vector<128xf32> to vector<128x1xf32>
    %eq3A_109 = vector.broadcast %broadcast_in_dim3A_108 : vector<128x1xf32> to vector<128x2560xf32>
    %eq3A_110 = arith.cmpf oeq, %select_n3A_105, %eq3A_109 : vector<128x2560xf32>
    %jit3A_111 = arith.constant 1073741824 : i32
    %broadcast_in_dim3A_112 = vector.shape_cast %iota3A_2 : vector<1x2560xi32> to vector<1x2560xi32>
    %broadcast_in_dim3A_113 = vector.broadcast %broadcast_in_dim3A_112 : vector<1x2560xi32> to vector<128x2560xi32>
    %broadcast_in_dim3A_114 = vector.broadcast %jit3A_111 : i32 to vector<128x2560xi32>
    %select_n3A_115 = arith.select %eq3A_110, %broadcast_in_dim3A_113, %broadcast_in_dim3A_114 : vector<128x2560xi1>, vector<128x2560xi32>
    %reduce_min3A_116 = arith.constant dense<2147483647> : vector<128xi32>
    %reduce_min3A_117 = vector.multi_reduction <minsi>, %select_n3A_115, %reduce_min3A_116 [1] : vector<128x2560xi32> to vector<128xi32>
    %broadcast_in_dim3A_118 = vector.shape_cast %reduce_min3A_117 : vector<128xi32> to vector<128x1xi32>
    %swap3A_119 = arith.constant 0 : index
    %swap3A_120 = arith.constant 3 : index
    %swap3A_121 = vector.load %arg10[%swap3A_119, %swap3A_120] : memref<128x16xi32, #tpu.memory_space<vmem>>, vector<128x1xi32>
    tpu.vector_store %arg10[%swap3A_119, %swap3A_120], %broadcast_in_dim3A_118 {strides = array<i32>} : memref<128x16xi32, #tpu.memory_space<vmem>>, vector<128x1xi32>,
    %eq3A_122 = vector.broadcast %iota3A_2 : vector<1x2560xi32> to vector<128x2560xi32>
    %eq3A_123 = vector.broadcast %broadcast_in_dim3A_118 : vector<128x1xi32> to vector<128x2560xi32>
    %eq3A_124 = arith.cmpi eq, %eq3A_122, %eq3A_123 : vector<128x2560xi32>
    %jit3A_125 = arith.constant 3.000000e+15 : f32
    %broadcast_in_dim3A_126 = vector.broadcast %jit3A_125 : f32 to vector<128x2560xf32>
    %select_n3A_127 = arith.select %eq3A_124, %broadcast_in_dim3A_126, %select_n3A_105 : vector<128x2560xi1>, vector<128x2560xf32>
    %reduce_min3A_128 = arith.constant dense<0x7F800000> : vector<128xf32>
    %reduce_min3A_129 = vector.multi_reduction <minimumf>, %select_n3A_127, %reduce_min3A_128 [1] : vector<128x2560xf32> to vector<128xf32>
    %broadcast_in_dim3A_130 = vector.shape_cast %reduce_min3A_129 : vector<128xf32> to vector<128x1xf32>
    %eq3A_131 = vector.broadcast %broadcast_in_dim3A_130 : vector<128x1xf32> to vector<128x2560xf32>
    %eq3A_132 = arith.cmpf oeq, %select_n3A_127, %eq3A_131 : vector<128x2560xf32>
    %jit3A_133 = arith.constant 1073741824 : i32
    %broadcast_in_dim3A_134 = vector.shape_cast %iota3A_2 : vector<1x2560xi32> to vector<1x2560xi32>
    %broadcast_in_dim3A_135 = vector.broadcast %broadcast_in_dim3A_134 : vector<1x2560xi32> to vector<128x2560xi32>
    %broadcast_in_dim3A_136 = vector.broadcast %jit3A_133 : i32 to vector<128x2560xi32>
    %select_n3A_137 = arith.select %eq3A_132, %broadcast_in_dim3A_135, %broadcast_in_dim3A_136 : vector<128x2560xi1>, vector<128x2560xi32>
    %reduce_min3A_138 = arith.constant dense<2147483647> : vector<128xi32>
    %reduce_min3A_139 = vector.multi_reduction <minsi>, %select_n3A_137, %reduce_min3A_138 [1] : vector<128x2560xi32> to vector<128xi32>
    %broadcast_in_dim3A_140 = vector.shape_cast %reduce_min3A_139 : vector<128xi32> to vector<128x1xi32>
    %swap3A_141 = arith.constant 0 : index
    %swap3A_142 = arith.constant 4 : index
    %swap3A_143 = vector.load %arg10[%swap3A_141, %swap3A_142] : memref<128x16xi32, #tpu.memory_space<vmem>>, vector<128x1xi32>
    tpu.vector_store %arg10[%swap3A_141, %swap3A_142], %broadcast_in_dim3A_140 {strides = array<i32>} : memref<128x16xi32, #tpu.memory_space<vmem>>, vector<128x1xi32>,
    %eq3A_144 = vector.broadcast %iota3A_2 : vector<1x2560xi32> to vector<128x2560xi32>
    %eq3A_145 = vector.broadcast %broadcast_in_dim3A_140 : vector<128x1xi32> to vector<128x2560xi32>
    %eq3A_146 = arith.cmpi eq, %eq3A_144, %eq3A_145 : vector<128x2560xi32>
    %jit3A_147 = arith.constant 3.000000e+15 : f32
    %broadcast_in_dim3A_148 = vector.broadcast %jit3A_147 : f32 to vector<128x2560xf32>
    %select_n3A_149 = arith.select %eq3A_146, %broadcast_in_dim3A_148, %select_n3A_127 : vector<128x2560xi1>, vector<128x2560xf32>
    %reduce_min3A_150 = arith.constant dense<0x7F800000> : vector<128xf32>
    %reduce_min3A_151 = vector.multi_reduction <minimumf>, %select_n3A_149, %reduce_min3A_150 [1] : vector<128x2560xf32> to vector<128xf32>
    %broadcast_in_dim3A_152 = vector.shape_cast %reduce_min3A_151 : vector<128xf32> to vector<128x1xf32>
    %eq3A_153 = vector.broadcast %broadcast_in_dim3A_152 : vector<128x1xf32> to vector<128x2560xf32>
    %eq3A_154 = arith.cmpf oeq, %select_n3A_149, %eq3A_153 : vector<128x2560xf32>
    %jit3A_155 = arith.constant 1073741824 : i32
    %broadcast_in_dim3A_156 = vector.shape_cast %iota3A_2 : vector<1x2560xi32> to vector<1x2560xi32>
    %broadcast_in_dim3A_157 = vector.broadcast %broadcast_in_dim3A_156 : vector<1x2560xi32> to vector<128x2560xi32>
    %broadcast_in_dim3A_158 = vector.broadcast %jit3A_155 : i32 to vector<128x2560xi32>
    %select_n3A_159 = arith.select %eq3A_154, %broadcast_in_dim3A_157, %broadcast_in_dim3A_158 : vector<128x2560xi1>, vector<128x2560xi32>
    %reduce_min3A_160 = arith.constant dense<2147483647> : vector<128xi32>
    %reduce_min3A_161 = vector.multi_reduction <minsi>, %select_n3A_159, %reduce_min3A_160 [1] : vector<128x2560xi32> to vector<128xi32>
    %broadcast_in_dim3A_162 = vector.shape_cast %reduce_min3A_161 : vector<128xi32> to vector<128x1xi32>
    %swap3A_163 = arith.constant 0 : index
    %swap3A_164 = arith.constant 5 : index
    %swap3A_165 = vector.load %arg10[%swap3A_163, %swap3A_164] : memref<128x16xi32, #tpu.memory_space<vmem>>, vector<128x1xi32>
    tpu.vector_store %arg10[%swap3A_163, %swap3A_164], %broadcast_in_dim3A_162 {strides = array<i32>} : memref<128x16xi32, #tpu.memory_space<vmem>>, vector<128x1xi32>,
    %eq3A_166 = vector.broadcast %iota3A_2 : vector<1x2560xi32> to vector<128x2560xi32>
    %eq3A_167 = vector.broadcast %broadcast_in_dim3A_162 : vector<128x1xi32> to vector<128x2560xi32>
    %eq3A_168 = arith.cmpi eq, %eq3A_166, %eq3A_167 : vector<128x2560xi32>
    %jit3A_169 = arith.constant 3.000000e+15 : f32
    %broadcast_in_dim3A_170 = vector.broadcast %jit3A_169 : f32 to vector<128x2560xf32>
    %select_n3A_171 = arith.select %eq3A_168, %broadcast_in_dim3A_170, %select_n3A_149 : vector<128x2560xi1>, vector<128x2560xf32>
    %reduce_min3A_172 = arith.constant dense<0x7F800000> : vector<128xf32>
    %reduce_min3A_173 = vector.multi_reduction <minimumf>, %select_n3A_171, %reduce_min3A_172 [1] : vector<128x2560xf32> to vector<128xf32>
    %broadcast_in_dim3A_174 = vector.shape_cast %reduce_min3A_173 : vector<128xf32> to vector<128x1xf32>
    %eq3A_175 = vector.broadcast %broadcast_in_dim3A_174 : vector<128x1xf32> to vector<128x2560xf32>
    %eq3A_176 = arith.cmpf oeq, %select_n3A_171, %eq3A_175 : vector<128x2560xf32>
    %jit3A_177 = arith.constant 1073741824 : i32
    %broadcast_in_dim3A_178 = vector.shape_cast %iota3A_2 : vector<1x2560xi32> to vector<1x2560xi32>
    %broadcast_in_dim3A_179 = vector.broadcast %broadcast_in_dim3A_178 : vector<1x2560xi32> to vector<128x2560xi32>
    %broadcast_in_dim3A_180 = vector.broadcast %jit3A_177 : i32 to vector<128x2560xi32>
    %select_n3A_181 = arith.select %eq3A_176, %broadcast_in_dim3A_179, %broadcast_in_dim3A_180 : vector<128x2560xi1>, vector<128x2560xi32>
    %reduce_min3A_182 = arith.constant dense<2147483647> : vector<128xi32>
    %reduce_min3A_183 = vector.multi_reduction <minsi>, %select_n3A_181, %reduce_min3A_182 [1] : vector<128x2560xi32> to vector<128xi32>
    %broadcast_in_dim3A_184 = vector.shape_cast %reduce_min3A_183 : vector<128xi32> to vector<128x1xi32>
    %swap3A_185 = arith.constant 0 : index
    %swap3A_186 = arith.constant 6 : index
    %swap3A_187 = vector.load %arg10[%swap3A_185, %swap3A_186] : memref<128x16xi32, #tpu.memory_space<vmem>>, vector<128x1xi32>
    tpu.vector_store %arg10[%swap3A_185, %swap3A_186], %broadcast_in_dim3A_184 {strides = array<i32>} : memref<128x16xi32, #tpu.memory_space<vmem>>, vector<128x1xi32>,
    %eq3A_188 = vector.broadcast %iota3A_2 : vector<1x2560xi32> to vector<128x2560xi32>
    %eq3A_189 = vector.broadcast %broadcast_in_dim3A_184 : vector<128x1xi32> to vector<128x2560xi32>
    %eq3A_190 = arith.cmpi eq, %eq3A_188, %eq3A_189 : vector<128x2560xi32>
    %jit3A_191 = arith.constant 3.000000e+15 : f32
    %broadcast_in_dim3A_192 = vector.broadcast %jit3A_191 : f32 to vector<128x2560xf32>
    %select_n3A_193 = arith.select %eq3A_190, %broadcast_in_dim3A_192, %select_n3A_171 : vector<128x2560xi1>, vector<128x2560xf32>
    %reduce_min3A_194 = arith.constant dense<0x7F800000> : vector<128xf32>
    %reduce_min3A_195 = vector.multi_reduction <minimumf>, %select_n3A_193, %reduce_min3A_194 [1] : vector<128x2560xf32> to vector<128xf32>
    %broadcast_in_dim3A_196 = vector.shape_cast %reduce_min3A_195 : vector<128xf32> to vector<128x1xf32>
    %eq3A_197 = vector.broadcast %broadcast_in_dim3A_196 : vector<128x1xf32> to vector<128x2560xf32>
    %eq3A_198 = arith.cmpf oeq, %select_n3A_193, %eq3A_197 : vector<128x2560xf32>
    %jit3A_199 = arith.constant 1073741824 : i32
    %broadcast_in_dim3A_200 = vector.shape_cast %iota3A_2 : vector<1x2560xi32> to vector<1x2560xi32>
    %broadcast_in_dim3A_201 = vector.broadcast %broadcast_in_dim3A_200 : vector<1x2560xi32> to vector<128x2560xi32>
    %broadcast_in_dim3A_202 = vector.broadcast %jit3A_199 : i32 to vector<128x2560xi32>
    %select_n3A_203 = arith.select %eq3A_198, %broadcast_in_dim3A_201, %broadcast_in_dim3A_202 : vector<128x2560xi1>, vector<128x2560xi32>
    %reduce_min3A_204 = arith.constant dense<2147483647> : vector<128xi32>
    %reduce_min3A_205 = vector.multi_reduction <minsi>, %select_n3A_203, %reduce_min3A_204 [1] : vector<128x2560xi32> to vector<128xi32>
    %broadcast_in_dim3A_206 = vector.shape_cast %reduce_min3A_205 : vector<128xi32> to vector<128x1xi32>
    %swap3A_207 = arith.constant 0 : index
    %swap3A_208 = arith.constant 7 : index
    %swap3A_209 = vector.load %arg10[%swap3A_207, %swap3A_208] : memref<128x16xi32, #tpu.memory_space<vmem>>, vector<128x1xi32>
    tpu.vector_store %arg10[%swap3A_207, %swap3A_208], %broadcast_in_dim3A_206 {strides = array<i32>} : memref<128x16xi32, #tpu.memory_space<vmem>>, vector<128x1xi32>,
    %eq3A_210 = vector.broadcast %iota3A_2 : vector<1x2560xi32> to vector<128x2560xi32>
    %eq3A_211 = vector.broadcast %broadcast_in_dim3A_206 : vector<128x1xi32> to vector<128x2560xi32>
    %eq3A_212 = arith.cmpi eq, %eq3A_210, %eq3A_211 : vector<128x2560xi32>
    %jit3A_213 = arith.constant 3.000000e+15 : f32
    %broadcast_in_dim3A_214 = vector.broadcast %jit3A_213 : f32 to vector<128x2560xf32>
    %select_n3A_215 = arith.select %eq3A_212, %broadcast_in_dim3A_214, %select_n3A_193 : vector<128x2560xi1>, vector<128x2560xf32>
    %reduce_min3A_216 = arith.constant dense<0x7F800000> : vector<128xf32>
    %reduce_min3A_217 = vector.multi_reduction <minimumf>, %select_n3A_215, %reduce_min3A_216 [1] : vector<128x2560xf32> to vector<128xf32>
    %broadcast_in_dim3A_218 = vector.shape_cast %reduce_min3A_217 : vector<128xf32> to vector<128x1xf32>
    %eq3A_219 = vector.broadcast %broadcast_in_dim3A_218 : vector<128x1xf32> to vector<128x2560xf32>
    %eq3A_220 = arith.cmpf oeq, %select_n3A_215, %eq3A_219 : vector<128x2560xf32>
    %jit3A_221 = arith.constant 1073741824 : i32
    %broadcast_in_dim3A_222 = vector.shape_cast %iota3A_2 : vector<1x2560xi32> to vector<1x2560xi32>
    %broadcast_in_dim3A_223 = vector.broadcast %broadcast_in_dim3A_222 : vector<1x2560xi32> to vector<128x2560xi32>
    %broadcast_in_dim3A_224 = vector.broadcast %jit3A_221 : i32 to vector<128x2560xi32>
    %select_n3A_225 = arith.select %eq3A_220, %broadcast_in_dim3A_223, %broadcast_in_dim3A_224 : vector<128x2560xi1>, vector<128x2560xi32>
    %reduce_min3A_226 = arith.constant dense<2147483647> : vector<128xi32>
    %reduce_min3A_227 = vector.multi_reduction <minsi>, %select_n3A_225, %reduce_min3A_226 [1] : vector<128x2560xi32> to vector<128xi32>
    %broadcast_in_dim3A_228 = vector.shape_cast %reduce_min3A_227 : vector<128xi32> to vector<128x1xi32>
    %swap3A_229 = arith.constant 0 : index
    %swap3A_230 = arith.constant 8 : index
    %swap3A_231 = vector.load %arg10[%swap3A_229, %swap3A_230] : memref<128x16xi32, #tpu.memory_space<vmem>>, vector<128x1xi32>
    tpu.vector_store %arg10[%swap3A_229, %swap3A_230], %broadcast_in_dim3A_228 {strides = array<i32>} : memref<128x16xi32, #tpu.memory_space<vmem>>, vector<128x1xi32>,
    %eq3A_232 = vector.broadcast %iota3A_2 : vector<1x2560xi32> to vector<128x2560xi32>
    %eq3A_233 = vector.broadcast %broadcast_in_dim3A_228 : vector<128x1xi32> to vector<128x2560xi32>
    %eq3A_234 = arith.cmpi eq, %eq3A_232, %eq3A_233 : vector<128x2560xi32>
    %jit3A_235 = arith.constant 3.000000e+15 : f32
    %broadcast_in_dim3A_236 = vector.broadcast %jit3A_235 : f32 to vector<128x2560xf32>
    %select_n3A_237 = arith.select %eq3A_234, %broadcast_in_dim3A_236, %select_n3A_215 : vector<128x2560xi1>, vector<128x2560xf32>
    %reduce_min3A_238 = arith.constant dense<0x7F800000> : vector<128xf32>
    %reduce_min3A_239 = vector.multi_reduction <minimumf>, %select_n3A_237, %reduce_min3A_238 [1] : vector<128x2560xf32> to vector<128xf32>
    %broadcast_in_dim3A_240 = vector.shape_cast %reduce_min3A_239 : vector<128xf32> to vector<128x1xf32>
    %eq3A_241 = vector.broadcast %broadcast_in_dim3A_240 : vector<128x1xf32> to vector<128x2560xf32>
    %eq3A_242 = arith.cmpf oeq, %select_n3A_237, %eq3A_241 : vector<128x2560xf32>
    %jit3A_243 = arith.constant 1073741824 : i32
    %broadcast_in_dim3A_244 = vector.shape_cast %iota3A_2 : vector<1x2560xi32> to vector<1x2560xi32>
    %broadcast_in_dim3A_245 = vector.broadcast %broadcast_in_dim3A_244 : vector<1x2560xi32> to vector<128x2560xi32>
    %broadcast_in_dim3A_246 = vector.broadcast %jit3A_243 : i32 to vector<128x2560xi32>
    %select_n3A_247 = arith.select %eq3A_242, %broadcast_in_dim3A_245, %broadcast_in_dim3A_246 : vector<128x2560xi1>, vector<128x2560xi32>
    %reduce_min3A_248 = arith.constant dense<2147483647> : vector<128xi32>
    %reduce_min3A_249 = vector.multi_reduction <minsi>, %select_n3A_247, %reduce_min3A_248 [1] : vector<128x2560xi32> to vector<128xi32>
    %broadcast_in_dim3A_250 = vector.shape_cast %reduce_min3A_249 : vector<128xi32> to vector<128x1xi32>
    %swap3A_251 = arith.constant 0 : index
    %swap3A_252 = arith.constant 9 : index
    %swap3A_253 = vector.load %arg10[%swap3A_251, %swap3A_252] : memref<128x16xi32, #tpu.memory_space<vmem>>, vector<128x1xi32>
    tpu.vector_store %arg10[%swap3A_251, %swap3A_252], %broadcast_in_dim3A_250 {strides = array<i32>} : memref<128x16xi32, #tpu.memory_space<vmem>>, vector<128x1xi32>,
    %eq3A_254 = vector.broadcast %iota3A_2 : vector<1x2560xi32> to vector<128x2560xi32>
    %eq3A_255 = vector.broadcast %broadcast_in_dim3A_250 : vector<128x1xi32> to vector<128x2560xi32>
    %eq3A_256 = arith.cmpi eq, %eq3A_254, %eq3A_255 : vector<128x2560xi32>
    %jit3A_257 = arith.constant 3.000000e+15 : f32
    %broadcast_in_dim3A_258 = vector.broadcast %jit3A_257 : f32 to vector<128x2560xf32>
    %select_n3A_259 = arith.select %eq3A_256, %broadcast_in_dim3A_258, %select_n3A_237 : vector<128x2560xi1>, vector<128x2560xf32>
    %reduce_min3A_260 = arith.constant dense<0x7F800000> : vector<128xf32>
    %reduce_min3A_261 = vector.multi_reduction <minimumf>, %select_n3A_259, %reduce_min3A_260 [1] : vector<128x2560xf32> to vector<128xf32>
    %broadcast_in_dim3A_262 = vector.shape_cast %reduce_min3A_261 : vector<128xf32> to vector<128x1xf32>
    %eq3A_263 = vector.broadcast %broadcast_in_dim3A_262 : vector<128x1xf32> to vector<128x2560xf32>
    %eq3A_264 = arith.cmpf oeq, %select_n3A_259, %eq3A_263 : vector<128x2560xf32>
    %jit3A_265 = arith.constant 1073741824 : i32
    %broadcast_in_dim3A_266 = vector.shape_cast %iota3A_2 : vector<1x2560xi32> to vector<1x2560xi32>
    %broadcast_in_dim3A_267 = vector.broadcast %broadcast_in_dim3A_266 : vector<1x2560xi32> to vector<128x2560xi32>
    %broadcast_in_dim3A_268 = vector.broadcast %jit3A_265 : i32 to vector<128x2560xi32>
    %select_n3A_269 = arith.select %eq3A_264, %broadcast_in_dim3A_267, %broadcast_in_dim3A_268 : vector<128x2560xi1>, vector<128x2560xi32>
    %reduce_min3A_270 = arith.constant dense<2147483647> : vector<128xi32>
    %reduce_min3A_271 = vector.multi_reduction <minsi>, %select_n3A_269, %reduce_min3A_270 [1] : vector<128x2560xi32> to vector<128xi32>
    %broadcast_in_dim3A_272 = vector.shape_cast %reduce_min3A_271 : vector<128xi32> to vector<128x1xi32>
    %swap3A_273 = arith.constant 0 : index
    %swap3A_274 = arith.constant 10 : index
    %swap3A_275 = vector.load %arg10[%swap3A_273, %swap3A_274] : memref<128x16xi32, #tpu.memory_space<vmem>>, vector<128x1xi32>
    tpu.vector_store %arg10[%swap3A_273, %swap3A_274], %broadcast_in_dim3A_272 {strides = array<i32>} : memref<128x16xi32, #tpu.memory_space<vmem>>, vector<128x1xi32>,
    %eq3A_276 = vector.broadcast %iota3A_2 : vector<1x2560xi32> to vector<128x2560xi32>
    %eq3A_277 = vector.broadcast %broadcast_in_dim3A_272 : vector<128x1xi32> to vector<128x2560xi32>
    %eq3A_278 = arith.cmpi eq, %eq3A_276, %eq3A_277 : vector<128x2560xi32>
    %jit3A_279 = arith.constant 3.000000e+15 : f32
    %broadcast_in_dim3A_280 = vector.broadcast %jit3A_279 : f32 to vector<128x2560xf32>
    %select_n3A_281 = arith.select %eq3A_278, %broadcast_in_dim3A_280, %select_n3A_259 : vector<128x2560xi1>, vector<128x2560xf32>
    %reduce_min3A_282 = arith.constant dense<0x7F800000> : vector<128xf32>
    %reduce_min3A_283 = vector.multi_reduction <minimumf>, %select_n3A_281, %reduce_min3A_282 [1] : vector<128x2560xf32> to vector<128xf32>
    %broadcast_in_dim3A_284 = vector.shape_cast %reduce_min3A_283 : vector<128xf32> to vector<128x1xf32>
    %eq3A_285 = vector.broadcast %broadcast_in_dim3A_284 : vector<128x1xf32> to vector<128x2560xf32>
    %eq3A_286 = arith.cmpf oeq, %select_n3A_281, %eq3A_285 : vector<128x2560xf32>
    %jit3A_287 = arith.constant 1073741824 : i32
    %broadcast_in_dim3A_288 = vector.shape_cast %iota3A_2 : vector<1x2560xi32> to vector<1x2560xi32>
    %broadcast_in_dim3A_289 = vector.broadcast %broadcast_in_dim3A_288 : vector<1x2560xi32> to vector<128x2560xi32>
    %broadcast_in_dim3A_290 = vector.broadcast %jit3A_287 : i32 to vector<128x2560xi32>
    %select_n3A_291 = arith.select %eq3A_286, %broadcast_in_dim3A_289, %broadcast_in_dim3A_290 : vector<128x2560xi1>, vector<128x2560xi32>
    %reduce_min3A_292 = arith.constant dense<2147483647> : vector<128xi32>
    %reduce_min3A_293 = vector.multi_reduction <minsi>, %select_n3A_291, %reduce_min3A_292 [1] : vector<128x2560xi32> to vector<128xi32>
    %broadcast_in_dim3A_294 = vector.shape_cast %reduce_min3A_293 : vector<128xi32> to vector<128x1xi32>
    %swap3A_295 = arith.constant 0 : index
    %swap3A_296 = arith.constant 11 : index
    %swap3A_297 = vector.load %arg10[%swap3A_295, %swap3A_296] : memref<128x16xi32, #tpu.memory_space<vmem>>, vector<128x1xi32>
    tpu.vector_store %arg10[%swap3A_295, %swap3A_296], %broadcast_in_dim3A_294 {strides = array<i32>} : memref<128x16xi32, #tpu.memory_space<vmem>>, vector<128x1xi32>,
    %eq3A_298 = vector.broadcast %iota3A_2 : vector<1x2560xi32> to vector<128x2560xi32>
    %eq3A_299 = vector.broadcast %broadcast_in_dim3A_294 : vector<128x1xi32> to vector<128x2560xi32>
    %eq3A_300 = arith.cmpi eq, %eq3A_298, %eq3A_299 : vector<128x2560xi32>
    %jit3A_301 = arith.constant 3.000000e+15 : f32
    %broadcast_in_dim3A_302 = vector.broadcast %jit3A_301 : f32 to vector<128x2560xf32>
    %select_n3A_303 = arith.select %eq3A_300, %broadcast_in_dim3A_302, %select_n3A_281 : vector<128x2560xi1>, vector<128x2560xf32>
    %reduce_min3A_304 = arith.constant dense<0x7F800000> : vector<128xf32>
    %reduce_min3A_305 = vector.multi_reduction <minimumf>, %select_n3A_303, %reduce_min3A_304 [1] : vector<128x2560xf32> to vector<128xf32>
    %broadcast_in_dim3A_306 = vector.shape_cast %reduce_min3A_305 : vector<128xf32> to vector<128x1xf32>
    %eq3A_307 = vector.broadcast %broadcast_in_dim3A_306 : vector<128x1xf32> to vector<128x2560xf32>
    %eq3A_308 = arith.cmpf oeq, %select_n3A_303, %eq3A_307 : vector<128x2560xf32>
    %jit3A_309 = arith.constant 1073741824 : i32
    %broadcast_in_dim3A_310 = vector.shape_cast %iota3A_2 : vector<1x2560xi32> to vector<1x2560xi32>
    %broadcast_in_dim3A_311 = vector.broadcast %broadcast_in_dim3A_310 : vector<1x2560xi32> to vector<128x2560xi32>
    %broadcast_in_dim3A_312 = vector.broadcast %jit3A_309 : i32 to vector<128x2560xi32>
    %select_n3A_313 = arith.select %eq3A_308, %broadcast_in_dim3A_311, %broadcast_in_dim3A_312 : vector<128x2560xi1>, vector<128x2560xi32>
    %reduce_min3A_314 = arith.constant dense<2147483647> : vector<128xi32>
    %reduce_min3A_315 = vector.multi_reduction <minsi>, %select_n3A_313, %reduce_min3A_314 [1] : vector<128x2560xi32> to vector<128xi32>
    %broadcast_in_dim3A_316 = vector.shape_cast %reduce_min3A_315 : vector<128xi32> to vector<128x1xi32>
    %swap3A_317 = arith.constant 0 : index
    %swap3A_318 = arith.constant 12 : index
    %swap3A_319 = vector.load %arg10[%swap3A_317, %swap3A_318] : memref<128x16xi32, #tpu.memory_space<vmem>>, vector<128x1xi32>
    tpu.vector_store %arg10[%swap3A_317, %swap3A_318], %broadcast_in_dim3A_316 {strides = array<i32>} : memref<128x16xi32, #tpu.memory_space<vmem>>, vector<128x1xi32>,
    %eq3A_320 = vector.broadcast %iota3A_2 : vector<1x2560xi32> to vector<128x2560xi32>
    %eq3A_321 = vector.broadcast %broadcast_in_dim3A_316 : vector<128x1xi32> to vector<128x2560xi32>
    %eq3A_322 = arith.cmpi eq, %eq3A_320, %eq3A_321 : vector<128x2560xi32>
    %jit3A_323 = arith.constant 3.000000e+15 : f32
    %broadcast_in_dim3A_324 = vector.broadcast %jit3A_323 : f32 to vector<128x2560xf32>
    %select_n3A_325 = arith.select %eq3A_322, %broadcast_in_dim3A_324, %select_n3A_303 : vector<128x2560xi1>, vector<128x2560xf32>
    %reduce_min3A_326 = arith.constant dense<0x7F800000> : vector<128xf32>
    %reduce_min3A_327 = vector.multi_reduction <minimumf>, %select_n3A_325, %reduce_min3A_326 [1] : vector<128x2560xf32> to vector<128xf32>
    %broadcast_in_dim3A_328 = vector.shape_cast %reduce_min3A_327 : vector<128xf32> to vector<128x1xf32>
    %eq3A_329 = vector.broadcast %broadcast_in_dim3A_328 : vector<128x1xf32> to vector<128x2560xf32>
    %eq3A_330 = arith.cmpf oeq, %select_n3A_325, %eq3A_329 : vector<128x2560xf32>
    %jit3A_331 = arith.constant 1073741824 : i32
    %broadcast_in_dim3A_332 = vector.shape_cast %iota3A_2 : vector<1x2560xi32> to vector<1x2560xi32>
    %broadcast_in_dim3A_333 = vector.broadcast %broadcast_in_dim3A_332 : vector<1x2560xi32> to vector<128x2560xi32>
    %broadcast_in_dim3A_334 = vector.broadcast %jit3A_331 : i32 to vector<128x2560xi32>
    %select_n3A_335 = arith.select %eq3A_330, %broadcast_in_dim3A_333, %broadcast_in_dim3A_334 : vector<128x2560xi1>, vector<128x2560xi32>
    %reduce_min3A_336 = arith.constant dense<2147483647> : vector<128xi32>
    %reduce_min3A_337 = vector.multi_reduction <minsi>, %select_n3A_335, %reduce_min3A_336 [1] : vector<128x2560xi32> to vector<128xi32>
    %broadcast_in_dim3A_338 = vector.shape_cast %reduce_min3A_337 : vector<128xi32> to vector<128x1xi32>
    %swap3A_339 = arith.constant 0 : index
    %swap3A_340 = arith.constant 13 : index
    %swap3A_341 = vector.load %arg10[%swap3A_339, %swap3A_340] : memref<128x16xi32, #tpu.memory_space<vmem>>, vector<128x1xi32>
    tpu.vector_store %arg10[%swap3A_339, %swap3A_340], %broadcast_in_dim3A_338 {strides = array<i32>} : memref<128x16xi32, #tpu.memory_space<vmem>>, vector<128x1xi32>,
    %eq3A_342 = vector.broadcast %iota3A_2 : vector<1x2560xi32> to vector<128x2560xi32>
    %eq3A_343 = vector.broadcast %broadcast_in_dim3A_338 : vector<128x1xi32> to vector<128x2560xi32>
    %eq3A_344 = arith.cmpi eq, %eq3A_342, %eq3A_343 : vector<128x2560xi32>
    %jit3A_345 = arith.constant 3.000000e+15 : f32
    %broadcast_in_dim3A_346 = vector.broadcast %jit3A_345 : f32 to vector<128x2560xf32>
    %select_n3A_347 = arith.select %eq3A_344, %broadcast_in_dim3A_346, %select_n3A_325 : vector<128x2560xi1>, vector<128x2560xf32>
    %reduce_min3A_348 = arith.constant dense<0x7F800000> : vector<128xf32>
    %reduce_min3A_349 = vector.multi_reduction <minimumf>, %select_n3A_347, %reduce_min3A_348 [1] : vector<128x2560xf32> to vector<128xf32>
    %broadcast_in_dim3A_350 = vector.shape_cast %reduce_min3A_349 : vector<128xf32> to vector<128x1xf32>
    %eq3A_351 = vector.broadcast %broadcast_in_dim3A_350 : vector<128x1xf32> to vector<128x2560xf32>
    %eq3A_352 = arith.cmpf oeq, %select_n3A_347, %eq3A_351 : vector<128x2560xf32>
    %jit3A_353 = arith.constant 1073741824 : i32
    %broadcast_in_dim3A_354 = vector.shape_cast %iota3A_2 : vector<1x2560xi32> to vector<1x2560xi32>
    %broadcast_in_dim3A_355 = vector.broadcast %broadcast_in_dim3A_354 : vector<1x2560xi32> to vector<128x2560xi32>
    %broadcast_in_dim3A_356 = vector.broadcast %jit3A_353 : i32 to vector<128x2560xi32>
    %select_n3A_357 = arith.select %eq3A_352, %broadcast_in_dim3A_355, %broadcast_in_dim3A_356 : vector<128x2560xi1>, vector<128x2560xi32>
    %reduce_min3A_358 = arith.constant dense<2147483647> : vector<128xi32>
    %reduce_min3A_359 = vector.multi_reduction <minsi>, %select_n3A_357, %reduce_min3A_358 [1] : vector<128x2560xi32> to vector<128xi32>
    %broadcast_in_dim3A_360 = vector.shape_cast %reduce_min3A_359 : vector<128xi32> to vector<128x1xi32>
    %swap3A_361 = arith.constant 0 : index
    %swap3A_362 = arith.constant 14 : index
    %swap3A_363 = vector.load %arg10[%swap3A_361, %swap3A_362] : memref<128x16xi32, #tpu.memory_space<vmem>>, vector<128x1xi32>
    tpu.vector_store %arg10[%swap3A_361, %swap3A_362], %broadcast_in_dim3A_360 {strides = array<i32>} : memref<128x16xi32, #tpu.memory_space<vmem>>, vector<128x1xi32>,
    %eq3A_364 = vector.broadcast %iota3A_2 : vector<1x2560xi32> to vector<128x2560xi32>
    %eq3A_365 = vector.broadcast %broadcast_in_dim3A_360 : vector<128x1xi32> to vector<128x2560xi32>
    %eq3A_366 = arith.cmpi eq, %eq3A_364, %eq3A_365 : vector<128x2560xi32>
    %jit3A_367 = arith.constant 3.000000e+15 : f32
    %broadcast_in_dim3A_368 = vector.broadcast %jit3A_367 : f32 to vector<128x2560xf32>
    %select_n3A_369 = arith.select %eq3A_366, %broadcast_in_dim3A_368, %select_n3A_347 : vector<128x2560xi1>, vector<128x2560xf32>
    %reduce_min3A_370 = arith.constant dense<0x7F800000> : vector<128xf32>
    %reduce_min3A_371 = vector.multi_reduction <minimumf>, %select_n3A_369, %reduce_min3A_370 [1] : vector<128x2560xf32> to vector<128xf32>
    %broadcast_in_dim3A_372 = vector.shape_cast %reduce_min3A_371 : vector<128xf32> to vector<128x1xf32>
    %eq3A_373 = vector.broadcast %broadcast_in_dim3A_372 : vector<128x1xf32> to vector<128x2560xf32>
    %eq3A_374 = arith.cmpf oeq, %select_n3A_369, %eq3A_373 : vector<128x2560xf32>
    %jit3A_375 = arith.constant 1073741824 : i32
    %broadcast_in_dim3A_376 = vector.shape_cast %iota3A_2 : vector<1x2560xi32> to vector<1x2560xi32>
    %broadcast_in_dim3A_377 = vector.broadcast %broadcast_in_dim3A_376 : vector<1x2560xi32> to vector<128x2560xi32>
    %broadcast_in_dim3A_378 = vector.broadcast %jit3A_375 : i32 to vector<128x2560xi32>
    %select_n3A_379 = arith.select %eq3A_374, %broadcast_in_dim3A_377, %broadcast_in_dim3A_378 : vector<128x2560xi1>, vector<128x2560xi32>
    %reduce_min3A_380 = arith.constant dense<2147483647> : vector<128xi32>
    %reduce_min3A_381 = vector.multi_reduction <minsi>, %select_n3A_379, %reduce_min3A_380 [1] : vector<128x2560xi32> to vector<128xi32>
    %broadcast_in_dim3A_382 = vector.shape_cast %reduce_min3A_381 : vector<128xi32> to vector<128x1xi32>
    %swap3A_383 = arith.constant 0 : index
    %swap3A_384 = arith.constant 15 : index
    %swap3A_385 = vector.load %arg10[%swap3A_383, %swap3A_384] : memref<128x16xi32, #tpu.memory_space<vmem>>, vector<128x1xi32>
    tpu.vector_store %arg10[%swap3A_383, %swap3A_384], %broadcast_in_dim3A_382 {strides = array<i32>} : memref<128x16xi32, #tpu.memory_space<vmem>>, vector<128x1xi32>,
    %get3A_386 = arith.constant 0 : index
    %get3A_387 = arith.constant 0 : index
    %get3A_388 = vector.load %arg2[%get3A_386, %get3A_387] : memref<128x1xf32, #tpu.memory_space<vmem>>, vector<128x1xf32>
    %neg3A = arith.constant 0.000000e+00 : f32
    %neg3A_389 = vector.broadcast %neg3A : f32 to vector<128x1xf32>
    %neg3A_390 = arith.subf %neg3A_389, %get3A_388 : vector<128x1xf32>
    %exp3A = math.exp %neg3A_390 : vector<128x1xf32>
    %add3A_391 = arith.constant 1.000000e+00 : f32
    %add3A_392 = vector.broadcast %add3A_391 : f32 to vector<128x1xf32>
    %add3A_393 = arith.addf %add3A_392, %exp3A : vector<128x1xf32>
    %div3A = arith.constant 1.000000e+00 : f32
    %div3A_394 = vector.broadcast %div3A : f32 to vector<128x1xf32>
    %div3A_395 = arith.divf %div3A_394, %add3A_393 : vector<128x1xf32>
    %get3A_396 = arith.constant 0 : index
    %get3A_397 = arith.constant 0 : index
    %get3A_398 = vector.load %arg1[%get3A_396, %get3A_397] : memref<128x512xf32, #tpu.memory_space<vmem>>, vector<128x512xf32>
    %mul3A_399 = vector.broadcast %div3A_395 : vector<128x1xf32> to vector<128x512xf32>
    %mul3A_400 = arith.mulf %get3A_398, %mul3A_399 : vector<128x512xf32>
    %swap3A_401 = arith.constant 0 : index
    %swap3A_402 = arith.constant 0 : index
    %swap3A_403 = vector.load %arg9[%swap3A_401, %swap3A_402] : memref<128x512xf32, #tpu.memory_space<vmem>>, vector<128x512xf32>
    tpu.vector_store %arg9[%swap3A_401, %swap3A_402], %mul3A_400 {strides = array<i32>} : memref<128x512xf32, #tpu.memory_space<vmem>>, vector<128x512xf32>,
    return
  }
  func.func @transform_0(%arg0: i32) -> (i32, i32) {
    %c0_i32 = arith.constant 0 : i32
    %c0_i32_0 = arith.constant 0 : i32
    return %arg0, %c0_i32 : i32, i32
  }
  func.func @transform_1(%arg0: i32) -> (i32, i32) {
    %c0_i32 = arith.constant 0 : i32
    %c0_i32_0 = arith.constant 0 : i32
    return %arg0, %c0_i32 : i32, i32
  }
  func.func @transform_2(%arg0: i32) -> (i32, i32) {
    %c0_i32 = arith.constant 0 : i32
    %c0_i32_0 = arith.constant 0 : i32
    return %arg0, %c0_i32 : i32, i32
  }
  func.func @transform_3(%arg0: i32) -> (i32, i32) {
    %c0_i32 = arith.constant 0 : i32
    %c0_i32_0 = arith.constant 0 : i32
    return %arg0, %c0_i32 : i32, i32
  }
  func.func @transform_4(%arg0: i32) -> (i32, i32) {
    %c0_i32 = arith.constant 0 : i32
    %c0_i32_0 = arith.constant 0 : i32
    return %arg0, %c0_i32 : i32, i32
  }
  func.func @transform_5(%arg0: i32) -> (i32, i32) {
    %c0_i32 = arith.constant 0 : i32
    %c0_i32_0 = arith.constant 0 : i32
    %c0_i32_1 = arith.constant 0 : i32
    return %c0_i32, %c0_i32_0 : i32, i32
  }
  func.func @transform_6(%arg0: i32) -> (i32, i32) {
    %c0_i32 = arith.constant 0 : i32
    %c0_i32_0 = arith.constant 0 : i32
    %c0_i32_1 = arith.constant 0 : i32
    return %c0_i32, %c0_i32_0 : i32, i32
  }
  func.func @transform_7(%arg0: i32) -> (i32, i32) {
    %c0_i32 = arith.constant 0 : i32
    %c0_i32_0 = arith.constant 0 : i32
    %c0_i32_1 = arith.constant 0 : i32
    return %c0_i32, %c0_i32_0 : i32, i32
  }
  func.func @transform_8(%arg0: i32) -> (i32, i32) {
    %c0_i32 = arith.constant 0 : i32
    %c0_i32_0 = arith.constant 0 : i32
    return %arg0, %c0_i32 : i32, i32
  }
  func.func @transform_9(%arg0: i32) -> (i32, i32) {
    %c0_i32 = arith.constant 0 : i32
    %c0_i32_0 = arith.constant 0 : i32
    return %arg0, %c0_i32 : i32, i32
  }
}

module attributes {stable_mosaic.version = 14 : i64} {
  func.func @body(%arg0: i32, %arg1: memref<1024x1xf32, #tpu.memory_space<vmem>>, %arg2: memref<1024x1xf32, #tpu.memory_space<vmem>>, %arg3: memref<1024x1xf32, #tpu.memory_space<vmem>>, %arg4: memref<1024x1xf32, #tpu.memory_space<vmem>>, %arg5: memref<1024x1xf32, #tpu.memory_space<vmem>>, %arg6: memref<1024x1xf32, #tpu.memory_space<vmem>>, %arg7: memref<16x512xf32, #tpu.memory_space<vmem>>, %arg8: memref<1x512xf32, #tpu.memory_space<vmem>>, %arg9: memref<512x512xf32, #tpu.memory_space<vmem>>, %arg10: memref<1x512xf32, #tpu.memory_space<vmem>>, %arg11: memref<1024x512xf32, #tpu.memory_space<vmem>>) attributes {dimension_semantics = [#tpu.dimension_semantics<arbitrary>], iteration_bounds = array<i64: 40>, scalar_prefetch = 0 : i64, scratch_operands = 0 : i64, tpu.core_type = #tpu.core_type<tc>, window_params = [{transform_indices = @transform_0, window_bounds = array<i64: 1024, 1>}, {transform_indices = @transform_1, window_bounds = array<i64: 1024, 1>}, {transform_indices = @transform_2, window_bounds = array<i64: 1024, 1>}, {transform_indices = @transform_3, window_bounds = array<i64: 1024, 1>}, {transform_indices = @transform_4, window_bounds = array<i64: 1024, 1>}, {transform_indices = @transform_5, window_bounds = array<i64: 1024, 1>}, {pipeline_mode = #tpu.pipeline_mode<synchronous>, transform_indices = @transform_6, window_bounds = array<i64: 16, 512>}, {pipeline_mode = #tpu.pipeline_mode<synchronous>, transform_indices = @transform_7, window_bounds = array<i64: 1, 512>}, {pipeline_mode = #tpu.pipeline_mode<synchronous>, transform_indices = @transform_8, window_bounds = array<i64: 512, 512>}, {pipeline_mode = #tpu.pipeline_mode<synchronous>, transform_indices = @transform_9, window_bounds = array<i64: 1, 512>}, {transform_indices = @transform_10, window_bounds = array<i64: 1024, 512>}]} {
    %get3A = arith.constant 0 : index
    %get3A_0 = arith.constant 0 : index
    %get3A_1 = vector.load %arg1[%get3A, %get3A_0] : memref<1024x1xf32, #tpu.memory_space<vmem>>, vector<1024x1xf32>
    %get3A_2 = arith.constant 0 : index
    %get3A_3 = arith.constant 0 : index
    %get3A_4 = vector.load %arg4[%get3A_2, %get3A_3] : memref<1024x1xf32, #tpu.memory_space<vmem>>, vector<1024x1xf32>
    %sub3A = arith.subf %get3A_1, %get3A_4 : vector<1024x1xf32>
    %get3A_5 = arith.constant 0 : index
    %get3A_6 = arith.constant 0 : index
    %get3A_7 = vector.load %arg2[%get3A_5, %get3A_6] : memref<1024x1xf32, #tpu.memory_space<vmem>>, vector<1024x1xf32>
    %get3A_8 = arith.constant 0 : index
    %get3A_9 = arith.constant 0 : index
    %get3A_10 = vector.load %arg5[%get3A_8, %get3A_9] : memref<1024x1xf32, #tpu.memory_space<vmem>>, vector<1024x1xf32>
    %sub3A_11 = arith.subf %get3A_7, %get3A_10 : vector<1024x1xf32>
    %get3A_12 = arith.constant 0 : index
    %get3A_13 = arith.constant 0 : index
    %get3A_14 = vector.load %arg3[%get3A_12, %get3A_13] : memref<1024x1xf32, #tpu.memory_space<vmem>>, vector<1024x1xf32>
    %get3A_15 = arith.constant 0 : index
    %get3A_16 = arith.constant 0 : index
    %get3A_17 = vector.load %arg6[%get3A_15, %get3A_16] : memref<1024x1xf32, #tpu.memory_space<vmem>>, vector<1024x1xf32>
    %sub3A_18 = arith.subf %get3A_14, %get3A_17 : vector<1024x1xf32>
    %mul3A = arith.mulf %sub3A, %sub3A : vector<1024x1xf32>
    %mul3A_19 = arith.mulf %sub3A_11, %sub3A_11 : vector<1024x1xf32>
    %add3A = arith.addf %mul3A, %mul3A_19 : vector<1024x1xf32>
    %mul3A_20 = arith.mulf %sub3A_18, %sub3A_18 : vector<1024x1xf32>
    %add3A_21 = arith.addf %add3A, %mul3A_20 : vector<1024x1xf32>
    %add3A_22 = arith.constant 9.99999993E-9 : f32
    %add3A_23 = vector.broadcast %add3A_22 : f32 to vector<1024x1xf32>
    %add3A_24 = arith.addf %add3A_21, %add3A_23 : vector<1024x1xf32>
    %sqrt3A = math.sqrt %add3A_24 : vector<1024x1xf32>
    %div3A = arith.divf %sub3A, %sqrt3A : vector<1024x1xf32>
    %div3A_25 = arith.divf %sub3A_11, %sqrt3A : vector<1024x1xf32>
    %div3A_26 = arith.divf %sub3A_18, %sqrt3A : vector<1024x1xf32>
    %broadcast_in_dim3A = arith.constant 0.000000e+00 : f32
    %broadcast_in_dim3A_27 = vector.broadcast %broadcast_in_dim3A : f32 to vector<1024x1xf32>
    %broadcast_in_dim3A_28 = arith.constant 1.000000e+00 : f32
    %broadcast_in_dim3A_29 = vector.broadcast %broadcast_in_dim3A_28 : f32 to vector<1024x1xf32>
    %mul3A_30 = arith.mulf %div3A, %div3A_25 : vector<1024x1xf32>
    %mul3A_31 = arith.mulf %div3A_25, %div3A_26 : vector<1024x1xf32>
    %mul3A_32 = arith.constant 3.000000e+00 : f32
    %mul3A_33 = vector.broadcast %mul3A_32 : f32 to vector<1024x1xf32>
    %mul3A_34 = arith.mulf %mul3A_33, %div3A_26 : vector<1024x1xf32>
    %mul3A_35 = arith.mulf %mul3A_34, %div3A_26 : vector<1024x1xf32>
    %sub3A_36 = arith.constant 1.000000e+00 : f32
    %sub3A_37 = vector.broadcast %sub3A_36 : f32 to vector<1024x1xf32>
    %sub3A_38 = arith.subf %mul3A_35, %sub3A_37 : vector<1024x1xf32>
    %mul3A_39 = arith.mulf %div3A, %div3A_26 : vector<1024x1xf32>
    %mul3A_40 = arith.mulf %div3A, %div3A : vector<1024x1xf32>
    %mul3A_41 = arith.mulf %div3A_25, %div3A_25 : vector<1024x1xf32>
    %sub3A_42 = arith.subf %mul3A_40, %mul3A_41 : vector<1024x1xf32>
    %concatenate3A = tpu.concatenate %broadcast_in_dim3A_29, %div3A, %div3A_25, %div3A_26, %mul3A_30, %mul3A_31, %sub3A_38, %mul3A_39, %sub3A_42, %broadcast_in_dim3A_27, %broadcast_in_dim3A_27, %broadcast_in_dim3A_27, %broadcast_in_dim3A_27, %broadcast_in_dim3A_27, %broadcast_in_dim3A_27, %broadcast_in_dim3A_27 in 1 : vector<1024x1xf32>, vector<1024x1xf32>, vector<1024x1xf32>, vector<1024x1xf32>, vector<1024x1xf32>, vector<1024x1xf32>, vector<1024x1xf32>, vector<1024x1xf32>, vector<1024x1xf32>, vector<1024x1xf32>, vector<1024x1xf32>, vector<1024x1xf32>, vector<1024x1xf32>, vector<1024x1xf32>, vector<1024x1xf32>, vector<1024x1xf32> -> vector<1024x16xf32>
    %get3A_43 = arith.constant 0 : index
    %get3A_44 = arith.constant 0 : index
    %get3A_45 = vector.load %arg7[%get3A_43, %get3A_44] : memref<16x512xf32, #tpu.memory_space<vmem>>, vector<16x512xf32>
    %dot_general3A = arith.constant dense<0.000000e+00> : vector<1024x512xf32>
    %dot_general3A_46 = tpu.matmul %concatenate3A, %get3A_45, %dot_general3A {dimension_numbers = #tpu.dot_dimension_numbers<[1], [0], [0], [1], [0, 0, 1, 1], [], []>, transpose_lhs_hint = false} : vector<1024x16xf32>, vector<16x512xf32>, vector<1024x512xf32> -> vector<1024x512xf32>
    %get3A_47 = arith.constant 0 : index
    %get3A_48 = arith.constant 0 : index
    %get3A_49 = vector.load %arg8[%get3A_47, %get3A_48] : memref<1x512xf32, #tpu.memory_space<vmem>>, vector<1x512xf32>
    %add3A_50 = vector.broadcast %get3A_49 : vector<1x512xf32> to vector<1024x512xf32>
    %add3A_51 = arith.addf %dot_general3A_46, %add3A_50 : vector<1024x512xf32>
    %max3A = arith.constant 0.000000e+00 : f32
    %max3A_52 = vector.broadcast %max3A : f32 to vector<1024x512xf32>
    %max3A_53 = arith.maximumf %add3A_51, %max3A_52 : vector<1024x512xf32>
    %get3A_54 = arith.constant 0 : index
    %get3A_55 = arith.constant 0 : index
    %get3A_56 = vector.load %arg9[%get3A_54, %get3A_55] : memref<512x512xf32, #tpu.memory_space<vmem>>, vector<512x512xf32>
    %dot_general3A_57 = arith.constant dense<0.000000e+00> : vector<1024x512xf32>
    %dot_general3A_58 = tpu.matmul %max3A_53, %get3A_56, %dot_general3A_57 {dimension_numbers = #tpu.dot_dimension_numbers<[1], [0], [0], [1], [0, 0, 1, 1], [], []>, transpose_lhs_hint = false} : vector<1024x512xf32>, vector<512x512xf32>, vector<1024x512xf32> -> vector<1024x512xf32>
    %get3A_59 = arith.constant 0 : index
    %get3A_60 = arith.constant 0 : index
    %get3A_61 = vector.load %arg10[%get3A_59, %get3A_60] : memref<1x512xf32, #tpu.memory_space<vmem>>, vector<1x512xf32>
    %add3A_62 = vector.broadcast %get3A_61 : vector<1x512xf32> to vector<1024x512xf32>
    %add3A_63 = arith.addf %dot_general3A_58, %add3A_62 : vector<1024x512xf32>
    %swap3A = arith.constant 0 : index
    %swap3A_64 = arith.constant 0 : index
    %swap3A_65 = vector.load %arg11[%swap3A, %swap3A_64] : memref<1024x512xf32, #tpu.memory_space<vmem>>, vector<1024x512xf32>
    tpu.vector_store %arg11[%swap3A, %swap3A_64], %add3A_63 {strides = array<i32>} : memref<1024x512xf32, #tpu.memory_space<vmem>>, vector<1024x512xf32>,
    return
  }
  func.func @transform_0(%arg0: i32) -> (i32, i32) {
    %c0_i32 = arith.constant 0 : i32
    %c0_i32_0 = arith.constant 0 : i32
    return %arg0, %c0_i32 : i32, i32
  }
  func.func @transform_1(%arg0: i32) -> (i32, i32) {
    %c0_i32 = arith.constant 0 : i32
    %c0_i32_0 = arith.constant 0 : i32
    return %arg0, %c0_i32 : i32, i32
  }
  func.func @transform_2(%arg0: i32) -> (i32, i32) {
    %c0_i32 = arith.constant 0 : i32
    %c0_i32_0 = arith.constant 0 : i32
    return %arg0, %c0_i32 : i32, i32
  }
  func.func @transform_3(%arg0: i32) -> (i32, i32) {
    %c0_i32 = arith.constant 0 : i32
    %c0_i32_0 = arith.constant 0 : i32
    return %arg0, %c0_i32 : i32, i32
  }
  func.func @transform_4(%arg0: i32) -> (i32, i32) {
    %c0_i32 = arith.constant 0 : i32
    %c0_i32_0 = arith.constant 0 : i32
    return %arg0, %c0_i32 : i32, i32
  }
  func.func @transform_5(%arg0: i32) -> (i32, i32) {
    %c0_i32 = arith.constant 0 : i32
    %c0_i32_0 = arith.constant 0 : i32
    return %arg0, %c0_i32 : i32, i32
  }
  func.func @transform_6(%arg0: i32) -> (i32, i32) {
    %c0_i32 = arith.constant 0 : i32
    %c0_i32_0 = arith.constant 0 : i32
    %c0_i32_1 = arith.constant 0 : i32
    return %c0_i32, %c0_i32_0 : i32, i32
  }
  func.func @transform_7(%arg0: i32) -> (i32, i32) {
    %c0_i32 = arith.constant 0 : i32
    %c0_i32_0 = arith.constant 0 : i32
    %c0_i32_1 = arith.constant 0 : i32
    return %c0_i32, %c0_i32_0 : i32, i32
  }
  func.func @transform_8(%arg0: i32) -> (i32, i32) {
    %c0_i32 = arith.constant 0 : i32
    %c0_i32_0 = arith.constant 0 : i32
    %c0_i32_1 = arith.constant 0 : i32
    return %c0_i32, %c0_i32_0 : i32, i32
  }
  func.func @transform_9(%arg0: i32) -> (i32, i32) {
    %c0_i32 = arith.constant 0 : i32
    %c0_i32_0 = arith.constant 0 : i32
    %c0_i32_1 = arith.constant 0 : i32
    return %c0_i32, %c0_i32_0 : i32, i32
  }
  func.func @transform_10(%arg0: i32) -> (i32, i32) {
    %c0_i32 = arith.constant 0 : i32
    %c0_i32_0 = arith.constant 0 : i32
    return %arg0, %c0_i32 : i32, i32
  }
}

</mosaic_0001>

<sc_bundles>
// kernel: kernel.12.cloned.1.call-start
scs
__scs_entry_jumppad:
0x0: {  	(pc) =	sbr.rel $0x88, $3  }
0x1: {  	(tag) =	ssettag $0x0;
	lr =	simm.s32 $0x1  }
0x2: {  	[smem:$0x3F99] =	sst lr;
	_ =	strace $0xD0000000  }
0x3: {  	_ = 	snop  }
0x4: {  	_ = 	snop  }
0x5: {  	_ = 	snop  }
0x6: {  	_ = 	snop  }
0x7: {  	_ = 	snop  }
__scs_overlays_trampoline_lowered:
0x8: {  	[smem:$0x3FA8] =	sst s0  }
0x9: {  	[smem:$0x3FA9] =	sst s1  }
0xa: {  	[smem:$0x3FAA] =	sst s2  }
0xb: {  	[smem:$0x3FAB] =	sst s3  }
0xc: {  	[smem:$0x3FAC] =	sst s4  }
0xd: {  	[smem:$0x3FAD] =	sst s5  }
0xe: {  	[smem:$0x3FAE] =	sst s6  }
0xf: {  	[smem:$0x3FAF] =	sst s7  }
0x10: {  	[smem:$0x3FB0] =	sst s8  }
0x11: {  	[smem:$0x3FB1] =	sst s9;
	s0 =	simm.s32 @!p0 $0x0  }
0x12: {  	s1 =	sld [smem:$0x3F97];
	s0 =	simm.s32 @p0 $0x1  }
0x13: {  	[smem:$0x3FB2] =	sst s0;
	s0 =	simm.s32 @!p1 $0x0  }
0x14: {  	s2 =	sld [smem:$0x3F96];
	s0 =	simm.s32 @p1 $0x1  }
0x15: {  	[smem:$0x3FB3] =	sst s0;
	s0 =	simm.s32 @!p2 $0x0  }
0x16: {  	s3 =	sld [smem:$0x3FDB];
	s0 =	simm.s32 @p2 $0x1  }
0x17: {  	s4 =	simm.s32 $0x1BF5;
	[smem:$0x3FB5] =	sst s0  }
0x18: {  	s0 =	sld [smem:$0x3F98];
	_ =	swait.ge [sflag:s4], $0x0  }
0x19: {  	s7 =	sld [smem:$0x3F99]  }
0x1a: {  	s8 =	sadd.s32 $0xFFFFE003, lr  }
0x1b: {  	s9 =	sadd.s32 $0xFFFFFEF7, lr;
	s5 =	simm.s32 $0xFFFFFFFF;
	p2 =	slt.u32 s8, $0xFFFFF086  }
0x1c: {  	p1 =	slt.u32 s9, $0xF7A;
	s5 =	simm.s32 @!p2 $0x0  }
0x1d: {  	s5 =	simm.s32 @p1 $0x1;
	p0 =	seq.s32 s7, s2  }
0x1e: {  	s7 =	smul.u32 @!p0 $0xF7A, s2;
	p2 =	seq.s32 @!p0 s5, $0x0  }
0x1f: {  	s9 =	smul.u32 $0xF7A, s1;
	s8 =	simm.s32 @!p0 $0x1BF5;
	p2 =	por !p2, p0  }
0x20: {  	[sflag:s8] =	ssyncset.s32 @!p0 $0xFFFFF086;
	s6 =	sadd.s32 @!p0 s3, s7;
	s7 =	simm.s32 @!p0 $0x108  }
0x21: {  	s3 =	sadd.s32 s3, s9;
	s6 =	sadd.s32 @!p0 $0x88, s6;
	s7 =	simm.s32 @p2 $0x1082  }
0x22: {  	[simem:s7], [sflag:s8] =	dma.local @!p0 [hbm:s6], $0xF7A  }
0x23: {  	s9 =	sor.u32 $0xD0000000, s2;
	s6 =	simm.s32 $0x108;
	_ =	swait.ge @!p0 [sflag:s8], $0x0  }
0x24: {  	s3 =	sadd.s32 $0x88, s3;
	s6 =	simm.s32 @!p1 $0x1082;
	[sflag:s4] =	ssyncset.s32 $0xFFFFF086  }
0x25: {  	[simem:s6], [sflag:s4] =	dma.local [hbm:s3], $0xF7A  }
0x26: {  	[smem:$0x3F99] =	sst s1;
	(tag) =	ssettag s2;
	_ =	strace s9  }
0x27: {  	s1 =	sld [smem:$0x3FA9]  }
0x28: {  	s2 =	sld [smem:$0x3FAA]  }
0x29: {  	s4 =	sld [smem:$0x3FAC]  }
0x2a: {  	p0 =	seq.s32 s5, $0x0;
	s5 =	sld [smem:$0x3FAD]  }
0x2b: {  	s6 =	sld [smem:$0x3FAE]  }
0x2c: {  	s7 =	sld [smem:$0x3FAF]  }
0x2d: {  	s3 =	simm.s32 $0x108;
	s8 =	sld [smem:$0x3FB0]  }
0x2e: {  	s3 =	simm.s32 @!p0 $0x1082;
	s9 =	sld [smem:$0x3FB1]  }
0x2f: {  	lr =	sadd.s32 s0, s3;
	s0 =	sld [smem:$0x3FA8]  }
0x30: {  	s3 =	sld [smem:$0x3FAB]  }
0x31: {  	[smem:$0x3FB4] =	sst s10  }
0x32: {  	s10 =	sld [smem:$0x3FB2];
	_ =	sdelay $0x3  }
0x33: {  	p0 =	seq.s32 s10, $0x1;
	s10 =	sld [smem:$0x3FB4];
	_ =	sdelay $0x3  }
0x34: {  	[smem:$0x3FB4] =	sst s10  }
0x35: {  	s10 =	sld [smem:$0x3FB3];
	_ =	sdelay $0x3  }
0x36: {  	p1 =	seq.s32 s10, $0x1;
	s10 =	sld [smem:$0x3FB4];
	_ =	sdelay $0x3  }
0x37: {  	[smem:$0x3FB4] =	sst s10  }
0x38: {  	s10 =	sld [smem:$0x3FB5]  }
0x39: {  	_ = 	snop;
	(pc) =	sbr.ind lr, $3  }
0x3a: {  	_ = 	snop  }
0x3b: {  	_ = 	snop  }
0x3c: {  	p2 =	seq.s32 s10, $0x1;
	s10 =	sld [smem:$0x3FB4]  }
0x3d: {  	_ =	shalt  }
0x3e: {  	_ =	shalt  }
0x3f: {  	_ =	shalt  }
0x40: {  	_ =	shalt  }
0x41: {  	_ =	shalt  }
0x42: {  	_ =	shalt  }
0x43: {  	_ =	shalt  }
0x44: {  	_ =	shalt  }
0x45: {  	_ =	shalt  }
0x46: {  	_ =	shalt  }
0x47: {  	_ =	shalt  }
0x48: {  	_ =	shalt  }
0x49: {  	_ =	shalt  }
0x4a: {  	_ =	shalt  }
0x4b: {  	_ =	shalt  }
0x4c: {  	_ =	shalt  }
0x4d: {  	_ =	shalt  }
0x4e: {  	_ =	shalt  }
0x4f: {  	_ =	shalt  }
0x50: {  	_ =	shalt  }
0x51: {  	_ =	shalt  }
0x52: {  	_ =	shalt  }
0x53: {  	_ =	shalt  }
0x54: {  	_ =	shalt  }
0x55: {  	_ =	shalt  }
0x56: {  	_ =	shalt  }
0x57: {  	_ =	shalt  }
0x58: {  	_ =	shalt  }
0x59: {  	_ =	shalt  }
0x5a: {  	_ =	shalt  }
0x5b: {  	_ =	shalt  }
0x5c: {  	_ =	shalt  }
0x5d: {  	_ =	shalt  }
0x5e: {  	_ =	shalt  }
0x5f: {  	_ =	shalt  }
0x60: {  	_ =	shalt  }
0x61: {  	_ =	shalt  }
0x62: {  	_ =	shalt  }
0x63: {  	_ =	shalt  }
0x64: {  	_ =	shalt  }
0x65: {  	_ =	shalt  }
0x66: {  	_ =	shalt  }
0x67: {  	_ =	shalt  }
0x68: {  	_ =	shalt  }
0x69: {  	_ =	shalt  }
0x6a: {  	_ =	shalt  }
0x6b: {  	_ =	shalt  }
0x6c: {  	_ =	shalt  }
0x6d: {  	_ =	shalt  }
0x6e: {  	_ =	shalt  }
0x6f: {  	_ =	shalt  }
0x70: {  	_ =	shalt  }
0x71: {  	_ =	shalt  }
0x72: {  	_ =	shalt  }
0x73: {  	_ =	shalt  }
0x74: {  	_ =	shalt  }
0x75: {  	_ =	shalt  }
0x76: {  	_ =	shalt  }
0x77: {  	_ =	shalt  }
0x78: {  	_ =	shalt  }
0x79: {  	_ =	shalt  }
0x7a: {  	_ =	shalt  }
0x7b: {  	_ =	shalt  }
0x7c: {  	_ =	shalt  }
0x7d: {  	_ =	shalt  }
0x7e: {  	_ =	shalt  }
0x7f: {  	_ =	shalt  }
0x80: {  	_ =	shalt  }
0x81: {  	_ =	shalt  }
0x82: {  	_ =	shalt  }
0x83: {  	_ =	shalt  }
0x84: {  	_ =	shalt  }
0x85: {  	_ =	shalt  }
0x86: {  	_ =	shalt  }
0x87: {  	_ =	shalt  }
.Lfunc_end0:
.L_simem_size_0:
called_computation.1_lowered:
.L_overlay_start_0:
0x88: {  	s2 =	sld [smem:$0x3FD9]  }
0x89: {  	s3 =	sld [smem:$0x3FFE];
	_ =	sdelay $0x1  }
0x8a: {  	s1 =	srdreg.scid  }
0x8b: {  	s0 =	sand.u32 $0x1, s1  }
0x8c: {  	s14 =	sshll.u32 s0, $0xA;
	s2 =	sadd.s32 s3, s2  }
0x8d: {  	s2 =	sadd.s32 s2, s14  }
0x8e: {  	[smem:$0x3FC0] =	sst s2  }
0x8f: {  	_ = 	snop  }
0x90: {  	s2 =	sld [smem:$0x3FD0];
	_ =	sdelay $0x1  }
0x91: {  	s15 =	sld [smem:$0x3FC9]  }
0x92: {  	s5 =	simm.s32 $0xA;
	s6 =	simm.s32 $0x10;
	s4 =	sld [smem:$0x3FC7]  }
0x93: {  	[smem:s6], [sflag:s5] =	dma.local [hbm:s2], $0x1  }
0x94: {  	_ =	swait.eq [sflag:s5], $0x1  }
0x95: {  	s16 =	sld [smem:$0x10]  }
0x96: {  	s17 =	sld [smem:$0x11];
	[sflag:s5] =	ssyncset.done $0x0  }
0x97: {  	s7 =	sld [smem:$0x12];
	[sflag:s5] =	ssyncadd.s32 $0xFFFFFFFF  }
0x98: {  	s18 =	sld [smem:$0x13];
	(tm) =	ssettm $0x1  }
0x99: {  	s8 =	sld [smem:$0x3FFB];
	_ =	sdelay $0x3  }
0x9a: {  	_ =	strace s8  }
0x9b: {  	s8 =	sld [smem:$0x3FFC];
	_ =	sdelay $0x3  }
0x9c: {  	_ =	strace s8  }
0x9d: {  	s8 =	sld [smem:$0x3FFD];
	_ =	sdelay $0x3  }
0x9e: {  	_ =	strace s8  }
0x9f: {  	_ =	strace $0x8FFFFFFF  }
0xa0: {  	s19 =	sld [smem:$0x3FDB];
	_ =	sdelay $0x1  }
0xa1: {  	s9 =	simm.s32 $_scs_section_size  }
0xa2: {  	s10 =	simm.s32 $_size__tile_overlayer_lowered;
	s11 =	simm.s32 $_tile_overlayer_lowered  }
0xa3: {  	s22 =	simm.s32 $0x1BFF;
	s21 =	sshll.u32 s11, $0x1;
	s8 =	sadd.s32 s9, s19  }
0xa4: {  	s12 =	simm.s32 $0x0;
	s20 =	sshll.u32 s10, $0x1;
	s10 =	sadd.s32 s21, s8  }
0xa5: {  	[timem:s12], [sflag:s22] =	dma.local [hbm:s10], s20  }
0xa6: {  	_ =	swait.ge [sflag:s22], s20  }
0xa7: {  	s9 =	ssub.s32 $0x0, s20;
	[sflag:s22] =	ssyncset.done $0x0  }
0xa8: {  	[sflag:s22] =	ssyncadd.s32 s9;
	_ =	sdelay $0x1  }
0xa9: {  	s23 =	simm.s32 $0x1B8B  }
0xaa: {  	_ =	swait.ge [sflag:s23], $0x1  }
0xab: {  	[sflag:s23] =	ssyncset.done $0x0  }
0xac: {  	s25 =	simm.s32 $0x1B8E;
	s24 =	sld [smem:$0x3FFE];
	[sflag:s23] =	ssyncadd.s32 $0xFFFFFFFF  }
0xad: {  	s26 =	simm.s32 $execute0_lowered;
	[smem:$0x3FD2] =	sst s25  }
0xae: {  	s10 =	sshll.u32 s26, $0x1;
	_ =	strace $0x80000049;
	[dreg:$0x1] =	wrdreg $0xFFFFFFFF  }
0xaf: {  	s28 =	simm.s32 $_size_execute0_lowered;
	s8 =	sadd.s32 s8, s10;
	[dreg:$0x0] =	wrdreg $0x0  }
0xb0: {  	s10 =	sshll.u32 s28, $0x1;
	[dreg:$0x2] =	wrdreg s8  }
0xb1: {  	[dreg:$0x3] =	wrdreg s10  }
0xb2: {  	[dreg:$0x4] =	wrdreg $0xC0  }
0xb3: {  	_ =	task [dreg:s12], $0x5FFFF  }
0xb4: {  	[dreg:$0x1] =	wrdreg $0xFFFFFFFF  }
0xb5: {  	[dreg:$0x0] =	wrdreg $0x60  }
0xb6: {  	[dreg:$0x2] =	wrdreg s24  }
0xb7: {  	[dreg:$0x3] =	wrdreg s15  }
0xb8: {  	[dreg:$0x4] =	wrdreg s17  }
0xb9: {  	[dreg:$0x5] =	wrdreg s4  }
0xba: {  	[dreg:$0x6] =	wrdreg s18  }
0xbb: {  	[dreg:$0x7] =	wrdreg s7  }
0xbc: {  	[dreg:$0x8] =	wrdreg s16  }
0xbd: {  	[dreg:$0x9] =	wrdreg $0x9  }
0xbe: {  	_ =	task.clear_ibuf [dreg:s12], $0xAFFFF;
	_ =	strace $0x90000049  }
0xbf: {  	s29 =	simm.s32 $0x9;
	_ =	strace $0x8000004B  }
0xc0: {  	_ =	swait.ge [sflag:s29], $0x1  }
0xc1: {  	[sflag:s29] =	ssyncadd.s32 $0xFFFFFFFF  }
0xc2: {  	_ =	strace $0x9000004B  }
0xc3: {  	_ =	sfence  }
0xc4: {  	s30 =	sld [smem:$0x0];
	_ =	sdelay $0x2  }
0xc5: {  	s31 =	sshll.u32 s1, $0xD;
	s1 =	sshrl.u32 s1, $0x2  }
0xc6: {  	s3 =	sand.u32 $0x4000, s31;
	s1 =	sadd.s32 s1, s30  }
0xc7: {  	s0 =	sor.u32 s3, s0;
	s1 =	sshll.u32 s1, $0x11  }
0xc8: {  	s0 =	sor.u32 s1, s0  }
0xc9: {  	s0 =	sadd.s32 $0x8F2B, s0  }
0xca: {  	[sflag:s0] =	ssyncadd.remote.s32 $0x1  }
0xcb: {  	_ =	sfence.sel $0xFFFF  }
0xcc: {  	[dreg:$0x0] =	wrdreg $0xFFFFFFFF;
	(pc) =	sbr.abs _section_cstart, $3  }
0xcd: {  	[dreg:$0x1] =	wrdreg $0xFFFFFFFF  }
0xce: {  	_ =	task.clear_ibuf [dreg:s12], $0x2FFFF;
	_ =	strace $0x9FFFFFFF  }
0xcf: {  	(tm) =	ssettm $0x7FFFFFFF  }
tec
execute0_lowered:
.L_overlay_start_1:
0x0: {  	(tag) =	ssettag $0x1  }
0x1: {  	s1 =	rddreg [dreg:$0x0]  }
0x2: {  	s0 =	rddreg [dreg:$0x1]  }
0x3: {  	s2 =	rddreg [dreg:$0x2]  }
0x4: {  	s14 =	rddreg [dreg:$0x3]  }
0x5: {  	s4 =	rddreg [dreg:$0x4]  }
0x6: {  	s5 =	rddreg [dreg:$0x5]  }
0x7: {  	s6 =	rddreg [dreg:$0x6];
	s3 =	simm.s32 $0x0  }
0x8: {  	s7 =	srdreg.scid;
	s15 =	stileid.u32;
	s25 =	simm.s32 $0x880  }
0x9: {  	s26 =	simm.s32 $0x1080;
	s11 =	simm.s32 $0x3080;
	s12 =	simm.s32 $0x3880  }
0xa: {  	s13 =	simm.s32 $0x4080;
	s28 =	simm.s32 $0xA100;
	[dreg:$0xa] =	wrdreg s2  }
0xb: {  	s29 =	simm.s32 $0xA180;
	s30 =	simm.s32 $0xA200;
	[dreg:$0xb] =	wrdreg s14  }
0xc: {  	s31 =	simm.s32 $0xA280;
	[smem:$0x7FF] =	sst s3;
	s9 =	sadd.s32 $0x2600, s1  }
0xd: {  	s16 =	sadd.s32 $0x2000, s1;
	_ =	strace $0x8000004A;
	[dreg:$0x8] =	wrdreg s9  }
0xe: {  	s7 =	sand.u32 $0x1, s7;
	s17 =	sadd.s32 $0x1400, s1;
	[dreg:$0x9] =	wrdreg s16  }
0xf: {  	s8 =	sshll.u32 s15, $0x1;
	s14 =	simm.s32 $0x4880;
	[dreg:$0xc] =	wrdreg s17  }
0x10: {  	s15 =	simm.s32 $0x5080;
	s8 =	sor.u32 s7, s8;
	[dreg:$0x14] =	wrdreg s25  }
0x11: {  	s7 =	ssub.s32 $0x2, s7;
	[dreg:$0x15] =	wrdreg s26;
	s9 =	simm.s32 $0x2080  }
0x12: {  	s16 =	simm.s32 $0x5880;
	s17 =	simm.s32 $0x6080;
	s10 =	smul.u32 $0xA, s8  }
0x13: {  	s25 =	simm.s32 $0x50;
	s8 =	smul.u32 $0x1400, s8;
	s21 =	sshrl.u32 s7, $0x1  }
0x14: {  	s26 =	simm.s32 $0xA080;
	s23 =	ssub.s32 s7, s21;
	s7 =	simm.s32 $0x80  }
0x15: {  	s21 =	simm.s32 $0x8080;
	s1 =	sadd.s32 s10, s1;
	s4 =	sadd.s32 s4, s8  }
0x16: {  	s22 =	sadd.s32 s5, s10;
	s24 =	sadd.s32 s6, s10;
	[dreg:$0xe] =	wrdreg s4  }
0x17: {  	s5 =	smax.u32 s23, $0x1;
	s6 =	simm.s32 $0x2;
	[dreg:$0x12] =	wrdreg s22  }
0x18: {  	s10 =	simm.s32 $0x2880;
	s18 =	sadd.s32 $0x1A00, s1;
	[dreg:$0x13] =	wrdreg s24  }
0x19: {  	s23 =	simm.s32 $0x9080;
	s19 =	sadd.s32 $0x2C00, s1;
	[dreg:$0xd] =	wrdreg s18  }
0x1a: {  	s20 =	sadd.s32 $0x2E00, s1;
	s1 =	sadd.s32 $0x3000, s1;
	[dreg:$0xf] =	wrdreg s19  }
0x1b: {  	v2 =	vlaneseq.u32;
	s4 =	sadd.s32 $0x100, s0;
	s22 =	simm.s32 $0x8880;
	[dreg:$0x10] =	wrdreg s20  }
0x1c: {  	vm0 =	vmmov $0xffff;
	v1 =	vshrl.u32 v2, $0x3;
	s24 =	simm.s32 $0x9880;
	[dreg:$0x11] =	wrdreg s1;
	s18 =	simm.s32 $0x6880  }
0x1d: {  	v0 =	vand.u32 $0x7, v2;
	v2 =	vor.u32 $0x8, v2;
	v1 =	vmul.u32 $0x8, v1;
	s19 =	simm.s32 $0x7080;
	s20 =	simm.s32 $0x7880;
	s1 =	simm.s32 $0x1  }
.LBB2_1:
0x1e: {  	s2 =	rddreg [dreg:$0xd]  }
0x1f: {  	[tilespmem:s3], [sflag:$0x2] =	stream.linear.gather [hbm4b:s2+s3], $0x50, $0x38;
	[tilespmem:$0xA300] =	vst v63  }
0x20: {  	_ =	swait.ge [sflag:s6], $0x50  }
0x21: {  	[sflag:s6] =	ssyncset.done $0x0  }
0x22: {  	[sflag:s6] =	ssyncadd.s32 $0xFFFFFFB0  }
0x23: {  	v3 =	vld [tilespmem:$0x0];
	_ =	sdelay $0x4  }
0x24: {  	v4 =	vshll.u32 v3, $0x2  }
0x25: {  	v3 =	vand.u32 $0x7, v3;
	v4 =	vand.u32 $0xFFFFFFE0, v4  }
0x26: {  	v3 =	vor.u32 v3, v4  }
0x27: {  	v4 =	vperm.xlane v3, v0;
	_ =	sdelay $0x1  }
0x28: {  	v4 =	vadd.s32 v1, v4;
	_ =	sdelay $0x1  }
0x29: {  	v3 =	vperm.xlane v3, v2;
	_ =	sdelay $0x1  }
0x2a: {  	v3 =	vadd.s32 v1, v3  }
0x2b: {  	[tilespmem:s7], [sflag:$0x1] =	stream.indirect_vreg.gather [hbm4b:s0+s3], $0x80, v4, vm0, $0xb8;
	[tilespmem:$0xA300] =	vst v63  }
0x2c: {  	s2 =	rddreg [dreg:$0x14]  }
0x2d: {  	[tilespmem:s2], [sflag:$0x1] =	stream.indirect_vreg.gather [hbm4b:s4+s3], $0x80, v4, vm0, $0xb8;
	[tilespmem:$0xA300] =	vst v63  }
0x2e: {  	s8 =	rddreg [dreg:$0x15]  }
0x2f: {  	[tilespmem:s8], [sflag:$0x1] =	stream.indirect_vreg.gather [hbm4b:s0+s3], $0x80, v3, vm0, $0xb8;
	[tilespmem:$0xA300] =	vst v63  }
0x30: {  	s8 =	simm.s32 $0x1880  }
0x31: {  	[tilespmem:s8], [sflag:$0x1] =	stream.indirect_vreg.gather [hbm4b:s4+s3], $0x80, v3, vm0, $0xb8;
	[tilespmem:$0xA300] =	vst v63  }
0x32: {  	v3 =	vld [tilespmem:$0x10];
	_ =	sdelay $0x4  }
0x33: {  	v60 =	vshll.u32 v3, $0x2  }
0x34: {  	v3 =	vand.u32 $0x7, v3;
	v4 =	vand.u32 $0xFFFFFFE0, v60  }
0x35: {  	v3 =	vor.u32 v3, v4  }
0x36: {  	v4 =	vperm.xlane v3, v0;
	_ =	sdelay $0x1  }
0x37: {  	v4 =	vadd.s32 v1, v4;
	_ =	sdelay $0x1  }
0x38: {  	v3 =	vperm.xlane v3, v2;
	_ =	sdelay $0x1  }
0x39: {  	v3 =	vadd.s32 v1, v3  }
0x3a: {  	[tilespmem:s9], [sflag:$0x1] =	stream.indirect_vreg.gather [hbm4b:s0+s3], $0x80, v4, vm0, $0xb8;
	[tilespmem:$0xA300] =	vst v63  }
0x3b: {  	_ = 	snop  }
0x3c: {  	[tilespmem:s10], [sflag:$0x1] =	stream.indirect_vreg.gather [hbm4b:s4+s3], $0x80, v4, vm0, $0xb8;
	[tilespmem:$0xA300] =	vst v63  }
0x3d: {  	_ = 	snop  }
0x3e: {  	[tilespmem:s11], [sflag:$0x1] =	stream.indirect_vreg.gather [hbm4b:s0+s3], $0x80, v3, vm0, $0xb8;
	[tilespmem:$0xA300] =	vst v63  }
0x3f: {  	_ = 	snop  }
0x40: {  	[tilespmem:s12], [sflag:$0x1] =	stream.indirect_vreg.gather [hbm4b:s4+s3], $0x80, v3, vm0, $0xb8;
	[tilespmem:$0xA300] =	vst v63  }
0x41: {  	v3 =	vld [tilespmem:$0x20];
	_ =	sdelay $0x4  }
0x42: {  	v61 =	vshll.u32 v3, $0x2  }
0x43: {  	v3 =	vand.u32 $0x7, v3;
	v4 =	vand.u32 $0xFFFFFFE0, v61  }
0x44: {  	v3 =	vor.u32 v3, v4  }
0x45: {  	v4 =	vperm.xlane v3, v0;
	_ =	sdelay $0x1  }
0x46: {  	v4 =	vadd.s32 v1, v4;
	_ =	sdelay $0x1  }
0x47: {  	v3 =	vperm.xlane v3, v2;
	_ =	sdelay $0x1  }
0x48: {  	v3 =	vadd.s32 v1, v3  }
0x49: {  	[tilespmem:s13], [sflag:$0x1] =	stream.indirect_vreg.gather [hbm4b:s0+s3], $0x80, v4, vm0, $0xb8;
	[tilespmem:$0xA300] =	vst v63  }
0x4a: {  	_ = 	snop  }
0x4b: {  	[tilespmem:s14], [sflag:$0x1] =	stream.indirect_vreg.gather [hbm4b:s4+s3], $0x80, v4, vm0, $0xb8;
	[tilespmem:$0xA300] =	vst v63  }
0x4c: {  	_ = 	snop  }
0x4d: {  	[tilespmem:s15], [sflag:$0x1] =	stream.indirect_vreg.gather [hbm4b:s0+s3], $0x80, v3, vm0, $0xb8;
	[tilespmem:$0xA300] =	vst v63  }
0x4e: {  	_ = 	snop  }
0x4f: {  	[tilespmem:s16], [sflag:$0x1] =	stream.indirect_vreg.gather [hbm4b:s4+s3], $0x80, v3, vm0, $0xb8;
	[tilespmem:$0xA300] =	vst v63  }
0x50: {  	v3 =	vld [tilespmem:$0x30];
	_ =	sdelay $0x4  }
0x51: {  	v62 =	vshll.u32 v3, $0x2  }
0x52: {  	v3 =	vand.u32 $0x7, v3;
	v4 =	vand.u32 $0xFFFFFFE0, v62  }
0x53: {  	v3 =	vor.u32 v3, v4  }
0x54: {  	v4 =	vperm.xlane v3, v0;
	_ =	sdelay $0x1  }
0x55: {  	v4 =	vadd.s32 v1, v4;
	_ =	sdelay $0x1  }
0x56: {  	v3 =	vperm.xlane v3, v2;
	_ =	sdelay $0x1  }
0x57: {  	v3 =	vadd.s32 v1, v3  }
0x58: {  	[tilespmem:s17], [sflag:$0x1] =	stream.indirect_vreg.gather [hbm4b:s0+s3], $0x80, v4, vm0, $0xb8;
	[tilespmem:$0xA300] =	vst v63  }
0x59: {  	_ = 	snop  }
0x5a: {  	[tilespmem:s18], [sflag:$0x1] =	stream.indirect_vreg.gather [hbm4b:s4+s3], $0x80, v4, vm0, $0xb8;
	[tilespmem:$0xA300] =	vst v63  }
0x5b: {  	_ = 	snop  }
0x5c: {  	[tilespmem:s19], [sflag:$0x1] =	stream.indirect_vreg.gather [hbm4b:s0+s3], $0x80, v3, vm0, $0xb8;
	[tilespmem:$0xA300] =	vst v63  }
0x5d: {  	_ = 	snop  }
0x5e: {  	[tilespmem:s20], [sflag:$0x1] =	stream.indirect_vreg.gather [hbm4b:s4+s3], $0x80, v3, vm0, $0xb8;
	[tilespmem:$0xA300] =	vst v63  }
0x5f: {  	v3 =	vld [tilespmem:$0x40];
	_ =	sdelay $0x4  }
0x60: {  	v63 =	vshll.u32 v3, $0x2  }
0x61: {  	v3 =	vand.u32 $0x7, v3;
	v4 =	vand.u32 $0xFFFFFFE0, v63  }
0x62: {  	v3 =	vor.u32 v3, v4  }
0x63: {  	v4 =	vperm.xlane v3, v0;
	_ =	sdelay $0x1  }
0x64: {  	v4 =	vadd.s32 v1, v4;
	_ =	sdelay $0x1  }
0x65: {  	v3 =	vperm.xlane v3, v2;
	_ =	sdelay $0x1  }
0x66: {  	v3 =	vadd.s32 v1, v3  }
0x67: {  	[tilespmem:s21], [sflag:$0x1] =	stream.indirect_vreg.gather [hbm4b:s0+s3], $0x80, v4, vm0, $0xb8;
	[tilespmem:$0xA300] =	vst v63  }
0x68: {  	_ = 	snop  }
0x69: {  	[tilespmem:s22], [sflag:$0x1] =	stream.indirect_vreg.gather [hbm4b:s4+s3], $0x80, v4, vm0, $0xb8;
	[tilespmem:$0xA300] =	vst v63  }
0x6a: {  	_ = 	snop  }
0x6b: {  	[tilespmem:s23], [sflag:$0x1] =	stream.indirect_vreg.gather [hbm4b:s0+s3], $0x80, v3, vm0, $0xb8;
	[tilespmem:$0xA300] =	vst v63  }
0x6c: {  	_ = 	snop  }
0x6d: {  	[tilespmem:s24], [sflag:$0x1] =	stream.indirect_vreg.gather [hbm4b:s4+s3], $0x80, v3, vm0, $0xb8;
	[tilespmem:$0xA300] =	vst v63  }
0x6e: {  	s2 =	rddreg [dreg:$0x8]  }
0x6f: {  	[tilespmem:s26], [sflag:$0x1] =	stream.indirect.gather [hbm4b:s2+s25], $0x1, s3, s25, $0xb8;
	[tilespmem:$0xA300] =	vst v63  }
0x70: {  	s8 =	rddreg [dreg:$0x9]  }
0x71: {  	[tilespmem:s28], [sflag:$0x1] =	stream.indirect.gather [hbm4b:s8+s25], $0x1, s3, s25, $0xb8;
	[tilespmem:$0xA300] =	vst v63  }
0x72: {  	s2 =	rddreg [dreg:$0xa]  }
0x73: {  	[tilespmem:s29], [sflag:$0x1] =	stream.indirect.gather [hbm4b:s2+s25], $0x1, s3, s25, $0xb8;
	[tilespmem:$0xA300] =	vst v63  }
0x74: {  	s8 =	rddreg [dreg:$0xb]  }
0x75: {  	[tilespmem:s30], [sflag:$0x1] =	stream.indirect.gather [hbm4b:s8+s25], $0x1, s3, s25, $0xb8;
	[tilespmem:$0xA300] =	vst v63  }
0x76: {  	s2 =	rddreg [dreg:$0xc]  }
0x77: {  	[tilespmem:s31], [sflag:$0x1] =	stream.indirect.gather [hbm4b:s2+s25], $0x1, s3, s25, $0xb8;
	[tilespmem:$0xA300] =	vst v63  }
0x78: {  	_ =	swait.ge [sflag:s1], $0xA000  }
0x79: {  	[sflag:s1] =	ssyncset.done $0x0  }
0x7a: {  	[sflag:s1] =	ssyncadd.s32 $0xFFFF6000  }
0x7b: {  	_ =	swait.ge [sflag:s1], $0x50  }
0x7c: {  	[sflag:s1] =	ssyncset.done $0x0  }
0x7d: {  	[sflag:s1] =	ssyncadd.s32 $0xFFFFFFB0  }
0x7e: {  	_ =	swait.ge [sflag:s1], $0x50  }
0x7f: {  	[sflag:s1] =	ssyncset.done $0x0  }
0x80: {  	[sflag:s1] =	ssyncadd.s32 $0xFFFFFFB0  }
0x81: {  	_ =	swait.ge [sflag:s1], $0x50  }
0x82: {  	[sflag:s1] =	ssyncset.done $0x0  }
0x83: {  	[sflag:s1] =	ssyncadd.s32 $0xFFFFFFB0  }
0x84: {  	_ =	swait.ge [sflag:s1], $0x50  }
0x85: {  	[sflag:s1] =	ssyncset.done $0x0  }
0x86: {  	[sflag:s1] =	ssyncadd.s32 $0xFFFFFFB0  }
0x87: {  	_ =	swait.ge [sflag:s1], $0x50  }
0x88: {  	[sflag:s1] =	ssyncset.done $0x0  }
0x89: {  	s8 =	rddreg [dreg:$0xe];
	[sflag:s1] =	ssyncadd.s32 $0xFFFFFFB0  }
0x8a: {  	[hbm4b:s8+s3] =	stream.linear.scatter [tilespmem:s7], [sflag:$0x2], $0xA000, $0x38;
	[tilespmem:$0xA300] =	vst v63  }
0x8b: {  	_ =	swait.ge [sflag:s6], $0xA000  }
0x8c: {  	[sflag:s6] =	ssyncset.done $0x0  }
0x8d: {  	s8 =	rddreg [dreg:$0xf];
	[sflag:s6] =	ssyncadd.s32 $0xFFFF6000  }
0x8e: {  	[hbm4b:s8+s3] =	stream.linear.scatter [tilespmem:s26], [sflag:$0x2], $0x50, $0x38;
	[tilespmem:$0xA300] =	vst v63  }
0x8f: {  	_ =	swait.ge [sflag:s6], $0x50  }
0x90: {  	[sflag:s6] =	ssyncset.done $0x0  }
0x91: {  	s8 =	rddreg [dreg:$0x10];
	[sflag:s6] =	ssyncadd.s32 $0xFFFFFFB0  }
0x92: {  	[hbm4b:s8+s3] =	stream.linear.scatter [tilespmem:s28], [sflag:$0x2], $0x50, $0x38;
	[tilespmem:$0xA300] =	vst v63  }
0x93: {  	_ =	swait.ge [sflag:s6], $0x50  }
0x94: {  	[sflag:s6] =	ssyncset.done $0x0  }
0x95: {  	s8 =	rddreg [dreg:$0x11];
	[sflag:s6] =	ssyncadd.s32 $0xFFFFFFB0  }
0x96: {  	[hbm4b:s8+s3] =	stream.linear.scatter [tilespmem:s29], [sflag:$0x2], $0x50, $0x38;
	[tilespmem:$0xA300] =	vst v63  }
0x97: {  	_ =	swait.ge [sflag:s6], $0x50  }
0x98: {  	[sflag:s6] =	ssyncset.done $0x0  }
0x99: {  	s8 =	rddreg [dreg:$0x12];
	[sflag:s6] =	ssyncadd.s32 $0xFFFFFFB0  }
0x9a: {  	[hbm4b:s8+s3] =	stream.linear.scatter [tilespmem:s30], [sflag:$0x2], $0x50, $0x38;
	[tilespmem:$0xA300] =	vst v63  }
0x9b: {  	_ =	swait.ge [sflag:s6], $0x50  }
0x9c: {  	p0 =	sne.s32 s5, $0x1;
	[sflag:s6] =	ssyncset.done $0x0  }
.Ltmp0:
0x9d: {  	s8 =	rddreg [dreg:$0x13];
	[sflag:s6] =	ssyncadd.s32 $0xFFFFFFB0;
	(pc) =	sbr.rel @p0 .LBB2_1-.Ltmp0, $4  }
0x9e: {  	[hbm4b:s8+s3] =	stream.linear.scatter [tilespmem:s31], [sflag:$0x2], $0x50, $0x38;
	[tilespmem:$0xA300] =	vst v63  }
0x9f: {  	_ =	swait.ge [sflag:s6], $0x50  }
0xa0: {  	[sflag:s6] =	ssyncset.done $0x0  }
0xa1: {  	s5 =	sadd.s32 $0xFFFFFFFF, s5;
	[sflag:s6] =	ssyncadd.s32 $0xFFFFFFB0  }
0xa2: {  	_ =	sfence.sel $0x180000  }
0xa3: {  	[bflag:$0x0] =	sbarrier.arrive $0xFFFF  }
0xa4: {  	_ =	strace $0x9000004A  }
0xa5: {  	s0 =	stileid.u32;
	[bflag:$0x2] =	sbarrier.arrive $0xFFFF  }
0xa6: {  	p0 =	sne.s32 s0, $0x0;
	s0 =	rddreg [dreg:$0x7]  }
0xa7: {  	s0 =	sadd.s32 @!p0 $0x100000, s0  }
0xa8: {  	[sflag:s0] =	ssyncadd.tile.s32 @!p0 $0x1;
	_ =	shalt  }
.Lfunc_end2:
_tile_overlayer_lowered:
.L_overlay_start_2:
0xa9: {  	(tag) =	ssettag $0x2  }
0xaa: {  	s0 =	rddreg [dreg:$0x0];
	s2 =	stileid.u32  }
0xab: {  	s1 =	rddreg [dreg:$0x1];
	p0 =	sne.s32 s2, $0x0  }
0xac: {  	s3 =	rddreg [dreg:$0x2];
	[bflag:$0x3] =	sbarrier.arrive $0xFFFF;
	s2 =	simm.s32 @!p0 $0x1C02  }
0xad: {  	[timem:s3], [sflag:s2] =	dma.local @!p0 [hbm:s0], s1  }
0xae: {  	s0 =	simm.s32 @!p0 $0x2  }
0xaf: {  	_ =	swait.ge @!p0 [sflag:s0], s1  }
0xb0: {  	s1 =	ssub.s32 @!p0 $0x0, s1;
	[sflag:s0] =	ssyncset.done @!p0 $0x0  }
0xb1: {  	[sflag:s0] =	ssyncadd.s32 @!p0 s1  }
0xb2: {  	[bflag:$0x3] =	sbarrier.arrive $0xFFFF  }
0xb3: {  	_ =	shalt  }

// kernel: kernel.15.cloned.1.call-start
scs
__scs_entry_jumppad:
0x0: {  	(pc) =	sbr.rel $0x88, $3  }
0x1: {  	(tag) =	ssettag $0x0;
	lr =	simm.s32 $0x1  }
0x2: {  	[smem:$0x3F99] =	sst lr;
	_ =	strace $0xD0000000  }
0x3: {  	_ = 	snop  }
0x4: {  	_ = 	snop  }
0x5: {  	_ = 	snop  }
0x6: {  	_ = 	snop  }
0x7: {  	_ = 	snop  }
__scs_overlays_trampoline_lowered:
0x8: {  	[smem:$0x3FA8] =	sst s0  }
0x9: {  	[smem:$0x3FA9] =	sst s1  }
0xa: {  	[smem:$0x3FAA] =	sst s2  }
0xb: {  	[smem:$0x3FAB] =	sst s3  }
0xc: {  	[smem:$0x3FAC] =	sst s4  }
0xd: {  	[smem:$0x3FAD] =	sst s5  }
0xe: {  	[smem:$0x3FAE] =	sst s6  }
0xf: {  	[smem:$0x3FAF] =	sst s7  }
0x10: {  	[smem:$0x3FB0] =	sst s8  }
0x11: {  	[smem:$0x3FB1] =	sst s9;
	s0 =	simm.s32 @!p0 $0x0  }
0x12: {  	s1 =	sld [smem:$0x3F97];
	s0 =	simm.s32 @p0 $0x1  }
0x13: {  	[smem:$0x3FB2] =	sst s0;
	s0 =	simm.s32 @!p1 $0x0  }
0x14: {  	s2 =	sld [smem:$0x3F96];
	s0 =	simm.s32 @p1 $0x1  }
0x15: {  	[smem:$0x3FB3] =	sst s0;
	s0 =	simm.s32 @!p2 $0x0  }
0x16: {  	s3 =	sld [smem:$0x3FDB];
	s0 =	simm.s32 @p2 $0x1  }
0x17: {  	s4 =	simm.s32 $0x1BF5;
	[smem:$0x3FB5] =	sst s0  }
0x18: {  	s0 =	sld [smem:$0x3F98];
	_ =	swait.ge [sflag:s4], $0x0  }
0x19: {  	s7 =	sld [smem:$0x3F99]  }
0x1a: {  	s8 =	sadd.s32 $0xFFFFE003, lr  }
0x1b: {  	s9 =	sadd.s32 $0xFFFFFEF7, lr;
	s5 =	simm.s32 $0xFFFFFFFF;
	p2 =	slt.u32 s8, $0xFFFFF086  }
0x1c: {  	p1 =	slt.u32 s9, $0xF7A;
	s5 =	simm.s32 @!p2 $0x0  }
0x1d: {  	s5 =	simm.s32 @p1 $0x1;
	p0 =	seq.s32 s7, s2  }
0x1e: {  	s7 =	smul.u32 @!p0 $0xF7A, s2;
	p2 =	seq.s32 @!p0 s5, $0x0  }
0x1f: {  	s9 =	smul.u32 $0xF7A, s1;
	s8 =	simm.s32 @!p0 $0x1BF5;
	p2 =	por !p2, p0  }
0x20: {  	[sflag:s8] =	ssyncset.s32 @!p0 $0xFFFFF086;
	s6 =	sadd.s32 @!p0 s3, s7;
	s7 =	simm.s32 @!p0 $0x108  }
0x21: {  	s3 =	sadd.s32 s3, s9;
	s6 =	sadd.s32 @!p0 $0x88, s6;
	s7 =	simm.s32 @p2 $0x1082  }
0x22: {  	[simem:s7], [sflag:s8] =	dma.local @!p0 [hbm:s6], $0xF7A  }
0x23: {  	s9 =	sor.u32 $0xD0000000, s2;
	s6 =	simm.s32 $0x108;
	_ =	swait.ge @!p0 [sflag:s8], $0x0  }
0x24: {  	s3 =	sadd.s32 $0x88, s3;
	s6 =	simm.s32 @!p1 $0x1082;
	[sflag:s4] =	ssyncset.s32 $0xFFFFF086  }
0x25: {  	[simem:s6], [sflag:s4] =	dma.local [hbm:s3], $0xF7A  }
0x26: {  	[smem:$0x3F99] =	sst s1;
	(tag) =	ssettag s2;
	_ =	strace s9  }
0x27: {  	s1 =	sld [smem:$0x3FA9]  }
0x28: {  	s2 =	sld [smem:$0x3FAA]  }
0x29: {  	s4 =	sld [smem:$0x3FAC]  }
0x2a: {  	p0 =	seq.s32 s5, $0x0;
	s5 =	sld [smem:$0x3FAD]  }
0x2b: {  	s6 =	sld [smem:$0x3FAE]  }
0x2c: {  	s7 =	sld [smem:$0x3FAF]  }
0x2d: {  	s3 =	simm.s32 $0x108;
	s8 =	sld [smem:$0x3FB0]  }
0x2e: {  	s3 =	simm.s32 @!p0 $0x1082;
	s9 =	sld [smem:$0x3FB1]  }
0x2f: {  	lr =	sadd.s32 s0, s3;
	s0 =	sld [smem:$0x3FA8]  }
0x30: {  	s3 =	sld [smem:$0x3FAB]  }
0x31: {  	[smem:$0x3FB4] =	sst s10  }
0x32: {  	s10 =	sld [smem:$0x3FB2];
	_ =	sdelay $0x3  }
0x33: {  	p0 =	seq.s32 s10, $0x1;
	s10 =	sld [smem:$0x3FB4];
	_ =	sdelay $0x3  }
0x34: {  	[smem:$0x3FB4] =	sst s10  }
0x35: {  	s10 =	sld [smem:$0x3FB3];
	_ =	sdelay $0x3  }
0x36: {  	p1 =	seq.s32 s10, $0x1;
	s10 =	sld [smem:$0x3FB4];
	_ =	sdelay $0x3  }
0x37: {  	[smem:$0x3FB4] =	sst s10  }
0x38: {  	s10 =	sld [smem:$0x3FB5]  }
0x39: {  	_ = 	snop;
	(pc) =	sbr.ind lr, $3  }
0x3a: {  	_ = 	snop  }
0x3b: {  	_ = 	snop  }
0x3c: {  	p2 =	seq.s32 s10, $0x1;
	s10 =	sld [smem:$0x3FB4]  }
0x3d: {  	_ =	shalt  }
0x3e: {  	_ =	shalt  }
0x3f: {  	_ =	shalt  }
0x40: {  	_ =	shalt  }
0x41: {  	_ =	shalt  }
0x42: {  	_ =	shalt  }
0x43: {  	_ =	shalt  }
0x44: {  	_ =	shalt  }
0x45: {  	_ =	shalt  }
0x46: {  	_ =	shalt  }
0x47: {  	_ =	shalt  }
0x48: {  	_ =	shalt  }
0x49: {  	_ =	shalt  }
0x4a: {  	_ =	shalt  }
0x4b: {  	_ =	shalt  }
0x4c: {  	_ =	shalt  }
0x4d: {  	_ =	shalt  }
0x4e: {  	_ =	shalt  }
0x4f: {  	_ =	shalt  }
0x50: {  	_ =	shalt  }
0x51: {  	_ =	shalt  }
0x52: {  	_ =	shalt  }
0x53: {  	_ =	shalt  }
0x54: {  	_ =	shalt  }
0x55: {  	_ =	shalt  }
0x56: {  	_ =	shalt  }
0x57: {  	_ =	shalt  }
0x58: {  	_ =	shalt  }
0x59: {  	_ =	shalt  }
0x5a: {  	_ =	shalt  }
0x5b: {  	_ =	shalt  }
0x5c: {  	_ =	shalt  }
0x5d: {  	_ =	shalt  }
0x5e: {  	_ =	shalt  }
0x5f: {  	_ =	shalt  }
0x60: {  	_ =	shalt  }
0x61: {  	_ =	shalt  }
0x62: {  	_ =	shalt  }
0x63: {  	_ =	shalt  }
0x64: {  	_ =	shalt  }
0x65: {  	_ =	shalt  }
0x66: {  	_ =	shalt  }
0x67: {  	_ =	shalt  }
0x68: {  	_ =	shalt  }
0x69: {  	_ =	shalt  }
0x6a: {  	_ =	shalt  }
0x6b: {  	_ =	shalt  }
0x6c: {  	_ =	shalt  }
0x6d: {  	_ =	shalt  }
0x6e: {  	_ =	shalt  }
0x6f: {  	_ =	shalt  }
0x70: {  	_ =	shalt  }
0x71: {  	_ =	shalt  }
0x72: {  	_ =	shalt  }
0x73: {  	_ =	shalt  }
0x74: {  	_ =	shalt  }
0x75: {  	_ =	shalt  }
0x76: {  	_ =	shalt  }
0x77: {  	_ =	shalt  }
0x78: {  	_ =	shalt  }
0x79: {  	_ =	shalt  }
0x7a: {  	_ =	shalt  }
0x7b: {  	_ =	shalt  }
0x7c: {  	_ =	shalt  }
0x7d: {  	_ =	shalt  }
0x7e: {  	_ =	shalt  }
0x7f: {  	_ =	shalt  }
0x80: {  	_ =	shalt  }
0x81: {  	_ =	shalt  }
0x82: {  	_ =	shalt  }
0x83: {  	_ =	shalt  }
0x84: {  	_ =	shalt  }
0x85: {  	_ =	shalt  }
0x86: {  	_ =	shalt  }
0x87: {  	_ =	shalt  }
.Lfunc_end0:
.L_simem_size_0:
called_computation.2_lowered:
.L_overlay_start_0:
0x88: {  	s2 =	sld [smem:$0x3FD9]  }
0x89: {  	s3 =	sld [smem:$0x3FFE];
	_ =	sdelay $0x1  }
0x8a: {  	s1 =	srdreg.scid  }
0x8b: {  	s0 =	sand.u32 $0x1, s1  }
0x8c: {  	s14 =	sshll.u32 s0, $0xA;
	s2 =	sadd.s32 s3, s2  }
0x8d: {  	s2 =	sadd.s32 s2, s14  }
0x8e: {  	[smem:$0x3FC0] =	sst s2  }
0x8f: {  	_ = 	snop  }
0x90: {  	s2 =	sld [smem:$0x3FD0];
	_ =	sdelay $0x2  }
0x91: {  	s15 =	simm.s32 $0xA;
	s4 =	simm.s32 $0x10  }
0x92: {  	[smem:s4], [sflag:s15] =	dma.local [hbm:s2], $0x1  }
0x93: {  	_ =	swait.eq [sflag:s15], $0x1  }
0x94: {  	[sflag:s15] =	ssyncset.done $0x0  }
0x95: {  	[sflag:s15] =	ssyncadd.s32 $0xFFFFFFFF  }
0x96: {  	s16 =	sld [smem:$0x13];
	(tm) =	ssettm $0x1  }
0x97: {  	s17 =	sld [smem:$0x3FFB];
	_ =	sdelay $0x3  }
0x98: {  	_ =	strace s17  }
0x99: {  	s3 =	sld [smem:$0x3FFC];
	_ =	sdelay $0x3  }
0x9a: {  	_ =	strace s3  }
0x9b: {  	s3 =	sld [smem:$0x3FFD];
	_ =	sdelay $0x3  }
0x9c: {  	_ =	strace s3  }
0x9d: {  	_ =	strace $0x8FFFFFFF  }
0x9e: {  	s18 =	sld [smem:$0x3FDB];
	_ =	sdelay $0x1  }
0x9f: {  	s19 =	simm.s32 $_scs_section_size  }
0xa0: {  	s5 =	simm.s32 $_size__tile_overlayer_lowered;
	s6 =	simm.s32 $_tile_overlayer_lowered  }
0xa1: {  	s22 =	simm.s32 $0x1BFF;
	s21 =	sshll.u32 s6, $0x1;
	s3 =	sadd.s32 s19, s18  }
0xa2: {  	s7 =	simm.s32 $0x0;
	s20 =	sshll.u32 s5, $0x1;
	s5 =	sadd.s32 s21, s3  }
0xa3: {  	[timem:s7], [sflag:s22] =	dma.local [hbm:s5], s20  }
0xa4: {  	_ =	swait.ge [sflag:s22], s20  }
0xa5: {  	s4 =	ssub.s32 $0x0, s20;
	[sflag:s22] =	ssyncset.done $0x0  }
0xa6: {  	[sflag:s22] =	ssyncadd.s32 s4;
	_ =	sdelay $0x1  }
0xa7: {  	s23 =	simm.s32 $0x1B8B  }
0xa8: {  	_ =	swait.ge [sflag:s23], $0x1  }
0xa9: {  	[sflag:s23] =	ssyncset.done $0x0  }
0xaa: {  	s25 =	simm.s32 $0x1B8E;
	s24 =	sld [smem:$0x3FFE];
	[sflag:s23] =	ssyncadd.s32 $0xFFFFFFFF  }
0xab: {  	s26 =	simm.s32 $execute0_lowered;
	[smem:$0x3FD2] =	sst s25  }
0xac: {  	s5 =	sshll.u32 s26, $0x1;
	_ =	strace $0x8000004C;
	[dreg:$0x1] =	wrdreg $0xFFFFFFFF  }
0xad: {  	s28 =	simm.s32 $_size_execute0_lowered;
	s3 =	sadd.s32 s3, s5;
	[dreg:$0x0] =	wrdreg $0x0  }
0xae: {  	s5 =	sshll.u32 s28, $0x1;
	[dreg:$0x2] =	wrdreg s3  }
0xaf: {  	[dreg:$0x3] =	wrdreg s5  }
0xb0: {  	[dreg:$0x4] =	wrdreg $0xC0  }
0xb1: {  	_ =	task [dreg:s7], $0x5FFFF  }
0xb2: {  	[dreg:$0x1] =	wrdreg $0xFFFFFFFF  }
0xb3: {  	[dreg:$0x0] =	wrdreg $0x60  }
0xb4: {  	[dreg:$0x2] =	wrdreg s16  }
0xb5: {  	[dreg:$0x3] =	wrdreg s24  }
0xb6: {  	[dreg:$0x4] =	wrdreg $0x9  }
0xb7: {  	_ =	task.clear_ibuf [dreg:s7], $0x5FFFF;
	_ =	strace $0x9000004C  }
0xb8: {  	s29 =	simm.s32 $0x9;
	_ =	strace $0x8000004E  }
0xb9: {  	_ =	swait.ge [sflag:s29], $0x1  }
0xba: {  	[sflag:s29] =	ssyncadd.s32 $0xFFFFFFFF  }
0xbb: {  	_ =	strace $0x9000004E  }
0xbc: {  	_ =	sfence  }
0xbd: {  	s30 =	sld [smem:$0x0];
	_ =	sdelay $0x2  }
0xbe: {  	s31 =	sshll.u32 s1, $0xD;
	s1 =	sshrl.u32 s1, $0x2  }
0xbf: {  	s3 =	sand.u32 $0x4000, s31;
	s1 =	sadd.s32 s1, s30  }
0xc0: {  	s0 =	sor.u32 s3, s0;
	s1 =	sshll.u32 s1, $0x11  }
0xc1: {  	s0 =	sor.u32 s1, s0  }
0xc2: {  	s0 =	sadd.s32 $0x8F2B, s0  }
0xc3: {  	[sflag:s0] =	ssyncadd.remote.s32 $0x1  }
0xc4: {  	_ =	sfence.sel $0xFFFF  }
0xc5: {  	[dreg:$0x0] =	wrdreg $0xFFFFFFFF;
	(pc) =	sbr.abs _section_cstart, $3  }
0xc6: {  	[dreg:$0x1] =	wrdreg $0xFFFFFFFF  }
0xc7: {  	_ =	task.clear_ibuf [dreg:s7], $0x2FFFF;
	_ =	strace $0x9FFFFFFF  }
0xc8: {  	(tm) =	ssettm $0x7FFFFFFF  }
0xc9: {  	_ =	shalt  }
tec
execute0_lowered:
.L_overlay_start_1:
0x0: {  	(tag) =	ssettag $0x1  }
0x1: {  	s0 =	rddreg [dreg:$0x0]  }
0x2: {  	s1 =	rddreg [dreg:$0x1];
	s2 =	srdreg.scid  }
0x3: {  	s17 =	rddreg [dreg:$0x2];
	s4 =	stileid.u32  }
0x4: {  	s6 =	simm.s32 $0x1080;
	s7 =	simm.s32 $0x1880;
	s12 =	simm.s32 $0x900  }
0x5: {  	s13 =	simm.s32 $0x1100;
	s3 =	sand.u32 $0x1, s2;
	s2 =	simm.s32 $0x0  }
0x6: {  	s14 =	simm.s32 $0x1900;
	s15 =	simm.s32 $0x980;
	[smem:$0x7FF] =	sst s2  }
0x7: {  	s16 =	simm.s32 $0x1180;
	_ =	strace $0x8000004D;
	[dreg:$0x8] =	wrdreg s6  }
0x8: {  	s18 =	simm.s32 $0x1980;
	s19 =	simm.s32 $0xA00;
	[dreg:$0x9] =	wrdreg s7  }
0x9: {  	s20 =	simm.s32 $0x1200;
	s21 =	simm.s32 $0x1A00;
	[dreg:$0xa] =	wrdreg s12  }
0xa: {  	s28 =	simm.s32 $0x100;
	s22 =	simm.s32 $0xA80;
	[dreg:$0xb] =	wrdreg s13  }
0xb: {  	s24 =	simm.s32 $0x180;
	s23 =	simm.s32 $0x1280;
	[dreg:$0xc] =	wrdreg s14  }
0xc: {  	p0 =	por $0x0, $0x0;
	s29 =	simm.s32 $0x1C00;
	[dreg:$0xd] =	wrdreg s15  }
0xd: {  	s30 =	simm.s32 $0xC80;
	s31 =	simm.s32 $0x1480;
	[dreg:$0xe] =	wrdreg s16  }
0xe: {  	s4 =	sshll.u32 s4, $0x9;
	s8 =	sadd.s32 $0x2C00, s1;
	[dreg:$0xf] =	wrdreg s18  }
0xf: {  	s9 =	sadd.s32 $0x2E00, s1;
	s10 =	sadd.s32 $0x3000, s1;
	[dreg:$0x10] =	wrdreg s19  }
0x10: {  	s5 =	sshll.u32 s3, $0x8;
	s11 =	ssub.s32 $0x2, s3;
	[dreg:$0x11] =	wrdreg s20  }
0x11: {  	s4 =	sor.u32 s5, s4;
	s3 =	sshrl.u32 s11, $0x1;
	[dreg:$0x12] =	wrdreg s21  }
0x12: {  	s6 =	simm.s32 $0x800;
	[dreg:$0x13] =	wrdreg s22;
	s16 =	simm.s32 $0x200  }
0x13: {  	[dreg:$0x14] =	wrdreg s23;
	s12 =	simm.s32 $0x280;
	s13 =	simm.s32 $0x300  }
0x14: {  	s19 =	simm.s32 $0x1B00;
	s14 =	simm.s32 $0x380;
	s20 =	simm.s32 $0xB80  }
0x15: {  	s21 =	simm.s32 $0x1380;
	s22 =	simm.s32 $0x1B80;
	s15 =	simm.s32 $0x400  }
0x16: {  	s23 =	simm.s32 $0xC00;
	s18 =	simm.s32 $0x1C80;
	s7 =	simm.s32 $0x1  }
0x17: {  	s5 =	sadd.s32 s4, s1;
	s0 =	sadd.s32 s0, s4;
	s1 =	ssub.s32 s11, s3  }
0x18: {  	s3 =	simm.s32 $0x2;
	[dreg:$0x3] =	wrdreg s0;
	s25 =	sadd.s32 $0x5200, s5  }
0x19: {  	s26 =	sadd.s32 $0x7200, s5;
	s1 =	smax.u32 s1, $0x1;
	[dreg:$0x4] =	wrdreg s25  }
0x1a: {  	s4 =	sadd.s32 $0x3200, s5;
	[dreg:$0x5] =	wrdreg s26;
	p1 =	sne.s32 s1, $0x1  }
.Ltmp0:
0x1b: {  	s5 =	simm.s32 $0x880;
	[dreg:$0x6] =	wrdreg s4;
	(pc) =	sbr.rel @!p1 .LBB2_1-.Ltmp0, $4  }
0x1c: {  	s11 =	simm.s32 $0x80;
	[dreg:$0x7] =	wrdreg s5;
	s5 =	simm.s32 $0x1000  }
0x1d: {  	s25 =	simm.s32 $0x1A80;
	s0 =	sadd.s32 $0xFFFFFFFF, s1;
	s1 =	rddreg [dreg:$0x3]  }
0x1e: {  	s4 =	simm.s32 $0x1800;
	s26 =	simm.s32 $0xB00;
	[dreg:$0x15] =	wrdreg s25  }
0x1f: {  	[dreg:$0x16] =	wrdreg s26;
	s26 =	simm.s32 $0x1400;
	s25 =	simm.s32 $0x480  }
0x20: {  	[tilespmem:s2], [sflag:$0x2] =	stream.linear.gather [hbm4b:s1+s2], $0x500, $0x38;
	[tilespmem:$0x2000] =	vst v63  }
0x21: {  	_ =	swait.ge [sflag:s3], $0x500  }
0x22: {  	[sflag:s3] =	ssyncset.done $0x0  }
0x23: {  	[sflag:s3] =	ssyncadd.s32 $0xFFFFFB00  }
0x24: {  	[tilespmem:s6], [sflag:$0x1] =	stream.indirect.gather [hbm4b:s8+s11], $0x1, s2, s11, $0xb8;
	[tilespmem:$0x2000] =	vst v63  }
0x25: {  	_ = 	snop  }
0x26: {  	[tilespmem:s5], [sflag:$0x1] =	stream.indirect.gather [hbm4b:s9+s11], $0x1, s2, s11, $0xb8;
	[tilespmem:$0x2000] =	vst v63  }
0x27: {  	_ = 	snop  }
0x28: {  	[tilespmem:s4], [sflag:$0x1] =	stream.indirect.gather [hbm4b:s10+s11], $0x1, s2, s11, $0xb8;
	[tilespmem:$0x2000] =	vst v63  }
0x29: {  	s1 =	rddreg [dreg:$0x7]  }
0x2a: {  	[tilespmem:s1], [sflag:$0x1] =	stream.indirect.gather [hbm4b:s8+s11], $0x1, s11, s11, $0xb8;
	[tilespmem:$0x2000] =	vst v63  }
0x2b: {  	s17 =	smov.u32 s0;
	s0 =	rddreg [dreg:$0x8]  }
0x2c: {  	[tilespmem:s0], [sflag:$0x1] =	stream.indirect.gather [hbm4b:s9+s11], $0x1, s11, s11, $0xb8;
	[tilespmem:$0x2000] =	vst v63  }
0x2d: {  	s1 =	rddreg [dreg:$0x9]  }
0x2e: {  	[tilespmem:s1], [sflag:$0x1] =	stream.indirect.gather [hbm4b:s10+s11], $0x1, s11, s11, $0xb8;
	[tilespmem:$0x2000] =	vst v63  }
0x2f: {  	s0 =	rddreg [dreg:$0xa]  }
0x30: {  	[tilespmem:s0], [sflag:$0x1] =	stream.indirect.gather [hbm4b:s8+s11], $0x1, s28, s11, $0xb8;
	[tilespmem:$0x2000] =	vst v63  }
0x31: {  	s1 =	rddreg [dreg:$0xb]  }
0x32: {  	[tilespmem:s1], [sflag:$0x1] =	stream.indirect.gather [hbm4b:s9+s11], $0x1, s28, s11, $0xb8;
	[tilespmem:$0x2000] =	vst v63  }
0x33: {  	s0 =	rddreg [dreg:$0xc]  }
0x34: {  	[tilespmem:s0], [sflag:$0x1] =	stream.indirect.gather [hbm4b:s10+s11], $0x1, s28, s11, $0xb8;
	[tilespmem:$0x2000] =	vst v63  }
0x35: {  	s1 =	rddreg [dreg:$0xd]  }
0x36: {  	[tilespmem:s1], [sflag:$0x1] =	stream.indirect.gather [hbm4b:s8+s11], $0x1, s24, s11, $0xb8;
	[tilespmem:$0x2000] =	vst v63  }
0x37: {  	s0 =	rddreg [dreg:$0xe]  }
0x38: {  	[tilespmem:s0], [sflag:$0x1] =	stream.indirect.gather [hbm4b:s9+s11], $0x1, s24, s11, $0xb8;
	[tilespmem:$0x2000] =	vst v63  }
0x39: {  	s1 =	rddreg [dreg:$0xf]  }
0x3a: {  	[tilespmem:s1], [sflag:$0x1] =	stream.indirect.gather [hbm4b:s10+s11], $0x1, s24, s11, $0xb8;
	[tilespmem:$0x2000] =	vst v63  }
0x3b: {  	s0 =	rddreg [dreg:$0x10]  }
0x3c: {  	[tilespmem:s0], [sflag:$0x1] =	stream.indirect.gather [hbm4b:s8+s11], $0x1, s16, s11, $0xb8;
	[tilespmem:$0x2000] =	vst v63  }
0x3d: {  	s1 =	rddreg [dreg:$0x11]  }
0x3e: {  	[tilespmem:s1], [sflag:$0x1] =	stream.indirect.gather [hbm4b:s9+s11], $0x1, s16, s11, $0xb8;
	[tilespmem:$0x2000] =	vst v63  }
0x3f: {  	s0 =	rddreg [dreg:$0x12]  }
0x40: {  	[tilespmem:s0], [sflag:$0x1] =	stream.indirect.gather [hbm4b:s10+s11], $0x1, s16, s11, $0xb8;
	[tilespmem:$0x2000] =	vst v63  }
0x41: {  	s1 =	rddreg [dreg:$0x13]  }
0x42: {  	[tilespmem:s1], [sflag:$0x1] =	stream.indirect.gather [hbm4b:s8+s11], $0x1, s12, s11, $0xb8;
	[tilespmem:$0x2000] =	vst v63  }
0x43: {  	s0 =	rddreg [dreg:$0x14]  }
0x44: {  	[tilespmem:s0], [sflag:$0x1] =	stream.indirect.gather [hbm4b:s9+s11], $0x1, s12, s11, $0xb8;
	[tilespmem:$0x2000] =	vst v63  }
0x45: {  	s1 =	rddreg [dreg:$0x15]  }
0x46: {  	[tilespmem:s1], [sflag:$0x1] =	stream.indirect.gather [hbm4b:s10+s11], $0x1, s12, s11, $0xb8;
	[tilespmem:$0x2000] =	vst v63  }
0x47: {  	s0 =	rddreg [dreg:$0x16]  }
0x48: {  	[tilespmem:s0], [sflag:$0x1] =	stream.indirect.gather [hbm4b:s8+s11], $0x1, s13, s11, $0xb8;
	[tilespmem:$0x2000] =	vst v63  }
0x49: {  	s1 =	simm.s32 $0x1300  }
0x4a: {  	[tilespmem:s1], [sflag:$0x1] =	stream.indirect.gather [hbm4b:s9+s11], $0x1, s13, s11, $0xb8;
	[tilespmem:$0x2000] =	vst v63  }
0x4b: {  	_ = 	snop  }
0x4c: {  	[tilespmem:s19], [sflag:$0x1] =	stream.indirect.gather [hbm4b:s10+s11], $0x1, s13, s11, $0xb8;
	[tilespmem:$0x2000] =	vst v63  }
0x4d: {  	_ = 	snop  }
0x4e: {  	[tilespmem:s20], [sflag:$0x1] =	stream.indirect.gather [hbm4b:s8+s11], $0x1, s14, s11, $0xb8;
	[tilespmem:$0x2000] =	vst v63  }
0x4f: {  	_ = 	snop  }
0x50: {  	[tilespmem:s21], [sflag:$0x1] =	stream.indirect.gather [hbm4b:s9+s11], $0x1, s14, s11, $0xb8;
	[tilespmem:$0x2000] =	vst v63  }
0x51: {  	_ = 	snop  }
0x52: {  	[tilespmem:s22], [sflag:$0x1] =	stream.indirect.gather [hbm4b:s10+s11], $0x1, s14, s11, $0xb8;
	[tilespmem:$0x2000] =	vst v63  }
0x53: {  	_ = 	snop  }
0x54: {  	[tilespmem:s23], [sflag:$0x1] =	stream.indirect.gather [hbm4b:s8+s11], $0x1, s15, s11, $0xb8;
	[tilespmem:$0x2000] =	vst v63  }
0x55: {  	_ = 	snop  }
0x56: {  	[tilespmem:s26], [sflag:$0x1] =	stream.indirect.gather [hbm4b:s9+s11], $0x1, s15, s11, $0xb8;
	[tilespmem:$0x2000] =	vst v63  }
0x57: {  	_ = 	snop  }
0x58: {  	[tilespmem:s29], [sflag:$0x1] =	stream.indirect.gather [hbm4b:s10+s11], $0x1, s15, s11, $0xb8;
	[tilespmem:$0x2000] =	vst v63  }
0x59: {  	_ = 	snop  }
0x5a: {  	[tilespmem:s30], [sflag:$0x1] =	stream.indirect.gather [hbm4b:s8+s11], $0x1, s25, s11, $0xb8;
	[tilespmem:$0x2000] =	vst v63  }
0x5b: {  	_ = 	snop  }
0x5c: {  	[tilespmem:s31], [sflag:$0x1] =	stream.indirect.gather [hbm4b:s9+s11], $0x1, s25, s11, $0xb8;
	[tilespmem:$0x2000] =	vst v63  }
0x5d: {  	_ = 	snop  }
0x5e: {  	[tilespmem:s18], [sflag:$0x1] =	stream.indirect.gather [hbm4b:s10+s11], $0x1, s25, s11, $0xb8;
	[tilespmem:$0x2000] =	vst v63  }
0x5f: {  	_ =	swait.ge [sflag:s7], $0x80  }
0x60: {  	[sflag:s7] =	ssyncset.done $0x0  }
0x61: {  	[sflag:s7] =	ssyncadd.s32 $0xFFFFFF80  }
0x62: {  	_ =	swait.ge [sflag:s7], $0x80  }
0x63: {  	[sflag:s7] =	ssyncset.done $0x0  }
0x64: {  	[sflag:s7] =	ssyncadd.s32 $0xFFFFFF80  }
0x65: {  	_ =	swait.ge [sflag:s7], $0x80  }
0x66: {  	[sflag:s7] =	ssyncset.done $0x0  }
0x67: {  	[sflag:s7] =	ssyncadd.s32 $0xFFFFFF80  }
0x68: {  	_ =	swait.ge [sflag:s7], $0x80  }
0x69: {  	[sflag:s7] =	ssyncset.done $0x0  }
0x6a: {  	[sflag:s7] =	ssyncadd.s32 $0xFFFFFF80  }
0x6b: {  	_ =	swait.ge [sflag:s7], $0x80  }
0x6c: {  	[sflag:s7] =	ssyncset.done $0x0  }
0x6d: {  	[sflag:s7] =	ssyncadd.s32 $0xFFFFFF80  }
0x6e: {  	_ =	swait.ge [sflag:s7], $0x80  }
0x6f: {  	[sflag:s7] =	ssyncset.done $0x0  }
0x70: {  	[sflag:s7] =	ssyncadd.s32 $0xFFFFFF80  }
0x71: {  	_ =	swait.ge [sflag:s7], $0x80  }
0x72: {  	[sflag:s7] =	ssyncset.done $0x0  }
0x73: {  	[sflag:s7] =	ssyncadd.s32 $0xFFFFFF80  }
0x74: {  	_ =	swait.ge [sflag:s7], $0x80  }
0x75: {  	[sflag:s7] =	ssyncset.done $0x0  }
0x76: {  	[sflag:s7] =	ssyncadd.s32 $0xFFFFFF80  }
0x77: {  	_ =	swait.ge [sflag:s7], $0x80  }
0x78: {  	[sflag:s7] =	ssyncset.done $0x0  }
0x79: {  	[sflag:s7] =	ssyncadd.s32 $0xFFFFFF80  }
0x7a: {  	_ =	swait.ge [sflag:s7], $0x80  }
0x7b: {  	[sflag:s7] =	ssyncset.done $0x0  }
0x7c: {  	[sflag:s7] =	ssyncadd.s32 $0xFFFFFF80  }
0x7d: {  	_ =	swait.ge [sflag:s7], $0x80  }
0x7e: {  	[sflag:s7] =	ssyncset.done $0x0  }
0x7f: {  	[sflag:s7] =	ssyncadd.s32 $0xFFFFFF80  }
0x80: {  	_ =	swait.ge [sflag:s7], $0x80  }
0x81: {  	[sflag:s7] =	ssyncset.done $0x0  }
0x82: {  	[sflag:s7] =	ssyncadd.s32 $0xFFFFFF80  }
0x83: {  	_ =	swait.ge [sflag:s7], $0x80  }
0x84: {  	[sflag:s7] =	ssyncset.done $0x0  }
0x85: {  	[sflag:s7] =	ssyncadd.s32 $0xFFFFFF80  }
0x86: {  	_ =	swait.ge [sflag:s7], $0x80  }
0x87: {  	[sflag:s7] =	ssyncset.done $0x0  }
0x88: {  	[sflag:s7] =	ssyncadd.s32 $0xFFFFFF80  }
0x89: {  	_ =	swait.ge [sflag:s7], $0x80  }
0x8a: {  	[sflag:s7] =	ssyncset.done $0x0  }
0x8b: {  	[sflag:s7] =	ssyncadd.s32 $0xFFFFFF80  }
0x8c: {  	_ =	swait.ge [sflag:s7], $0x80  }
0x8d: {  	[sflag:s7] =	ssyncset.done $0x0  }
0x8e: {  	[sflag:s7] =	ssyncadd.s32 $0xFFFFFF80  }
0x8f: {  	_ =	swait.ge [sflag:s7], $0x80  }
0x90: {  	[sflag:s7] =	ssyncset.done $0x0  }
0x91: {  	[sflag:s7] =	ssyncadd.s32 $0xFFFFFF80  }
0x92: {  	_ =	swait.ge [sflag:s7], $0x80  }
0x93: {  	[sflag:s7] =	ssyncset.done $0x0  }
0x94: {  	[sflag:s7] =	ssyncadd.s32 $0xFFFFFF80  }
0x95: {  	_ =	swait.ge [sflag:s7], $0x80  }
0x96: {  	[sflag:s7] =	ssyncset.done $0x0  }
0x97: {  	[sflag:s7] =	ssyncadd.s32 $0xFFFFFF80  }
0x98: {  	_ =	swait.ge [sflag:s7], $0x80  }
0x99: {  	[sflag:s7] =	ssyncset.done $0x0  }
0x9a: {  	[sflag:s7] =	ssyncadd.s32 $0xFFFFFF80  }
0x9b: {  	_ =	swait.ge [sflag:s7], $0x80  }
0x9c: {  	[sflag:s7] =	ssyncset.done $0x0  }
0x9d: {  	[sflag:s7] =	ssyncadd.s32 $0xFFFFFF80  }
0x9e: {  	_ =	swait.ge [sflag:s7], $0x80  }
0x9f: {  	[sflag:s7] =	ssyncset.done $0x0  }
0xa0: {  	[sflag:s7] =	ssyncadd.s32 $0xFFFFFF80  }
0xa1: {  	_ =	swait.ge [sflag:s7], $0x80  }
0xa2: {  	[sflag:s7] =	ssyncset.done $0x0  }
0xa3: {  	[sflag:s7] =	ssyncadd.s32 $0xFFFFFF80  }
0xa4: {  	_ =	swait.ge [sflag:s7], $0x80  }
0xa5: {  	[sflag:s7] =	ssyncset.done $0x0  }
0xa6: {  	[sflag:s7] =	ssyncadd.s32 $0xFFFFFF80  }
0xa7: {  	_ =	swait.ge [sflag:s7], $0x80  }
0xa8: {  	[sflag:s7] =	ssyncset.done $0x0  }
0xa9: {  	[sflag:s7] =	ssyncadd.s32 $0xFFFFFF80  }
0xaa: {  	_ =	swait.ge [sflag:s7], $0x80  }
0xab: {  	[sflag:s7] =	ssyncset.done $0x0  }
0xac: {  	[sflag:s7] =	ssyncadd.s32 $0xFFFFFF80  }
0xad: {  	_ =	swait.ge [sflag:s7], $0x80  }
0xae: {  	[sflag:s7] =	ssyncset.done $0x0  }
0xaf: {  	[sflag:s7] =	ssyncadd.s32 $0xFFFFFF80  }
0xb0: {  	_ =	swait.ge [sflag:s7], $0x80  }
0xb1: {  	[sflag:s7] =	ssyncset.done $0x0  }
0xb2: {  	[sflag:s7] =	ssyncadd.s32 $0xFFFFFF80  }
0xb3: {  	_ =	swait.ge [sflag:s7], $0x80  }
0xb4: {  	[sflag:s7] =	ssyncset.done $0x0  }
0xb5: {  	[sflag:s7] =	ssyncadd.s32 $0xFFFFFF80  }
0xb6: {  	_ =	swait.ge [sflag:s7], $0x80  }
0xb7: {  	[sflag:s7] =	ssyncset.done $0x0  }
0xb8: {  	s1 =	rddreg [dreg:$0x4];
	[sflag:s7] =	ssyncadd.s32 $0xFFFFFF80  }
0xb9: {  	[hbm4b:s1+s2] =	stream.linear.scatter [tilespmem:s6], [sflag:$0x2], $0x500, $0x38;
	[tilespmem:$0x2000] =	vst v63  }
0xba: {  	_ =	swait.ge [sflag:s3], $0x500  }
0xbb: {  	[sflag:s3] =	ssyncset.done $0x0  }
0xbc: {  	s1 =	rddreg [dreg:$0x5];
	[sflag:s3] =	ssyncadd.s32 $0xFFFFFB00  }
0xbd: {  	[hbm4b:s1+s2] =	stream.linear.scatter [tilespmem:s5], [sflag:$0x2], $0x500, $0x38;
	[tilespmem:$0x2000] =	vst v63  }
0xbe: {  	p1 =	sne.s32 s17, $0x1;
	_ =	swait.ge [sflag:s3], $0x500  }
.Ltmp1:
0xbf: {  	[sflag:s3] =	ssyncset.done $0x0;
	(pc) =	sbr.rel @!p1 .LBB2_3-.Ltmp1, $4  }
0xc0: {  	s1 =	rddreg [dreg:$0x6];
	[sflag:s3] =	ssyncadd.s32 $0xFFFFFB00  }
0xc1: {  	[hbm4b:s1+s2] =	stream.linear.scatter [tilespmem:s4], [sflag:$0x2], $0x500, $0x38;
	[tilespmem:$0x2000] =	vst v63  }
0xc2: {  	p0 =	por $0x1, $0x1;
	_ =	swait.ge [sflag:s3], $0x500  }
0xc3: {  	s0 =	sadd.s32 $0xFFFFFFFF, s17;
	s1 =	rddreg [dreg:$0x3];
	[sflag:s3] =	ssyncset.done $0x0  }
.LBB2_4:
0xc4: {  	[sflag:s3] =	ssyncadd.s32 $0xFFFFFB00  }
0xc5: {  	[tilespmem:s2], [sflag:$0x2] =	stream.linear.gather [hbm4b:s1+s2], $0x500, $0x38;
	[tilespmem:$0x2000] =	vst v63  }
0xc6: {  	_ =	swait.ge [sflag:s3], $0x500  }
0xc7: {  	[sflag:s3] =	ssyncset.done $0x0  }
0xc8: {  	[sflag:s3] =	ssyncadd.s32 $0xFFFFFB00  }
0xc9: {  	[tilespmem:s6], [sflag:$0x1] =	stream.indirect.gather [hbm4b:s8+s11], $0x1, s2, s11, $0xb8;
	[tilespmem:$0x2000] =	vst v63  }
0xca: {  	_ = 	snop  }
0xcb: {  	[tilespmem:s5], [sflag:$0x1] =	stream.indirect.gather [hbm4b:s9+s11], $0x1, s2, s11, $0xb8;
	[tilespmem:$0x2000] =	vst v63  }
0xcc: {  	_ = 	snop  }
0xcd: {  	[tilespmem:s4], [sflag:$0x1] =	stream.indirect.gather [hbm4b:s10+s11], $0x1, s2, s11, $0xb8;
	[tilespmem:$0x2000] =	vst v63  }
0xce: {  	s1 =	rddreg [dreg:$0x7]  }
0xcf: {  	[tilespmem:s1], [sflag:$0x1] =	stream.indirect.gather [hbm4b:s8+s11], $0x1, s11, s11, $0xb8;
	[tilespmem:$0x2000] =	vst v63  }
0xd0: {  	s17 =	rddreg [dreg:$0x8]  }
0xd1: {  	[tilespmem:s17], [sflag:$0x1] =	stream.indirect.gather [hbm4b:s9+s11], $0x1, s11, s11, $0xb8;
	[tilespmem:$0x2000] =	vst v63  }
0xd2: {  	s1 =	rddreg [dreg:$0x9]  }
0xd3: {  	[tilespmem:s1], [sflag:$0x1] =	stream.indirect.gather [hbm4b:s10+s11], $0x1, s11, s11, $0xb8;
	[tilespmem:$0x2000] =	vst v63  }
0xd4: {  	s17 =	rddreg [dreg:$0xa]  }
0xd5: {  	[tilespmem:s17], [sflag:$0x1] =	stream.indirect.gather [hbm4b:s8+s11], $0x1, s28, s11, $0xb8;
	[tilespmem:$0x2000] =	vst v63  }
0xd6: {  	s1 =	rddreg [dreg:$0xb]  }
0xd7: {  	[tilespmem:s1], [sflag:$0x1] =	stream.indirect.gather [hbm4b:s9+s11], $0x1, s28, s11, $0xb8;
	[tilespmem:$0x2000] =	vst v63  }
0xd8: {  	s17 =	rddreg [dreg:$0xc]  }
0xd9: {  	[tilespmem:s17], [sflag:$0x1] =	stream.indirect.gather [hbm4b:s10+s11], $0x1, s28, s11, $0xb8;
	[tilespmem:$0x2000] =	vst v63  }
0xda: {  	s1 =	rddreg [dreg:$0xd]  }
0xdb: {  	[tilespmem:s1], [sflag:$0x1] =	stream.indirect.gather [hbm4b:s8+s11], $0x1, s24, s11, $0xb8;
	[tilespmem:$0x2000] =	vst v63  }
0xdc: {  	s17 =	rddreg [dreg:$0xe]  }
0xdd: {  	[tilespmem:s17], [sflag:$0x1] =	stream.indirect.gather [hbm4b:s9+s11], $0x1, s24, s11, $0xb8;
	[tilespmem:$0x2000] =	vst v63  }
0xde: {  	s1 =	rddreg [dreg:$0xf]  }
0xdf: {  	[tilespmem:s1], [sflag:$0x1] =	stream.indirect.gather [hbm4b:s10+s11], $0x1, s24, s11, $0xb8;
	[tilespmem:$0x2000] =	vst v63  }
0xe0: {  	s17 =	rddreg [dreg:$0x10]  }
0xe1: {  	[tilespmem:s17], [sflag:$0x1] =	stream.indirect.gather [hbm4b:s8+s11], $0x1, s16, s11, $0xb8;
	[tilespmem:$0x2000] =	vst v63  }
0xe2: {  	s1 =	rddreg [dreg:$0x11]  }
0xe3: {  	[tilespmem:s1], [sflag:$0x1] =	stream.indirect.gather [hbm4b:s9+s11], $0x1, s16, s11, $0xb8;
	[tilespmem:$0x2000] =	vst v63  }
0xe4: {  	s17 =	rddreg [dreg:$0x12]  }
0xe5: {  	[tilespmem:s17], [sflag:$0x1] =	stream.indirect.gather [hbm4b:s10+s11], $0x1, s16, s11, $0xb8;
	[tilespmem:$0x2000] =	vst v63  }
0xe6: {  	s1 =	rddreg [dreg:$0x13]  }
0xe7: {  	[tilespmem:s1], [sflag:$0x1] =	stream.indirect.gather [hbm4b:s8+s11], $0x1, s12, s11, $0xb8;
	[tilespmem:$0x2000] =	vst v63  }
0xe8: {  	s17 =	rddreg [dreg:$0x14]  }
0xe9: {  	[tilespmem:s17], [sflag:$0x1] =	stream.indirect.gather [hbm4b:s9+s11], $0x1, s12, s11, $0xb8;
	[tilespmem:$0x2000] =	vst v63  }
0xea: {  	s1 =	rddreg [dreg:$0x15]  }
0xeb: {  	[tilespmem:s1], [sflag:$0x1] =	stream.indirect.gather [hbm4b:s10+s11], $0x1, s12, s11, $0xb8;
	[tilespmem:$0x2000] =	vst v63  }
0xec: {  	s17 =	rddreg [dreg:$0x16]  }
0xed: {  	[tilespmem:s17], [sflag:$0x1] =	stream.indirect.gather [hbm4b:s8+s11], $0x1, s13, s11, $0xb8;
	[tilespmem:$0x2000] =	vst v63  }
0xee: {  	s17 =	simm.s32 $0x1300  }
0xef: {  	[tilespmem:s17], [sflag:$0x1] =	stream.indirect.gather [hbm4b:s9+s11], $0x1, s13, s11, $0xb8;
	[tilespmem:$0x2000] =	vst v63  }
0xf0: {  	_ = 	snop  }
0xf1: {  	[tilespmem:s19], [sflag:$0x1] =	stream.indirect.gather [hbm4b:s10+s11], $0x1, s13, s11, $0xb8;
	[tilespmem:$0x2000] =	vst v63  }
0xf2: {  	_ = 	snop  }
0xf3: {  	[tilespmem:s20], [sflag:$0x1] =	stream.indirect.gather [hbm4b:s8+s11], $0x1, s14, s11, $0xb8;
	[tilespmem:$0x2000] =	vst v63  }
0xf4: {  	_ = 	snop  }
0xf5: {  	[tilespmem:s21], [sflag:$0x1] =	stream.indirect.gather [hbm4b:s9+s11], $0x1, s14, s11, $0xb8;
	[tilespmem:$0x2000] =	vst v63  }
0xf6: {  	_ = 	snop  }
0xf7: {  	[tilespmem:s22], [sflag:$0x1] =	stream.indirect.gather [hbm4b:s10+s11], $0x1, s14, s11, $0xb8;
	[tilespmem:$0x2000] =	vst v63  }
0xf8: {  	_ = 	snop  }
0xf9: {  	[tilespmem:s23], [sflag:$0x1] =	stream.indirect.gather [hbm4b:s8+s11], $0x1, s15, s11, $0xb8;
	[tilespmem:$0x2000] =	vst v63  }
0xfa: {  	_ = 	snop  }
0xfb: {  	[tilespmem:s26], [sflag:$0x1] =	stream.indirect.gather [hbm4b:s9+s11], $0x1, s15, s11, $0xb8;
	[tilespmem:$0x2000] =	vst v63  }
0xfc: {  	_ = 	snop  }
0xfd: {  	[tilespmem:s29], [sflag:$0x1] =	stream.indirect.gather [hbm4b:s10+s11], $0x1, s15, s11, $0xb8;
	[tilespmem:$0x2000] =	vst v63  }
0xfe: {  	_ = 	snop  }
0xff: {  	[tilespmem:s30], [sflag:$0x1] =	stream.indirect.gather [hbm4b:s8+s11], $0x1, s25, s11, $0xb8;
	[tilespmem:$0x2000] =	vst v63  }
0x100: {  	_ = 	snop  }
0x101: {  	[tilespmem:s31], [sflag:$0x1] =	stream.indirect.gather [hbm4b:s9+s11], $0x1, s25, s11, $0xb8;
	[tilespmem:$0x2000] =	vst v63  }
0x102: {  	_ = 	snop  }
0x103: {  	[tilespmem:s18], [sflag:$0x1] =	stream.indirect.gather [hbm4b:s10+s11], $0x1, s25, s11, $0xb8;
	[tilespmem:$0x2000] =	vst v63  }
0x104: {  	_ =	swait.ge [sflag:s7], $0x80  }
0x105: {  	[sflag:s7] =	ssyncset.done $0x0  }
0x106: {  	[sflag:s7] =	ssyncadd.s32 $0xFFFFFF80  }
0x107: {  	_ =	swait.ge [sflag:s7], $0x80  }
0x108: {  	[sflag:s7] =	ssyncset.done $0x0  }
0x109: {  	[sflag:s7] =	ssyncadd.s32 $0xFFFFFF80  }
0x10a: {  	_ =	swait.ge [sflag:s7], $0x80  }
0x10b: {  	[sflag:s7] =	ssyncset.done $0x0  }
0x10c: {  	[sflag:s7] =	ssyncadd.s32 $0xFFFFFF80  }
0x10d: {  	_ =	swait.ge [sflag:s7], $0x80  }
0x10e: {  	[sflag:s7] =	ssyncset.done $0x0  }
0x10f: {  	[sflag:s7] =	ssyncadd.s32 $0xFFFFFF80  }
0x110: {  	_ =	swait.ge [sflag:s7], $0x80  }
0x111: {  	[sflag:s7] =	ssyncset.done $0x0  }
0x112: {  	[sflag:s7] =	ssyncadd.s32 $0xFFFFFF80  }
0x113: {  	_ =	swait.ge [sflag:s7], $0x80  }
0x114: {  	[sflag:s7] =	ssyncset.done $0x0  }
0x115: {  	[sflag:s7] =	ssyncadd.s32 $0xFFFFFF80  }
0x116: {  	_ =	swait.ge [sflag:s7], $0x80  }
0x117: {  	[sflag:s7] =	ssyncset.done $0x0  }
0x118: {  	[sflag:s7] =	ssyncadd.s32 $0xFFFFFF80  }
0x119: {  	_ =	swait.ge [sflag:s7], $0x80  }
0x11a: {  	[sflag:s7] =	ssyncset.done $0x0  }
0x11b: {  	[sflag:s7] =	ssyncadd.s32 $0xFFFFFF80  }
0x11c: {  	_ =	swait.ge [sflag:s7], $0x80  }
0x11d: {  	[sflag:s7] =	ssyncset.done $0x0  }
0x11e: {  	[sflag:s7] =	ssyncadd.s32 $0xFFFFFF80  }
0x11f: {  	_ =	swait.ge [sflag:s7], $0x80  }
0x120: {  	[sflag:s7] =	ssyncset.done $0x0  }
0x121: {  	[sflag:s7] =	ssyncadd.s32 $0xFFFFFF80  }
0x122: {  	_ =	swait.ge [sflag:s7], $0x80  }
0x123: {  	[sflag:s7] =	ssyncset.done $0x0  }
0x124: {  	[sflag:s7] =	ssyncadd.s32 $0xFFFFFF80  }
0x125: {  	_ =	swait.ge [sflag:s7], $0x80  }
0x126: {  	[sflag:s7] =	ssyncset.done $0x0  }
0x127: {  	[sflag:s7] =	ssyncadd.s32 $0xFFFFFF80  }
0x128: {  	_ =	swait.ge [sflag:s7], $0x80  }
0x129: {  	[sflag:s7] =	ssyncset.done $0x0  }
0x12a: {  	[sflag:s7] =	ssyncadd.s32 $0xFFFFFF80  }
0x12b: {  	_ =	swait.ge [sflag:s7], $0x80  }
0x12c: {  	[sflag:s7] =	ssyncset.done $0x0  }
0x12d: {  	[sflag:s7] =	ssyncadd.s32 $0xFFFFFF80  }
0x12e: {  	_ =	swait.ge [sflag:s7], $0x80  }
0x12f: {  	[sflag:s7] =	ssyncset.done $0x0  }
0x130: {  	[sflag:s7] =	ssyncadd.s32 $0xFFFFFF80  }
0x131: {  	_ =	swait.ge [sflag:s7], $0x80  }
0x132: {  	[sflag:s7] =	ssyncset.done $0x0  }
0x133: {  	[sflag:s7] =	ssyncadd.s32 $0xFFFFFF80  }
0x134: {  	_ =	swait.ge [sflag:s7], $0x80  }
0x135: {  	[sflag:s7] =	ssyncset.done $0x0  }
0x136: {  	[sflag:s7] =	ssyncadd.s32 $0xFFFFFF80  }
0x137: {  	_ =	swait.ge [sflag:s7], $0x80  }
0x138: {  	[sflag:s7] =	ssyncset.done $0x0  }
0x139: {  	[sflag:s7] =	ssyncadd.s32 $0xFFFFFF80  }
0x13a: {  	_ =	swait.ge [sflag:s7], $0x80  }
0x13b: {  	[sflag:s7] =	ssyncset.done $0x0  }
0x13c: {  	[sflag:s7] =	ssyncadd.s32 $0xFFFFFF80  }
0x13d: {  	_ =	swait.ge [sflag:s7], $0x80  }
0x13e: {  	[sflag:s7] =	ssyncset.done $0x0  }
0x13f: {  	[sflag:s7] =	ssyncadd.s32 $0xFFFFFF80  }
0x140: {  	_ =	swait.ge [sflag:s7], $0x80  }
0x141: {  	[sflag:s7] =	ssyncset.done $0x0  }
0x142: {  	[sflag:s7] =	ssyncadd.s32 $0xFFFFFF80  }
0x143: {  	_ =	swait.ge [sflag:s7], $0x80  }
0x144: {  	[sflag:s7] =	ssyncset.done $0x0  }
0x145: {  	[sflag:s7] =	ssyncadd.s32 $0xFFFFFF80  }
0x146: {  	_ =	swait.ge [sflag:s7], $0x80  }
0x147: {  	[sflag:s7] =	ssyncset.done $0x0  }
0x148: {  	[sflag:s7] =	ssyncadd.s32 $0xFFFFFF80  }
0x149: {  	_ =	swait.ge [sflag:s7], $0x80  }
0x14a: {  	[sflag:s7] =	ssyncset.done $0x0  }
0x14b: {  	[sflag:s7] =	ssyncadd.s32 $0xFFFFFF80  }
0x14c: {  	_ =	swait.ge [sflag:s7], $0x80  }
0x14d: {  	[sflag:s7] =	ssyncset.done $0x0  }
0x14e: {  	[sflag:s7] =	ssyncadd.s32 $0xFFFFFF80  }
0x14f: {  	_ =	swait.ge [sflag:s7], $0x80  }
0x150: {  	[sflag:s7] =	ssyncset.done $0x0  }
0x151: {  	[sflag:s7] =	ssyncadd.s32 $0xFFFFFF80  }
0x152: {  	_ =	swait.ge [sflag:s7], $0x80  }
0x153: {  	[sflag:s7] =	ssyncset.done $0x0  }
0x154: {  	[sflag:s7] =	ssyncadd.s32 $0xFFFFFF80  }
0x155: {  	_ =	swait.ge [sflag:s7], $0x80  }
0x156: {  	[sflag:s7] =	ssyncset.done $0x0  }
0x157: {  	[sflag:s7] =	ssyncadd.s32 $0xFFFFFF80  }
0x158: {  	_ =	swait.ge [sflag:s7], $0x80  }
0x159: {  	[sflag:s7] =	ssyncset.done $0x0  }
0x15a: {  	[sflag:s7] =	ssyncadd.s32 $0xFFFFFF80  }
0x15b: {  	_ =	swait.ge [sflag:s7], $0x80  }
0x15c: {  	[sflag:s7] =	ssyncset.done $0x0  }
0x15d: {  	s17 =	rddreg [dreg:$0x4];
	[sflag:s7] =	ssyncadd.s32 $0xFFFFFF80  }
0x15e: {  	[hbm4b:s17+s2] =	stream.linear.scatter [tilespmem:s6], [sflag:$0x2], $0x500, $0x38;
	[tilespmem:$0x2000] =	vst v63  }
0x15f: {  	_ =	swait.ge [sflag:s3], $0x500  }
0x160: {  	[sflag:s3] =	ssyncset.done $0x0  }
0x161: {  	s17 =	rddreg [dreg:$0x5];
	[sflag:s3] =	ssyncadd.s32 $0xFFFFFB00  }
0x162: {  	[hbm4b:s17+s2] =	stream.linear.scatter [tilespmem:s5], [sflag:$0x2], $0x500, $0x38;
	[tilespmem:$0x2000] =	vst v63  }
0x163: {  	p1 =	sne.s32 s0, $0x1;
	_ =	swait.ge [sflag:s3], $0x500  }
.Ltmp2:
0x164: {  	[sflag:s3] =	ssyncset.done $0x0;
	(pc) =	sbr.rel @p1 .LBB2_4-.Ltmp2, $4  }
0x165: {  	s17 =	rddreg [dreg:$0x6];
	[sflag:s3] =	ssyncadd.s32 $0xFFFFFB00  }
0x166: {  	[hbm4b:s17+s2] =	stream.linear.scatter [tilespmem:s4], [sflag:$0x2], $0x500, $0x38;
	[tilespmem:$0x2000] =	vst v63  }
0x167: {  	_ =	swait.ge [sflag:s3], $0x500  }
0x168: {  	s0 =	sadd.s32 $0xFFFFFFFF, s0;
	s1 =	rddreg [dreg:$0x3];
	[sflag:s3] =	ssyncset.done $0x0  }
0x169: {  	s31 =	simm.s32 $0x1480;
	s30 =	simm.s32 $0xC80  }
0x16a: {  	s29 =	simm.s32 $0x1C00;
	s26 =	simm.s32 $0x1400;
	s23 =	simm.s32 $0xC00  }
0x16b: {  	s22 =	simm.s32 $0x1B80;
	s21 =	simm.s32 $0x1380;
	s20 =	simm.s32 $0xB80  }
0x16c: {  	s19 =	simm.s32 $0x1B00;
	s18 =	simm.s32 $0x1300;
	s17 =	rddreg [dreg:$0x2]  }
.LBB2_6:
0x16d: {  	[sflag:s3] =	ssyncadd.s32 @p0 $0xFFFFFB00  }
0x16e: {  	[tilespmem:s2], [sflag:$0x2] =	stream.linear.gather [hbm4b:s1+s2], $0x500, $0x38;
	[tilespmem:$0x2000] =	vst v63  }
0x16f: {  	_ =	swait.ge [sflag:s3], $0x500  }
0x170: {  	[sflag:s3] =	ssyncset.done $0x0  }
0x171: {  	[sflag:s3] =	ssyncadd.s32 $0xFFFFFB00  }
0x172: {  	[tilespmem:s6], [sflag:$0x1] =	stream.indirect.gather [hbm4b:s8+s11], $0x1, s2, s11, $0xb8;
	[tilespmem:$0x2000] =	vst v63  }
0x173: {  	_ = 	snop  }
0x174: {  	[tilespmem:s5], [sflag:$0x1] =	stream.indirect.gather [hbm4b:s9+s11], $0x1, s2, s11, $0xb8;
	[tilespmem:$0x2000] =	vst v63  }
0x175: {  	_ = 	snop  }
0x176: {  	[tilespmem:s4], [sflag:$0x1] =	stream.indirect.gather [hbm4b:s10+s11], $0x1, s2, s11, $0xb8;
	[tilespmem:$0x2000] =	vst v63  }
0x177: {  	s0 =	rddreg [dreg:$0x7]  }
0x178: {  	[tilespmem:s0], [sflag:$0x1] =	stream.indirect.gather [hbm4b:s8+s11], $0x1, s11, s11, $0xb8;
	[tilespmem:$0x2000] =	vst v63  }
0x179: {  	s1 =	rddreg [dreg:$0x8]  }
0x17a: {  	[tilespmem:s1], [sflag:$0x1] =	stream.indirect.gather [hbm4b:s9+s11], $0x1, s11, s11, $0xb8;
	[tilespmem:$0x2000] =	vst v63  }
0x17b: {  	s0 =	rddreg [dreg:$0x9]  }
0x17c: {  	[tilespmem:s0], [sflag:$0x1] =	stream.indirect.gather [hbm4b:s10+s11], $0x1, s11, s11, $0xb8;
	[tilespmem:$0x2000] =	vst v63  }
0x17d: {  	s1 =	rddreg [dreg:$0xa]  }
0x17e: {  	[tilespmem:s1], [sflag:$0x1] =	stream.indirect.gather [hbm4b:s8+s11], $0x1, s28, s11, $0xb8;
	[tilespmem:$0x2000] =	vst v63  }
0x17f: {  	s0 =	rddreg [dreg:$0xb]  }
0x180: {  	[tilespmem:s0], [sflag:$0x1] =	stream.indirect.gather [hbm4b:s9+s11], $0x1, s28, s11, $0xb8;
	[tilespmem:$0x2000] =	vst v63  }
0x181: {  	s1 =	rddreg [dreg:$0xc]  }
0x182: {  	[tilespmem:s1], [sflag:$0x1] =	stream.indirect.gather [hbm4b:s10+s11], $0x1, s28, s11, $0xb8;
	[tilespmem:$0x2000] =	vst v63  }
0x183: {  	s0 =	rddreg [dreg:$0xd]  }
0x184: {  	[tilespmem:s0], [sflag:$0x1] =	stream.indirect.gather [hbm4b:s8+s11], $0x1, s24, s11, $0xb8;
	[tilespmem:$0x2000] =	vst v63  }
0x185: {  	s28 =	rddreg [dreg:$0xe]  }
0x186: {  	[tilespmem:s28], [sflag:$0x1] =	stream.indirect.gather [hbm4b:s9+s11], $0x1, s24, s11, $0xb8;
	[tilespmem:$0x2000] =	vst v63  }
0x187: {  	s0 =	rddreg [dreg:$0xf]  }
0x188: {  	[tilespmem:s0], [sflag:$0x1] =	stream.indirect.gather [hbm4b:s10+s11], $0x1, s24, s11, $0xb8;
	[tilespmem:$0x2000] =	vst v63  }
0x189: {  	s28 =	rddreg [dreg:$0x10]  }
0x18a: {  	[tilespmem:s28], [sflag:$0x1] =	stream.indirect.gather [hbm4b:s8+s11], $0x1, s16, s11, $0xb8;
	[tilespmem:$0x2000] =	vst v63  }
0x18b: {  	s24 =	rddreg [dreg:$0x11]  }
0x18c: {  	[tilespmem:s24], [sflag:$0x1] =	stream.indirect.gather [hbm4b:s9+s11], $0x1, s16, s11, $0xb8;
	[tilespmem:$0x2000] =	vst v63  }
0x18d: {  	s28 =	rddreg [dreg:$0x12]  }
0x18e: {  	[tilespmem:s28], [sflag:$0x1] =	stream.indirect.gather [hbm4b:s10+s11], $0x1, s16, s11, $0xb8;
	[tilespmem:$0x2000] =	vst v63  }
0x18f: {  	s24 =	rddreg [dreg:$0x13]  }
0x190: {  	[tilespmem:s24], [sflag:$0x1] =	stream.indirect.gather [hbm4b:s8+s11], $0x1, s12, s11, $0xb8;
	[tilespmem:$0x2000] =	vst v63  }
0x191: {  	s28 =	rddreg [dreg:$0x14]  }
0x192: {  	[tilespmem:s28], [sflag:$0x1] =	stream.indirect.gather [hbm4b:s9+s11], $0x1, s12, s11, $0xb8;
	[tilespmem:$0x2000] =	vst v63  }
0x193: {  	s16 =	rddreg [dreg:$0x15]  }
0x194: {  	[tilespmem:s16], [sflag:$0x1] =	stream.indirect.gather [hbm4b:s10+s11], $0x1, s12, s11, $0xb8;
	[tilespmem:$0x2000] =	vst v63  }
0x195: {  	s24 =	rddreg [dreg:$0x16]  }
0x196: {  	[tilespmem:s24], [sflag:$0x1] =	stream.indirect.gather [hbm4b:s8+s11], $0x1, s13, s11, $0xb8;
	[tilespmem:$0x2000] =	vst v63  }
0x197: {  	_ = 	snop  }
0x198: {  	[tilespmem:s18], [sflag:$0x1] =	stream.indirect.gather [hbm4b:s9+s11], $0x1, s13, s11, $0xb8;
	[tilespmem:$0x2000] =	vst v63  }
0x199: {  	_ = 	snop  }
0x19a: {  	[tilespmem:s19], [sflag:$0x1] =	stream.indirect.gather [hbm4b:s10+s11], $0x1, s13, s11, $0xb8;
	[tilespmem:$0x2000] =	vst v63  }
0x19b: {  	_ = 	snop  }
0x19c: {  	[tilespmem:s20], [sflag:$0x1] =	stream.indirect.gather [hbm4b:s8+s11], $0x1, s14, s11, $0xb8;
	[tilespmem:$0x2000] =	vst v63  }
0x19d: {  	_ = 	snop  }
0x19e: {  	[tilespmem:s21], [sflag:$0x1] =	stream.indirect.gather [hbm4b:s9+s11], $0x1, s14, s11, $0xb8;
	[tilespmem:$0x2000] =	vst v63  }
0x19f: {  	_ = 	snop  }
0x1a0: {  	[tilespmem:s22], [sflag:$0x1] =	stream.indirect.gather [hbm4b:s10+s11], $0x1, s14, s11, $0xb8;
	[tilespmem:$0x2000] =	vst v63  }
0x1a1: {  	_ = 	snop  }
0x1a2: {  	[tilespmem:s23], [sflag:$0x1] =	stream.indirect.gather [hbm4b:s8+s11], $0x1, s15, s11, $0xb8;
	[tilespmem:$0x2000] =	vst v63  }
0x1a3: {  	_ = 	snop  }
0x1a4: {  	[tilespmem:s26], [sflag:$0x1] =	stream.indirect.gather [hbm4b:s9+s11], $0x1, s15, s11, $0xb8;
	[tilespmem:$0x2000] =	vst v63  }
0x1a5: {  	_ = 	snop  }
0x1a6: {  	[tilespmem:s29], [sflag:$0x1] =	stream.indirect.gather [hbm4b:s10+s11], $0x1, s15, s11, $0xb8;
	[tilespmem:$0x2000] =	vst v63  }
0x1a7: {  	_ = 	snop  }
0x1a8: {  	[tilespmem:s30], [sflag:$0x1] =	stream.indirect.gather [hbm4b:s8+s11], $0x1, s25, s11, $0xb8;
	[tilespmem:$0x2000] =	vst v63  }
0x1a9: {  	_ = 	snop  }
0x1aa: {  	[tilespmem:s31], [sflag:$0x1] =	stream.indirect.gather [hbm4b:s9+s11], $0x1, s25, s11, $0xb8;
	[tilespmem:$0x2000] =	vst v63  }
0x1ab: {  	s26 =	simm.s32 $0x1C80  }
0x1ac: {  	[tilespmem:s26], [sflag:$0x1] =	stream.indirect.gather [hbm4b:s10+s11], $0x1, s25, s11, $0xb8;
	[tilespmem:$0x2000] =	vst v63  }
0x1ad: {  	_ =	swait.ge [sflag:s7], $0x80  }
0x1ae: {  	[sflag:s7] =	ssyncset.done $0x0  }
0x1af: {  	[sflag:s7] =	ssyncadd.s32 $0xFFFFFF80  }
0x1b0: {  	_ =	swait.ge [sflag:s7], $0x80  }
0x1b1: {  	[sflag:s7] =	ssyncset.done $0x0  }
0x1b2: {  	[sflag:s7] =	ssyncadd.s32 $0xFFFFFF80  }
0x1b3: {  	_ =	swait.ge [sflag:s7], $0x80  }
0x1b4: {  	[sflag:s7] =	ssyncset.done $0x0  }
0x1b5: {  	[sflag:s7] =	ssyncadd.s32 $0xFFFFFF80  }
0x1b6: {  	_ =	swait.ge [sflag:s7], $0x80  }
0x1b7: {  	[sflag:s7] =	ssyncset.done $0x0  }
0x1b8: {  	[sflag:s7] =	ssyncadd.s32 $0xFFFFFF80  }
0x1b9: {  	_ =	swait.ge [sflag:s7], $0x80  }
0x1ba: {  	[sflag:s7] =	ssyncset.done $0x0  }
0x1bb: {  	[sflag:s7] =	ssyncadd.s32 $0xFFFFFF80  }
0x1bc: {  	_ =	swait.ge [sflag:s7], $0x80  }
0x1bd: {  	[sflag:s7] =	ssyncset.done $0x0  }
0x1be: {  	[sflag:s7] =	ssyncadd.s32 $0xFFFFFF80  }
0x1bf: {  	_ =	swait.ge [sflag:s7], $0x80  }
0x1c0: {  	[sflag:s7] =	ssyncset.done $0x0  }
0x1c1: {  	[sflag:s7] =	ssyncadd.s32 $0xFFFFFF80  }
0x1c2: {  	_ =	swait.ge [sflag:s7], $0x80  }
0x1c3: {  	[sflag:s7] =	ssyncset.done $0x0  }
0x1c4: {  	[sflag:s7] =	ssyncadd.s32 $0xFFFFFF80  }
0x1c5: {  	_ =	swait.ge [sflag:s7], $0x80  }
0x1c6: {  	[sflag:s7] =	ssyncset.done $0x0  }
0x1c7: {  	[sflag:s7] =	ssyncadd.s32 $0xFFFFFF80  }
0x1c8: {  	_ =	swait.ge [sflag:s7], $0x80  }
0x1c9: {  	[sflag:s7] =	ssyncset.done $0x0  }
0x1ca: {  	[sflag:s7] =	ssyncadd.s32 $0xFFFFFF80  }
0x1cb: {  	_ =	swait.ge [sflag:s7], $0x80  }
0x1cc: {  	[sflag:s7] =	ssyncset.done $0x0  }
0x1cd: {  	[sflag:s7] =	ssyncadd.s32 $0xFFFFFF80  }
0x1ce: {  	_ =	swait.ge [sflag:s7], $0x80  }
0x1cf: {  	[sflag:s7] =	ssyncset.done $0x0  }
0x1d0: {  	[sflag:s7] =	ssyncadd.s32 $0xFFFFFF80  }
0x1d1: {  	_ =	swait.ge [sflag:s7], $0x80  }
0x1d2: {  	[sflag:s7] =	ssyncset.done $0x0  }
0x1d3: {  	[sflag:s7] =	ssyncadd.s32 $0xFFFFFF80  }
0x1d4: {  	_ =	swait.ge [sflag:s7], $0x80  }
0x1d5: {  	[sflag:s7] =	ssyncset.done $0x0  }
0x1d6: {  	[sflag:s7] =	ssyncadd.s32 $0xFFFFFF80  }
0x1d7: {  	_ =	swait.ge [sflag:s7], $0x80  }
0x1d8: {  	[sflag:s7] =	ssyncset.done $0x0  }
0x1d9: {  	[sflag:s7] =	ssyncadd.s32 $0xFFFFFF80  }
0x1da: {  	_ =	swait.ge [sflag:s7], $0x80  }
0x1db: {  	[sflag:s7] =	ssyncset.done $0x0  }
0x1dc: {  	[sflag:s7] =	ssyncadd.s32 $0xFFFFFF80  }
0x1dd: {  	_ =	swait.ge [sflag:s7], $0x80  }
0x1de: {  	[sflag:s7] =	ssyncset.done $0x0  }
0x1df: {  	[sflag:s7] =	ssyncadd.s32 $0xFFFFFF80  }
0x1e0: {  	_ =	swait.ge [sflag:s7], $0x80  }
0x1e1: {  	[sflag:s7] =	ssyncset.done $0x0  }
0x1e2: {  	[sflag:s7] =	ssyncadd.s32 $0xFFFFFF80  }
0x1e3: {  	_ =	swait.ge [sflag:s7], $0x80  }
0x1e4: {  	[sflag:s7] =	ssyncset.done $0x0  }
0x1e5: {  	[sflag:s7] =	ssyncadd.s32 $0xFFFFFF80  }
0x1e6: {  	_ =	swait.ge [sflag:s7], $0x80  }
0x1e7: {  	[sflag:s7] =	ssyncset.done $0x0  }
0x1e8: {  	[sflag:s7] =	ssyncadd.s32 $0xFFFFFF80  }
0x1e9: {  	_ =	swait.ge [sflag:s7], $0x80  }
0x1ea: {  	[sflag:s7] =	ssyncset.done $0x0  }
0x1eb: {  	[sflag:s7] =	ssyncadd.s32 $0xFFFFFF80  }
0x1ec: {  	_ =	swait.ge [sflag:s7], $0x80  }
0x1ed: {  	[sflag:s7] =	ssyncset.done $0x0  }
0x1ee: {  	[sflag:s7] =	ssyncadd.s32 $0xFFFFFF80  }
0x1ef: {  	_ =	swait.ge [sflag:s7], $0x80  }
0x1f0: {  	[sflag:s7] =	ssyncset.done $0x0  }
0x1f1: {  	[sflag:s7] =	ssyncadd.s32 $0xFFFFFF80  }
0x1f2: {  	_ =	swait.ge [sflag:s7], $0x80  }
0x1f3: {  	[sflag:s7] =	ssyncset.done $0x0  }
0x1f4: {  	[sflag:s7] =	ssyncadd.s32 $0xFFFFFF80  }
0x1f5: {  	_ =	swait.ge [sflag:s7], $0x80  }
0x1f6: {  	[sflag:s7] =	ssyncset.done $0x0  }
0x1f7: {  	[sflag:s7] =	ssyncadd.s32 $0xFFFFFF80  }
0x1f8: {  	_ =	swait.ge [sflag:s7], $0x80  }
0x1f9: {  	[sflag:s7] =	ssyncset.done $0x0  }
0x1fa: {  	[sflag:s7] =	ssyncadd.s32 $0xFFFFFF80  }
0x1fb: {  	_ =	swait.ge [sflag:s7], $0x80  }
0x1fc: {  	[sflag:s7] =	ssyncset.done $0x0  }
0x1fd: {  	[sflag:s7] =	ssyncadd.s32 $0xFFFFFF80  }
0x1fe: {  	_ =	swait.ge [sflag:s7], $0x80  }
0x1ff: {  	[sflag:s7] =	ssyncset.done $0x0  }
0x200: {  	[sflag:s7] =	ssyncadd.s32 $0xFFFFFF80  }
0x201: {  	_ =	swait.ge [sflag:s7], $0x80  }
0x202: {  	[sflag:s7] =	ssyncset.done $0x0  }
0x203: {  	[sflag:s7] =	ssyncadd.s32 $0xFFFFFF80  }
0x204: {  	_ =	swait.ge [sflag:s7], $0x80  }
0x205: {  	[sflag:s7] =	ssyncset.done $0x0  }
0x206: {  	s28 =	rddreg [dreg:$0x4];
	[sflag:s7] =	ssyncadd.s32 $0xFFFFFF80  }
0x207: {  	[hbm4b:s28+s2] =	stream.linear.scatter [tilespmem:s6], [sflag:$0x2], $0x500, $0x38;
	[tilespmem:$0x2000] =	vst v63  }
0x208: {  	_ =	swait.ge [sflag:s3], $0x500  }
0x209: {  	[sflag:s3] =	ssyncset.done $0x0  }
0x20a: {  	s29 =	rddreg [dreg:$0x5];
	[sflag:s3] =	ssyncadd.s32 $0xFFFFFB00  }
0x20b: {  	[hbm4b:s29+s2] =	stream.linear.scatter [tilespmem:s5], [sflag:$0x2], $0x500, $0x38;
	[tilespmem:$0x2000] =	vst v63  }
0x20c: {  	_ =	swait.ge [sflag:s3], $0x500  }
0x20d: {  	[sflag:s3] =	ssyncset.done $0x0  }
0x20e: {  	s30 =	rddreg [dreg:$0x6];
	[sflag:s3] =	ssyncadd.s32 $0xFFFFFB00  }
0x20f: {  	[hbm4b:s30+s2] =	stream.linear.scatter [tilespmem:s4], [sflag:$0x2], $0x500, $0x38;
	[tilespmem:$0x2000] =	vst v63  }
0x210: {  	_ =	swait.ge [sflag:s3], $0x500  }
0x211: {  	[sflag:s3] =	ssyncset.done $0x0  }
0x212: {  	[sflag:s3] =	ssyncadd.s32 $0xFFFFFB00  }
0x213: {  	_ =	sfence.sel $0x180000  }
0x214: {  	s31 =	stileid.u32;
	[bflag:$0x0] =	sbarrier.arrive $0xFFFF  }
0x215: {  	p0 =	sne.s32 s31, $0x0;
	_ =	strace $0x9000004D  }
0x216: {  	s0 =	sadd.s32 @!p0 $0x100000, s17;
	[bflag:$0x2] =	sbarrier.arrive $0xFFFF  }
0x217: {  	[sflag:s0] =	ssyncadd.tile.s32 @!p0 $0x1;
	_ =	shalt  }
.LBB2_1:
.Ltmp3:
0x218: {  	(pc) =	sbr.rel .LBB2_6-.Ltmp3, $4  }
0x219: {  	s31 =	simm.s32 $0x1480  }
0x21a: {  	s30 =	simm.s32 $0xC80;
	s29 =	simm.s32 $0x1C00;
	s26 =	simm.s32 $0x1400  }
0x21b: {  	s23 =	simm.s32 $0xC00;
	s22 =	simm.s32 $0x1B80;
	s21 =	simm.s32 $0x1380  }
0x21c: {  	s20 =	simm.s32 $0xB80;
	s19 =	simm.s32 $0x1B00;
	s18 =	simm.s32 $0x1300  }
.LBB2_3:
.Ltmp4:
0x21d: {  	(pc) =	sbr.rel .LBB2_6-.Ltmp4, $4  }
0x21e: {  	s31 =	simm.s32 $0x1480;
	s30 =	simm.s32 $0xC80  }
0x21f: {  	s29 =	simm.s32 $0x1C00;
	s26 =	simm.s32 $0x1400;
	s23 =	simm.s32 $0xC00  }
0x220: {  	s22 =	simm.s32 $0x1B80;
	s21 =	simm.s32 $0x1380;
	s20 =	simm.s32 $0xB80  }
0x221: {  	s19 =	simm.s32 $0x1B00;
	s18 =	simm.s32 $0x1300;
	s17 =	rddreg [dreg:$0x2]  }
.Lfunc_end2:
_tile_overlayer_lowered:
.L_overlay_start_2:
0x222: {  	(tag) =	ssettag $0x2  }
0x223: {  	s0 =	rddreg [dreg:$0x0];
	s2 =	stileid.u32  }
0x224: {  	s1 =	rddreg [dreg:$0x1];
	p0 =	sne.s32 s2, $0x0  }
0x225: {  	s3 =	rddreg [dreg:$0x2];
	[bflag:$0x3] =	sbarrier.arrive $0xFFFF;
	s2 =	simm.s32 @!p0 $0x1C02  }
0x226: {  	[timem:s3], [sflag:s2] =	dma.local @!p0 [hbm:s0], s1  }
0x227: {  	s0 =	simm.s32 @!p0 $0x2  }
0x228: {  	_ =	swait.ge @!p0 [sflag:s0], s1  }
0x229: {  	s1 =	ssub.s32 @!p0 $0x0, s1;
	[sflag:s0] =	ssyncset.done @!p0 $0x0  }
0x22a: {  	[sflag:s0] =	ssyncadd.s32 @!p0 s1  }
0x22b: {  	[bflag:$0x3] =	sbarrier.arrive $0xFFFF  }
0x22c: {  	_ =	shalt  }

// kernel: kernel.9.cloned.1.call-start
scs
__scs_entry_jumppad:
0x0: {  	(pc) =	sbr.rel $0x88, $3  }
0x1: {  	(tag) =	ssettag $0x0;
	lr =	simm.s32 $0x1  }
0x2: {  	[smem:$0x3F99] =	sst lr;
	_ =	strace $0xD0000000  }
0x3: {  	_ = 	snop  }
0x4: {  	_ = 	snop  }
0x5: {  	_ = 	snop  }
0x6: {  	_ = 	snop  }
0x7: {  	_ = 	snop  }
__scs_overlays_trampoline_lowered:
0x8: {  	[smem:$0x3FA8] =	sst s0  }
0x9: {  	[smem:$0x3FA9] =	sst s1  }
0xa: {  	[smem:$0x3FAA] =	sst s2  }
0xb: {  	[smem:$0x3FAB] =	sst s3  }
0xc: {  	[smem:$0x3FAC] =	sst s4  }
0xd: {  	[smem:$0x3FAD] =	sst s5  }
0xe: {  	[smem:$0x3FAE] =	sst s6  }
0xf: {  	[smem:$0x3FAF] =	sst s7  }
0x10: {  	[smem:$0x3FB0] =	sst s8  }
0x11: {  	[smem:$0x3FB1] =	sst s9;
	s0 =	simm.s32 @!p0 $0x0  }
0x12: {  	s1 =	sld [smem:$0x3F97];
	s0 =	simm.s32 @p0 $0x1  }
0x13: {  	[smem:$0x3FB2] =	sst s0;
	s0 =	simm.s32 @!p1 $0x0  }
0x14: {  	s2 =	sld [smem:$0x3F96];
	s0 =	simm.s32 @p1 $0x1  }
0x15: {  	[smem:$0x3FB3] =	sst s0;
	s0 =	simm.s32 @!p2 $0x0  }
0x16: {  	s3 =	sld [smem:$0x3FDB];
	s0 =	simm.s32 @p2 $0x1  }
0x17: {  	s4 =	simm.s32 $0x1BF5;
	[smem:$0x3FB5] =	sst s0  }
0x18: {  	s0 =	sld [smem:$0x3F98];
	_ =	swait.ge [sflag:s4], $0x0  }
0x19: {  	s7 =	sld [smem:$0x3F99]  }
0x1a: {  	s8 =	sadd.s32 $0xFFFFE003, lr  }
0x1b: {  	s9 =	sadd.s32 $0xFFFFFEF7, lr;
	s5 =	simm.s32 $0xFFFFFFFF;
	p2 =	slt.u32 s8, $0xFFFFF086  }
0x1c: {  	p1 =	slt.u32 s9, $0xF7A;
	s5 =	simm.s32 @!p2 $0x0  }
0x1d: {  	s5 =	simm.s32 @p1 $0x1;
	p0 =	seq.s32 s7, s2  }
0x1e: {  	s7 =	smul.u32 @!p0 $0xF7A, s2;
	p2 =	seq.s32 @!p0 s5, $0x0  }
0x1f: {  	s9 =	smul.u32 $0xF7A, s1;
	s8 =	simm.s32 @!p0 $0x1BF5;
	p2 =	por !p2, p0  }
0x20: {  	[sflag:s8] =	ssyncset.s32 @!p0 $0xFFFFF086;
	s6 =	sadd.s32 @!p0 s3, s7;
	s7 =	simm.s32 @!p0 $0x108  }
0x21: {  	s3 =	sadd.s32 s3, s9;
	s6 =	sadd.s32 @!p0 $0x88, s6;
	s7 =	simm.s32 @p2 $0x1082  }
0x22: {  	[simem:s7], [sflag:s8] =	dma.local @!p0 [hbm:s6], $0xF7A  }
0x23: {  	s9 =	sor.u32 $0xD0000000, s2;
	s6 =	simm.s32 $0x108;
	_ =	swait.ge @!p0 [sflag:s8], $0x0  }
0x24: {  	s3 =	sadd.s32 $0x88, s3;
	s6 =	simm.s32 @!p1 $0x1082;
	[sflag:s4] =	ssyncset.s32 $0xFFFFF086  }
0x25: {  	[simem:s6], [sflag:s4] =	dma.local [hbm:s3], $0xF7A  }
0x26: {  	[smem:$0x3F99] =	sst s1;
	(tag) =	ssettag s2;
	_ =	strace s9  }
0x27: {  	s1 =	sld [smem:$0x3FA9]  }
0x28: {  	s2 =	sld [smem:$0x3FAA]  }
0x29: {  	s4 =	sld [smem:$0x3FAC]  }
0x2a: {  	p0 =	seq.s32 s5, $0x0;
	s5 =	sld [smem:$0x3FAD]  }
0x2b: {  	s6 =	sld [smem:$0x3FAE]  }
0x2c: {  	s7 =	sld [smem:$0x3FAF]  }
0x2d: {  	s3 =	simm.s32 $0x108;
	s8 =	sld [smem:$0x3FB0]  }
0x2e: {  	s3 =	simm.s32 @!p0 $0x1082;
	s9 =	sld [smem:$0x3FB1]  }
0x2f: {  	lr =	sadd.s32 s0, s3;
	s0 =	sld [smem:$0x3FA8]  }
0x30: {  	s3 =	sld [smem:$0x3FAB]  }
0x31: {  	[smem:$0x3FB4] =	sst s10  }
0x32: {  	s10 =	sld [smem:$0x3FB2];
	_ =	sdelay $0x3  }
0x33: {  	p0 =	seq.s32 s10, $0x1;
	s10 =	sld [smem:$0x3FB4];
	_ =	sdelay $0x3  }
0x34: {  	[smem:$0x3FB4] =	sst s10  }
0x35: {  	s10 =	sld [smem:$0x3FB3];
	_ =	sdelay $0x3  }
0x36: {  	p1 =	seq.s32 s10, $0x1;
	s10 =	sld [smem:$0x3FB4];
	_ =	sdelay $0x3  }
0x37: {  	[smem:$0x3FB4] =	sst s10  }
0x38: {  	s10 =	sld [smem:$0x3FB5]  }
0x39: {  	_ = 	snop;
	(pc) =	sbr.ind lr, $3  }
0x3a: {  	_ = 	snop  }
0x3b: {  	_ = 	snop  }
0x3c: {  	p2 =	seq.s32 s10, $0x1;
	s10 =	sld [smem:$0x3FB4]  }
0x3d: {  	_ =	shalt  }
0x3e: {  	_ =	shalt  }
0x3f: {  	_ =	shalt  }
0x40: {  	_ =	shalt  }
0x41: {  	_ =	shalt  }
0x42: {  	_ =	shalt  }
0x43: {  	_ =	shalt  }
0x44: {  	_ =	shalt  }
0x45: {  	_ =	shalt  }
0x46: {  	_ =	shalt  }
0x47: {  	_ =	shalt  }
0x48: {  	_ =	shalt  }
0x49: {  	_ =	shalt  }
0x4a: {  	_ =	shalt  }
0x4b: {  	_ =	shalt  }
0x4c: {  	_ =	shalt  }
0x4d: {  	_ =	shalt  }
0x4e: {  	_ =	shalt  }
0x4f: {  	_ =	shalt  }
0x50: {  	_ =	shalt  }
0x51: {  	_ =	shalt  }
0x52: {  	_ =	shalt  }
0x53: {  	_ =	shalt  }
0x54: {  	_ =	shalt  }
0x55: {  	_ =	shalt  }
0x56: {  	_ =	shalt  }
0x57: {  	_ =	shalt  }
0x58: {  	_ =	shalt  }
0x59: {  	_ =	shalt  }
0x5a: {  	_ =	shalt  }
0x5b: {  	_ =	shalt  }
0x5c: {  	_ =	shalt  }
0x5d: {  	_ =	shalt  }
0x5e: {  	_ =	shalt  }
0x5f: {  	_ =	shalt  }
0x60: {  	_ =	shalt  }
0x61: {  	_ =	shalt  }
0x62: {  	_ =	shalt  }
0x63: {  	_ =	shalt  }
0x64: {  	_ =	shalt  }
0x65: {  	_ =	shalt  }
0x66: {  	_ =	shalt  }
0x67: {  	_ =	shalt  }
0x68: {  	_ =	shalt  }
0x69: {  	_ =	shalt  }
0x6a: {  	_ =	shalt  }
0x6b: {  	_ =	shalt  }
0x6c: {  	_ =	shalt  }
0x6d: {  	_ =	shalt  }
0x6e: {  	_ =	shalt  }
0x6f: {  	_ =	shalt  }
0x70: {  	_ =	shalt  }
0x71: {  	_ =	shalt  }
0x72: {  	_ =	shalt  }
0x73: {  	_ =	shalt  }
0x74: {  	_ =	shalt  }
0x75: {  	_ =	shalt  }
0x76: {  	_ =	shalt  }
0x77: {  	_ =	shalt  }
0x78: {  	_ =	shalt  }
0x79: {  	_ =	shalt  }
0x7a: {  	_ =	shalt  }
0x7b: {  	_ =	shalt  }
0x7c: {  	_ =	shalt  }
0x7d: {  	_ =	shalt  }
0x7e: {  	_ =	shalt  }
0x7f: {  	_ =	shalt  }
0x80: {  	_ =	shalt  }
0x81: {  	_ =	shalt  }
0x82: {  	_ =	shalt  }
0x83: {  	_ =	shalt  }
0x84: {  	_ =	shalt  }
0x85: {  	_ =	shalt  }
0x86: {  	_ =	shalt  }
0x87: {  	_ =	shalt  }
.Lfunc_end0:
.L_simem_size_0:
called_computation_lowered:
.L_overlay_start_0:
0x88: {  	s2 =	sld [smem:$0x3FD9]  }
0x89: {  	s3 =	sld [smem:$0x3FFE];
	_ =	sdelay $0x1  }
0x8a: {  	s1 =	srdreg.scid  }
0x8b: {  	s0 =	sand.u32 $0x1, s1  }
0x8c: {  	s14 =	sshll.u32 s0, $0xA;
	s2 =	sadd.s32 s3, s2  }
0x8d: {  	s2 =	sadd.s32 s2, s14  }
0x8e: {  	[smem:$0x3FC0] =	sst s2  }
0x8f: {  	_ = 	snop  }
0x90: {  	s2 =	sld [smem:$0x3FD0];
	_ =	sdelay $0x2  }
0x91: {  	s15 =	simm.s32 $0xA;
	s4 =	simm.s32 $0x10  }
0x92: {  	[smem:s4], [sflag:s15] =	dma.local [hbm:s2], $0x1  }
0x93: {  	_ =	swait.eq [sflag:s15], $0x1  }
0x94: {  	[sflag:s15] =	ssyncset.done $0x0  }
0x95: {  	s16 =	sld [smem:$0x10];
	[sflag:s15] =	ssyncadd.s32 $0xFFFFFFFF  }
0x96: {  	s17 =	sld [smem:$0x13];
	(tm) =	ssettm $0x1  }
0x97: {  	s18 =	sld [smem:$0x3FFB];
	_ =	sdelay $0x3  }
0x98: {  	_ =	strace s18  }
0x99: {  	s4 =	sld [smem:$0x3FFC];
	_ =	sdelay $0x3  }
0x9a: {  	_ =	strace s4  }
0x9b: {  	s4 =	sld [smem:$0x3FFD];
	_ =	sdelay $0x3  }
0x9c: {  	_ =	strace s4  }
0x9d: {  	_ =	strace $0x8FFFFFFF  }
0x9e: {  	s19 =	sld [smem:$0x3FDB];
	_ =	sdelay $0x1  }
0x9f: {  	s5 =	simm.s32 $_scs_section_size  }
0xa0: {  	s6 =	simm.s32 $_size__tile_overlayer_lowered;
	s7 =	simm.s32 $_tile_overlayer_lowered  }
0xa1: {  	s22 =	simm.s32 $0x1BFF;
	s21 =	sshll.u32 s7, $0x1;
	s4 =	sadd.s32 s5, s19  }
0xa2: {  	s8 =	simm.s32 $0x0;
	s20 =	sshll.u32 s6, $0x1;
	s6 =	sadd.s32 s21, s4  }
0xa3: {  	[timem:s8], [sflag:s22] =	dma.local [hbm:s6], s20  }
0xa4: {  	_ =	swait.ge [sflag:s22], s20  }
0xa5: {  	s5 =	ssub.s32 $0x0, s20;
	[sflag:s22] =	ssyncset.done $0x0  }
0xa6: {  	[sflag:s22] =	ssyncadd.s32 s5;
	_ =	sdelay $0x1  }
0xa7: {  	s23 =	simm.s32 $0x1B8B  }
0xa8: {  	_ =	swait.ge [sflag:s23], $0x1  }
0xa9: {  	[sflag:s23] =	ssyncset.done $0x0  }
0xaa: {  	s25 =	simm.s32 $0x1B8E;
	s24 =	sld [smem:$0x3FFE];
	[sflag:s23] =	ssyncadd.s32 $0xFFFFFFFF  }
0xab: {  	s26 =	simm.s32 $execute0_lowered;
	[smem:$0x3FD2] =	sst s25  }
0xac: {  	s6 =	sshll.u32 s26, $0x1;
	_ =	strace $0x80000046;
	[dreg:$0x1] =	wrdreg $0xFFFFFFFF  }
0xad: {  	s28 =	simm.s32 $_size_execute0_lowered;
	s4 =	sadd.s32 s4, s6;
	[dreg:$0x0] =	wrdreg $0x0  }
0xae: {  	s6 =	sshll.u32 s28, $0x1;
	[dreg:$0x2] =	wrdreg s4  }
0xaf: {  	[dreg:$0x3] =	wrdreg s6  }
0xb0: {  	[dreg:$0x4] =	wrdreg $0xC0  }
0xb1: {  	_ =	task [dreg:s8], $0x5FFFF  }
0xb2: {  	[dreg:$0x1] =	wrdreg $0xFFFFFFFF  }
0xb3: {  	[dreg:$0x0] =	wrdreg $0x60  }
0xb4: {  	[dreg:$0x2] =	wrdreg s16  }
0xb5: {  	[dreg:$0x3] =	wrdreg s17  }
0xb6: {  	[dreg:$0x4] =	wrdreg s24  }
0xb7: {  	[dreg:$0x5] =	wrdreg $0x9  }
0xb8: {  	_ =	task.clear_ibuf [dreg:s8], $0x6FFFF;
	_ =	strace $0x90000046  }
0xb9: {  	s29 =	simm.s32 $0x9;
	_ =	strace $0x80000048  }
0xba: {  	_ =	swait.ge [sflag:s29], $0x1  }
0xbb: {  	[sflag:s29] =	ssyncadd.s32 $0xFFFFFFFF  }
0xbc: {  	_ =	strace $0x90000048  }
0xbd: {  	_ =	sfence  }
0xbe: {  	s30 =	sld [smem:$0x0];
	_ =	sdelay $0x2  }
0xbf: {  	s31 =	sshll.u32 s1, $0xD;
	s1 =	sshrl.u32 s1, $0x2  }
0xc0: {  	s3 =	sand.u32 $0x4000, s31;
	s1 =	sadd.s32 s1, s30  }
0xc1: {  	s0 =	sor.u32 s3, s0;
	s1 =	sshll.u32 s1, $0x11  }
0xc2: {  	s0 =	sor.u32 s1, s0  }
0xc3: {  	s0 =	sadd.s32 $0x8F2B, s0  }
0xc4: {  	[sflag:s0] =	ssyncadd.remote.s32 $0x1  }
0xc5: {  	_ =	sfence.sel $0xFFFF  }
0xc6: {  	[dreg:$0x0] =	wrdreg $0xFFFFFFFF;
	(pc) =	sbr.abs _section_cstart, $3  }
0xc7: {  	[dreg:$0x1] =	wrdreg $0xFFFFFFFF  }
0xc8: {  	_ =	task.clear_ibuf [dreg:s8], $0x2FFFF;
	_ =	strace $0x9FFFFFFF  }
0xc9: {  	(tm) =	ssettm $0x7FFFFFFF  }
tec
execute0_lowered:
.L_overlay_start_1:
0x0: {  	(tag) =	ssettag $0x1  }
0x1: {  	s3 =	rddreg [dreg:$0x0]  }
0x2: {  	s5 =	rddreg [dreg:$0x1]  }
0x3: {  	s7 =	rddreg [dreg:$0x2];
	s2 =	srdreg.scid  }
0x4: {  	s0 =	rddreg [dreg:$0x3];
	s1 =	stileid.u32;
	s16 =	sand.u32 $0x1, s2  }
0x5: {  	s2 =	simm.s32 $0x0;
	s4 =	sshll.u32 s1, $0x7;
	s6 =	sshll.u32 s16, $0x6  }
0x6: {  	[smem:$0x7FF] =	sst s2;
	s6 =	sor.u32 s6, s4  }
0x7: {  	_ =	strace $0x80000047;
	s4 =	simm.s32 $0x2;
	s3 =	sadd.s32 s3, s6  }
0x8: {  	[tilespmem:s2], [sflag:$0x2] =	stream.linear.gather [hbm4b:s3+s2], $0x200, $0x38;
	[tilespmem:$0x400] =	vst v63  }
0x9: {  	_ =	swait.ge [sflag:s4], $0x200  }
0xa: {  	[sflag:s4] =	ssyncset.done $0x0  }
0xb: {  	s5 =	sadd.s32 s5, s6;
	s6 =	simm.s32 $0x200;
	[sflag:s4] =	ssyncadd.s32 $0xFFFFFE00  }
0xc: {  	[tilespmem:s6], [sflag:$0x2] =	stream.linear.gather [hbm4b:s5+s2], $0x200, $0x38;
	[tilespmem:$0x400] =	vst v63  }
0xd: {  	_ =	swait.ge [sflag:s4], $0x200  }
0xe: {  	[sflag:s4] =	ssyncset.done $0x0  }
0xf: {  	s8 =	simm.s32 $0x50;
	s7 =	sadd.s32 $0x1A00, s7;
	[sflag:s4] =	ssyncadd.s32 $0xFFFFFE00  }
0x10: {  	[hbm4b:s7+s8] =	stream.indirect.scatter [tilespmem:s6], [sflag:$0x1], $0x1, s2, s8, $0xb8;
	[tilespmem:$0x400] =	vst v63  }
0x11: {  	s9 =	simm.s32 $0x80;
	s10 =	simm.s32 $0x280  }
0x12: {  	[hbm4b:s7+s8] =	stream.indirect.scatter [tilespmem:s10], [sflag:$0x1], $0x1, s9, s8, $0xb8;
	[tilespmem:$0x400] =	vst v63  }
0x13: {  	s11 =	simm.s32 $0x100;
	s12 =	simm.s32 $0x300  }
0x14: {  	[hbm4b:s7+s8] =	stream.indirect.scatter [tilespmem:s12], [sflag:$0x1], $0x1, s11, s8, $0xb8;
	[tilespmem:$0x400] =	vst v63  }
0x15: {  	s13 =	simm.s32 $0x180;
	s15 =	simm.s32 $0x380;
	s14 =	simm.s32 $0x1  }
0x16: {  	[hbm4b:s7+s8] =	stream.indirect.scatter [tilespmem:s15], [sflag:$0x1], $0x1, s13, s8, $0xb8;
	[tilespmem:$0x400] =	vst v63  }
0x17: {  	_ =	swait.ge [sflag:s14], $0x50  }
0x18: {  	s16 =	ssub.s32 $0x2, s16;
	[sflag:s14] =	ssyncset.done $0x0  }
0x19: {  	s17 =	sshrl.u32 s16, $0x1;
	[sflag:s14] =	ssyncadd.s32 $0xFFFFFFB0  }
0x1a: {  	s16 =	ssub.s32 s16, s17;
	_ =	swait.ge [sflag:s14], $0x50  }
0x1b: {  	s16 =	smax.u32 s16, $0x1;
	[sflag:s14] =	ssyncset.done $0x0  }
0x1c: {  	p0 =	sne.s32 s16, $0x1;
	[sflag:s14] =	ssyncadd.s32 $0xFFFFFFB0  }
.Ltmp0:
0x1d: {  	_ =	swait.ge [sflag:s14], $0x50;
	(pc) =	sbr.rel @!p0 .LBB2_2-.Ltmp0, $4  }
0x1e: {  	[sflag:s14] =	ssyncset.done $0x0  }
0x1f: {  	[sflag:s14] =	ssyncadd.s32 $0xFFFFFFB0  }
0x20: {  	_ =	swait.ge [sflag:s14], $0x50  }
0x21: {  	s16 =	sadd.s32 $0xFFFFFFFF, s16;
	[sflag:s14] =	ssyncset.done $0x0  }
.LBB2_1:
0x22: {  	p0 =	sne.s32 s16, $0x1;
	s16 =	sadd.s32 $0xFFFFFFFF, s16;
	[sflag:s14] =	ssyncadd.s32 $0xFFFFFFB0  }
0x23: {  	[tilespmem:s2], [sflag:$0x2] =	stream.linear.gather [hbm4b:s3+s2], $0x200, $0x38;
	[tilespmem:$0x400] =	vst v63  }
0x24: {  	_ =	swait.ge [sflag:s4], $0x200  }
0x25: {  	[sflag:s4] =	ssyncset.done $0x0  }
0x26: {  	[sflag:s4] =	ssyncadd.s32 $0xFFFFFE00  }
0x27: {  	[tilespmem:s6], [sflag:$0x2] =	stream.linear.gather [hbm4b:s5+s2], $0x200, $0x38;
	[tilespmem:$0x400] =	vst v63  }
0x28: {  	_ =	swait.ge [sflag:s4], $0x200  }
0x29: {  	[sflag:s4] =	ssyncset.done $0x0  }
0x2a: {  	[sflag:s4] =	ssyncadd.s32 $0xFFFFFE00  }
0x2b: {  	[hbm4b:s7+s8] =	stream.indirect.scatter [tilespmem:s6], [sflag:$0x1], $0x1, s2, s8, $0xb8;
	[tilespmem:$0x400] =	vst v63  }
0x2c: {  	_ = 	snop  }
0x2d: {  	[hbm4b:s7+s8] =	stream.indirect.scatter [tilespmem:s10], [sflag:$0x1], $0x1, s9, s8, $0xb8;
	[tilespmem:$0x400] =	vst v63  }
0x2e: {  	_ = 	snop  }
0x2f: {  	[hbm4b:s7+s8] =	stream.indirect.scatter [tilespmem:s12], [sflag:$0x1], $0x1, s11, s8, $0xb8;
	[tilespmem:$0x400] =	vst v63  }
0x30: {  	_ = 	snop  }
0x31: {  	[hbm4b:s7+s8] =	stream.indirect.scatter [tilespmem:s15], [sflag:$0x1], $0x1, s13, s8, $0xb8;
	[tilespmem:$0x400] =	vst v63  }
0x32: {  	_ =	swait.ge [sflag:s14], $0x50  }
0x33: {  	[sflag:s14] =	ssyncset.done $0x0  }
0x34: {  	[sflag:s14] =	ssyncadd.s32 $0xFFFFFFB0  }
0x35: {  	_ =	swait.ge [sflag:s14], $0x50  }
0x36: {  	[sflag:s14] =	ssyncset.done $0x0  }
0x37: {  	[sflag:s14] =	ssyncadd.s32 $0xFFFFFFB0  }
.Ltmp1:
0x38: {  	_ =	swait.ge [sflag:s14], $0x50;
	(pc) =	sbr.rel @p0 .LBB2_1-.Ltmp1, $4  }
0x39: {  	[sflag:s14] =	ssyncset.done $0x0  }
0x3a: {  	[sflag:s14] =	ssyncadd.s32 $0xFFFFFFB0  }
0x3b: {  	_ =	swait.ge [sflag:s14], $0x50  }
0x3c: {  	[sflag:s14] =	ssyncset.done $0x0  }
.LBB2_2:
0x3d: {  	[sflag:s14] =	ssyncadd.s32 $0xFFFFFFB0  }
0x3e: {  	_ =	sfence.sel $0x180000  }
0x3f: {  	[bflag:$0x0] =	sbarrier.arrive $0xFFFF  }
0x40: {  	p0 =	sne.s32 s1, $0x0;
	_ =	strace $0x90000047  }
0x41: {  	s0 =	sadd.s32 @!p0 $0x100000, s0;
	[bflag:$0x2] =	sbarrier.arrive $0xFFFF  }
0x42: {  	[sflag:s0] =	ssyncadd.tile.s32 @!p0 $0x1;
	_ =	shalt  }
.Lfunc_end2:
_tile_overlayer_lowered:
.L_overlay_start_2:
0x43: {  	(tag) =	ssettag $0x2  }
0x44: {  	s0 =	rddreg [dreg:$0x0];
	s2 =	stileid.u32  }
0x45: {  	s1 =	rddreg [dreg:$0x1];
	p0 =	sne.s32 s2, $0x0  }
0x46: {  	s3 =	rddreg [dreg:$0x2];
	[bflag:$0x3] =	sbarrier.arrive $0xFFFF;
	s2 =	simm.s32 @!p0 $0x1C02  }
0x47: {  	[timem:s3], [sflag:s2] =	dma.local @!p0 [hbm:s0], s1  }
0x48: {  	s0 =	simm.s32 @!p0 $0x2  }
0x49: {  	_ =	swait.ge @!p0 [sflag:s0], s1  }
0x4a: {  	s1 =	ssub.s32 @!p0 $0x0, s1;
	[sflag:s0] =	ssyncset.done @!p0 $0x0  }
0x4b: {  	[sflag:s0] =	ssyncadd.s32 @!p0 s1  }
0x4c: {  	[bflag:$0x3] =	sbarrier.arrive $0xFFFF  }
0x4d: {  	_ =	shalt  }

</sc_bundles>
